<compile_context>
chip_gen: v7x
topology: tpu7x:2x2x1
jax: 0.10.2.dev20260603
libtpu: 0.0.44.dev20260713+nightly
codegen_flags: <defaults>
</compile_context>

<pallas_src>
import functools

import jax
import jax.numpy as jnp
from jax import lax
from jax.experimental import pallas as pl
from jax.experimental.pallas import tpu as pltpu
from jax.experimental.pallas import tpu_sc as plsc

MAX_LEN = 240
N_HID = 64
B_TOTAL = 4096 * 200
NC, NS, L = 2, 16, 16
NW = NC * NS
B_PER_W = B_TOTAL // NW
C = 512
G = B_PER_W // C
CHUNKS = C // L
DBATCH = 8


def _sc_gather(idx_flat, table_flat):
    mesh = plsc.VectorSubcoreMesh(
        core_axis_name="c", subcore_axis_name="s",
        num_cores=NC, num_subcores=NS,
    )

    @functools.partial(
        pl.kernel,
        out_type=jax.ShapeDtypeStruct((B_TOTAL * N_HID,), jnp.float32),
        mesh=mesh,
        compiler_params=pltpu.CompilerParams(needs_layout_passes=False),
        scratch_types=[
            pltpu.VMEM((MAX_LEN * N_HID,), jnp.float32),
            pltpu.VMEM((C,), jnp.int32),
            pltpu.VMEM((C * N_HID,), jnp.float32),
            pltpu.VMEM((C * N_HID,), jnp.float32),
            pltpu.SemaphoreType.DMA,
            pltpu.SemaphoreType.DMA,
        ],
    )
    def k(idx_hbm, table_hbm, out_hbm, table_v, idx_v, rows0, rows1, s0, s1):
        wid = lax.axis_index("s") * NC + lax.axis_index("c")
        base = wid * B_PER_W
        pltpu.sync_copy(table_hbm, table_v)
        lane = jax.lax.iota(jnp.int32, L)
        bufs = (rows0, rows1)
        sems = (s0, s1)

        def fill(gg, rows_v):
            gbase = base + gg * C
            pltpu.sync_copy(idx_hbm.at[pl.ds(gbase, C)], idx_v)

            @pl.loop(0, CHUNKS)
            def chunk(c):
                rows16 = idx_v[pl.ds(c * L, L)]
                src = rows16 * N_HID
                dst = (lane + c * L) * N_HID
                for d0 in range(0, N_HID, DBATCH):
                    vals = [plsc.load_gather(table_v, [src + (d0 + i)])
                            for i in range(DBATCH)]
                    for i in range(DBATCH):
                        plsc.store_scatter(rows_v, [dst + (d0 + i)], vals[i])

        def out_slice(gg):
            return out_hbm.at[pl.ds((base + gg * C) * N_HID, C * N_HID)]

        for b in range(2):
            fill(b, bufs[b])
            pltpu.async_copy(bufs[b], out_slice(b), sems[b])

        @pl.loop(2, G, step=2)
        def group(g):
            for b in range(2):
                gg = g + b
                pltpu.make_async_copy(bufs[b], out_slice(gg - 2), sems[b]).wait()
                fill(gg, bufs[b])
                pltpu.async_copy(bufs[b], out_slice(gg), sems[b])

        for b in range(2):
            pltpu.make_async_copy(bufs[b], out_slice(G - 2 + b), sems[b]).wait()

    return k(idx_flat, table_flat)


def kernel(t, emb_weight):
    idx_flat = t.astype(jnp.int32).reshape(-1)
    out = _sc_gather(idx_flat, emb_weight.reshape(-1))
    return out.reshape(t.shape[0], t.shape[1], N_HID)

# --- scband reference (transcript-rebuilt; emitter-appended) ---
"""Pipeline reference for scband-rel-encoding-33200097198754 (READ-ONLY COPY).

The authoritative reference and input builder live on the scoring server;
editing this copy changes nothing except your own understanding.
"""

import jax, jax.numpy as jnp
import numpy as np

MAX_LEN = 240
N_HID = 64

def setup_inputs(seed: int = 0) -> dict:
    key = jax.random.key(seed)
    k_t, k_w = jax.random.split(key)
    t = jax.random.randint(k_t, (4096, 200), 0, MAX_LEN, dtype=jnp.int64 if jax.config.jax_enable_x64 else jnp.int32)
    # emb.weight.data.uniform_(-0.1, 0.1)
    emb_weight = jax.random.uniform(k_w, (MAX_LEN, N_HID), dtype=jnp.float32, minval=-0.1, maxval=0.1)
    return {"t": t, "emb_weight": emb_weight}

def reference(t, emb_weight):
    # nn.Embedding lookup: gather rows of the table by index.
    # Dropout is identity in eval/reference mode.
    out = jnp.take(emb_weight, t, axis=0)
    return out

if __name__ == "__main__":
    import jax
    _d = setup_inputs()
    print(jax.jit(kernel)(*tuple(_d.values())))

</pallas_src>

<mosaic_0001>
#map = affine_map<(d0, d1) -> (0)>
module attributes {stable_mosaic.version = 14 : i64} {
  func.func @k(%arg0: i32, %arg1: i32, %arg2: memref<819200xi32, #tpu.memory_space<hbm>>, %arg3: memref<15360xf32, #tpu.memory_space<hbm>>, %arg4: memref<52428800xf32, #tpu.memory_space<hbm>>, %arg5: memref<15360xf32, #tpu.memory_space<vmem>>, %arg6: memref<512xi32, #tpu.memory_space<vmem>>, %arg7: memref<32768xf32, #tpu.memory_space<vmem>>, %arg8: memref<32768xf32, #tpu.memory_space<vmem>>, %arg9: memref<!tpu.dma_semaphore, #tpu.memory_space<semaphore_mem>>, %arg10: memref<!tpu.dma_semaphore, #tpu.memory_space<semaphore_mem>>) attributes {dimension_semantics = [#tpu.dimension_semantics<core_parallel>, #tpu.dimension_semantics<subcore_parallel>], iteration_bounds = array<i64: 2, 16>, scalar_prefetch = 0 : i64, scratch_operands = 6 : i64, tpu.core_type = #tpu.core_type<sc_vector_subcore>, window_params = [{transform_indices = #map}, {transform_indices = #map}, {transform_indices = #map}]} {
    %mul3A = arith.constant 2 : i32
    %mul3A_0 = arith.muli %arg1, %mul3A : i32
    %add3A = arith.addi %mul3A_0, %arg0 : i32
    %mul3A_1 = arith.constant 25600 : i32
    %mul3A_2 = arith.muli %add3A, %mul3A_1 : i32
    "tpu.region"() ({
      %run_scoped3A = tpu.sem_alloc : memref<!tpu.dma_semaphore, #tpu.memory_space<semaphore_mem>>
      tpu.enqueue_dma source(%arg3 : memref<15360xf32, #tpu.memory_space<hbm>>) target(%arg5 : memref<15360xf32, #tpu.memory_space<vmem>>) target_semaphore(%run_scoped3A : memref<!tpu.dma_semaphore, #tpu.memory_space<semaphore_mem>>)
      tpu.wait_dma2 semaphore(%run_scoped3A : memref<!tpu.dma_semaphore, #tpu.memory_space<semaphore_mem>>) src(%arg3 : memref<15360xf32, #tpu.memory_space<hbm>>) dst(%arg5 : memref<15360xf32, #tpu.memory_space<vmem>>)
      tpu.yield
    }) : () -> ()
    %iota3A = tpu.iota {dimensions = array<i32: 0>} : vector<16xi32>
    %add3A_3 = arith.constant 0 : i32
    %add3A_4 = arith.addi %mul3A_2, %add3A_3 : i32
    "tpu.region"() ({
      %run_scoped3A = tpu.sem_alloc : memref<!tpu.dma_semaphore, #tpu.memory_space<semaphore_mem>>
      %dma_start3A_43 = tpu.memref_slice %arg2[%add3A_4] : memref<819200xi32, #tpu.memory_space<hbm>> -> memref<512xi32, #tpu.memory_space<hbm>>
      %dma_start3A_44 = tpu.memref_slice %arg2[%add3A_4] : memref<819200xi32, #tpu.memory_space<hbm>> -> memref<512xi32, #tpu.memory_space<hbm>>
      tpu.enqueue_dma source(%dma_start3A_44 : memref<512xi32, #tpu.memory_space<hbm>>) target(%arg6 : memref<512xi32, #tpu.memory_space<vmem>>) target_semaphore(%run_scoped3A : memref<!tpu.dma_semaphore, #tpu.memory_space<semaphore_mem>>)
      %dma_wait3A_45 = tpu.memref_slice %arg2[%add3A_4] : memref<819200xi32, #tpu.memory_space<hbm>> -> memref<512xi32, #tpu.memory_space<hbm>>
      %dma_wait3A_46 = tpu.memref_slice %arg2[%add3A_4] : memref<819200xi32, #tpu.memory_space<hbm>> -> memref<512xi32, #tpu.memory_space<hbm>>
      tpu.wait_dma2 semaphore(%run_scoped3A : memref<!tpu.dma_semaphore, #tpu.memory_space<semaphore_mem>>) src(%dma_wait3A_46 : memref<512xi32, #tpu.memory_space<hbm>>) dst(%arg6 : memref<512xi32, #tpu.memory_space<vmem>>)
      tpu.yield
    }) : () -> ()
    %scan3A = arith.constant 0 : i32
    %scan3A_5 = arith.constant 32 : i32
    %scan3A_6 = arith.addi %scan3A, %scan3A_5 : i32
    %scan3A_7 = arith.constant 1 : i32
    scf.for %scan3A_43 = %scan3A to %scan3A_6 step %scan3A_7  : i32 {
      %mul3A_44 = arith.constant 1 : i32
      %mul3A_45 = arith.muli %scan3A_43, %mul3A_44 : i32
      %add3A_46 = arith.constant 0 : i32
      %add3A_47 = arith.addi %add3A_46, %mul3A_45 : i32
      %mul3A_48 = arith.constant 16 : i32
      %mul3A_49 = arith.muli %add3A_47, %mul3A_48 : i32
      %get3A = arith.index_cast %mul3A_49 : i32 to index
      %get3A_50 = tpu.vector_load %arg6[%get3A] {strides = array<i32>} : memref<512xi32, #tpu.memory_space<vmem>>, vector<16xi32>,
      %mul3A_51 = arith.constant 64 : i32
      %mul3A_52 = vector.broadcast %mul3A_51 : i32 to vector<16xi32>
      %mul3A_53 = arith.muli %get3A_50, %mul3A_52 : vector<16xi32>
      %mul3A_54 = arith.constant 16 : i32
      %mul3A_55 = arith.muli %add3A_47, %mul3A_54 : i32
      %add3A_56 = vector.broadcast %mul3A_55 : i32 to vector<16xi32>
      %add3A_57 = arith.addi %iota3A, %add3A_56 : vector<16xi32>
      %mul3A_58 = arith.constant 64 : i32
      %mul3A_59 = vector.broadcast %mul3A_58 : i32 to vector<16xi32>
      %mul3A_60 = arith.muli %add3A_57, %mul3A_59 : vector<16xi32>
      %add3A_61 = arith.constant 0 : i32
      %add3A_62 = vector.broadcast %add3A_61 : i32 to vector<16xi32>
      %add3A_63 = arith.addi %mul3A_53, %add3A_62 : vector<16xi32>
      %gather3A = tpu.vector_load_idx %arg5[%add3A_63] : memref<15360xf32, #tpu.memory_space<vmem>>[vector<16xi32>], vector<16xf32>,
      %add3A_64 = arith.constant 1 : i32
      %add3A_65 = vector.broadcast %add3A_64 : i32 to vector<16xi32>
      %add3A_66 = arith.addi %mul3A_53, %add3A_65 : vector<16xi32>
      %gather3A_67 = tpu.vector_load_idx %arg5[%add3A_66] : memref<15360xf32, #tpu.memory_space<vmem>>[vector<16xi32>], vector<16xf32>,
      %add3A_68 = arith.constant 2 : i32
      %add3A_69 = vector.broadcast %add3A_68 : i32 to vector<16xi32>
      %add3A_70 = arith.addi %mul3A_53, %add3A_69 : vector<16xi32>
      %gather3A_71 = tpu.vector_load_idx %arg5[%add3A_70] : memref<15360xf32, #tpu.memory_space<vmem>>[vector<16xi32>], vector<16xf32>,
      %add3A_72 = arith.constant 3 : i32
      %add3A_73 = vector.broadcast %add3A_72 : i32 to vector<16xi32>
      %add3A_74 = arith.addi %mul3A_53, %add3A_73 : vector<16xi32>
      %gather3A_75 = tpu.vector_load_idx %arg5[%add3A_74] : memref<15360xf32, #tpu.memory_space<vmem>>[vector<16xi32>], vector<16xf32>,
      %add3A_76 = arith.constant 4 : i32
      %add3A_77 = vector.broadcast %add3A_76 : i32 to vector<16xi32>
      %add3A_78 = arith.addi %mul3A_53, %add3A_77 : vector<16xi32>
      %gather3A_79 = tpu.vector_load_idx %arg5[%add3A_78] : memref<15360xf32, #tpu.memory_space<vmem>>[vector<16xi32>], vector<16xf32>,
      %add3A_80 = arith.constant 5 : i32
      %add3A_81 = vector.broadcast %add3A_80 : i32 to vector<16xi32>
      %add3A_82 = arith.addi %mul3A_53, %add3A_81 : vector<16xi32>
      %gather3A_83 = tpu.vector_load_idx %arg5[%add3A_82] : memref<15360xf32, #tpu.memory_space<vmem>>[vector<16xi32>], vector<16xf32>,
      %add3A_84 = arith.constant 6 : i32
      %add3A_85 = vector.broadcast %add3A_84 : i32 to vector<16xi32>
      %add3A_86 = arith.addi %mul3A_53, %add3A_85 : vector<16xi32>
      %gather3A_87 = tpu.vector_load_idx %arg5[%add3A_86] : memref<15360xf32, #tpu.memory_space<vmem>>[vector<16xi32>], vector<16xf32>,
      %add3A_88 = arith.constant 7 : i32
      %add3A_89 = vector.broadcast %add3A_88 : i32 to vector<16xi32>
      %add3A_90 = arith.addi %mul3A_53, %add3A_89 : vector<16xi32>
      %gather3A_91 = tpu.vector_load_idx %arg5[%add3A_90] : memref<15360xf32, #tpu.memory_space<vmem>>[vector<16xi32>], vector<16xf32>,
      %add3A_92 = arith.constant 0 : i32
      %add3A_93 = vector.broadcast %add3A_92 : i32 to vector<16xi32>
      %add3A_94 = arith.addi %mul3A_60, %add3A_93 : vector<16xi32>
      tpu.vector_store_idx %arg7[%add3A_94], %gather3A : memref<32768xf32, #tpu.memory_space<vmem>>[vector<16xi32>], vector<16xf32>,
      %add3A_95 = arith.constant 1 : i32
      %add3A_96 = vector.broadcast %add3A_95 : i32 to vector<16xi32>
      %add3A_97 = arith.addi %mul3A_60, %add3A_96 : vector<16xi32>
      tpu.vector_store_idx %arg7[%add3A_97], %gather3A_67 : memref<32768xf32, #tpu.memory_space<vmem>>[vector<16xi32>], vector<16xf32>,
      %add3A_98 = arith.constant 2 : i32
      %add3A_99 = vector.broadcast %add3A_98 : i32 to vector<16xi32>
      %add3A_100 = arith.addi %mul3A_60, %add3A_99 : vector<16xi32>
      tpu.vector_store_idx %arg7[%add3A_100], %gather3A_71 : memref<32768xf32, #tpu.memory_space<vmem>>[vector<16xi32>], vector<16xf32>,
      %add3A_101 = arith.constant 3 : i32
      %add3A_102 = vector.broadcast %add3A_101 : i32 to vector<16xi32>
      %add3A_103 = arith.addi %mul3A_60, %add3A_102 : vector<16xi32>
      tpu.vector_store_idx %arg7[%add3A_103], %gather3A_75 : memref<32768xf32, #tpu.memory_space<vmem>>[vector<16xi32>], vector<16xf32>,
      %add3A_104 = arith.constant 4 : i32
      %add3A_105 = vector.broadcast %add3A_104 : i32 to vector<16xi32>
      %add3A_106 = arith.addi %mul3A_60, %add3A_105 : vector<16xi32>
      tpu.vector_store_idx %arg7[%add3A_106], %gather3A_79 : memref<32768xf32, #tpu.memory_space<vmem>>[vector<16xi32>], vector<16xf32>,
      %add3A_107 = arith.constant 5 : i32
      %add3A_108 = vector.broadcast %add3A_107 : i32 to vector<16xi32>
      %add3A_109 = arith.addi %mul3A_60, %add3A_108 : vector<16xi32>
      tpu.vector_store_idx %arg7[%add3A_109], %gather3A_83 : memref<32768xf32, #tpu.memory_space<vmem>>[vector<16xi32>], vector<16xf32>,
      %add3A_110 = arith.constant 6 : i32
      %add3A_111 = vector.broadcast %add3A_110 : i32 to vector<16xi32>
      %add3A_112 = arith.addi %mul3A_60, %add3A_111 : vector<16xi32>
      tpu.vector_store_idx %arg7[%add3A_112], %gather3A_87 : memref<32768xf32, #tpu.memory_space<vmem>>[vector<16xi32>], vector<16xf32>,
      %add3A_113 = arith.constant 7 : i32
      %add3A_114 = vector.broadcast %add3A_113 : i32 to vector<16xi32>
      %add3A_115 = arith.addi %mul3A_60, %add3A_114 : vector<16xi32>
      tpu.vector_store_idx %arg7[%add3A_115], %gather3A_91 : memref<32768xf32, #tpu.memory_space<vmem>>[vector<16xi32>], vector<16xf32>,
      %add3A_116 = arith.constant 8 : i32
      %add3A_117 = vector.broadcast %add3A_116 : i32 to vector<16xi32>
      %add3A_118 = arith.addi %mul3A_53, %add3A_117 : vector<16xi32>
      %gather3A_119 = tpu.vector_load_idx %arg5[%add3A_118] : memref<15360xf32, #tpu.memory_space<vmem>>[vector<16xi32>], vector<16xf32>,
      %add3A_120 = arith.constant 9 : i32
      %add3A_121 = vector.broadcast %add3A_120 : i32 to vector<16xi32>
      %add3A_122 = arith.addi %mul3A_53, %add3A_121 : vector<16xi32>
      %gather3A_123 = tpu.vector_load_idx %arg5[%add3A_122] : memref<15360xf32, #tpu.memory_space<vmem>>[vector<16xi32>], vector<16xf32>,
      %add3A_124 = arith.constant 10 : i32
      %add3A_125 = vector.broadcast %add3A_124 : i32 to vector<16xi32>
      %add3A_126 = arith.addi %mul3A_53, %add3A_125 : vector<16xi32>
      %gather3A_127 = tpu.vector_load_idx %arg5[%add3A_126] : memref<15360xf32, #tpu.memory_space<vmem>>[vector<16xi32>], vector<16xf32>,
      %add3A_128 = arith.constant 11 : i32
      %add3A_129 = vector.broadcast %add3A_128 : i32 to vector<16xi32>
      %add3A_130 = arith.addi %mul3A_53, %add3A_129 : vector<16xi32>
      %gather3A_131 = tpu.vector_load_idx %arg5[%add3A_130] : memref<15360xf32, #tpu.memory_space<vmem>>[vector<16xi32>], vector<16xf32>,
      %add3A_132 = arith.constant 12 : i32
      %add3A_133 = vector.broadcast %add3A_132 : i32 to vector<16xi32>
      %add3A_134 = arith.addi %mul3A_53, %add3A_133 : vector<16xi32>
      %gather3A_135 = tpu.vector_load_idx %arg5[%add3A_134] : memref<15360xf32, #tpu.memory_space<vmem>>[vector<16xi32>], vector<16xf32>,
      %add3A_136 = arith.constant 13 : i32
      %add3A_137 = vector.broadcast %add3A_136 : i32 to vector<16xi32>
      %add3A_138 = arith.addi %mul3A_53, %add3A_137 : vector<16xi32>
      %gather3A_139 = tpu.vector_load_idx %arg5[%add3A_138] : memref<15360xf32, #tpu.memory_space<vmem>>[vector<16xi32>], vector<16xf32>,
      %add3A_140 = arith.constant 14 : i32
      %add3A_141 = vector.broadcast %add3A_140 : i32 to vector<16xi32>
      %add3A_142 = arith.addi %mul3A_53, %add3A_141 : vector<16xi32>
      %gather3A_143 = tpu.vector_load_idx %arg5[%add3A_142] : memref<15360xf32, #tpu.memory_space<vmem>>[vector<16xi32>], vector<16xf32>,
      %add3A_144 = arith.constant 15 : i32
      %add3A_145 = vector.broadcast %add3A_144 : i32 to vector<16xi32>
      %add3A_146 = arith.addi %mul3A_53, %add3A_145 : vector<16xi32>
      %gather3A_147 = tpu.vector_load_idx %arg5[%add3A_146] : memref<15360xf32, #tpu.memory_space<vmem>>[vector<16xi32>], vector<16xf32>,
      %add3A_148 = arith.constant 8 : i32
      %add3A_149 = vector.broadcast %add3A_148 : i32 to vector<16xi32>
      %add3A_150 = arith.addi %mul3A_60, %add3A_149 : vector<16xi32>
      tpu.vector_store_idx %arg7[%add3A_150], %gather3A_119 : memref<32768xf32, #tpu.memory_space<vmem>>[vector<16xi32>], vector<16xf32>,
      %add3A_151 = arith.constant 9 : i32
      %add3A_152 = vector.broadcast %add3A_151 : i32 to vector<16xi32>
      %add3A_153 = arith.addi %mul3A_60, %add3A_152 : vector<16xi32>
      tpu.vector_store_idx %arg7[%add3A_153], %gather3A_123 : memref<32768xf32, #tpu.memory_space<vmem>>[vector<16xi32>], vector<16xf32>,
      %add3A_154 = arith.constant 10 : i32
      %add3A_155 = vector.broadcast %add3A_154 : i32 to vector<16xi32>
      %add3A_156 = arith.addi %mul3A_60, %add3A_155 : vector<16xi32>
      tpu.vector_store_idx %arg7[%add3A_156], %gather3A_127 : memref<32768xf32, #tpu.memory_space<vmem>>[vector<16xi32>], vector<16xf32>,
      %add3A_157 = arith.constant 11 : i32
      %add3A_158 = vector.broadcast %add3A_157 : i32 to vector<16xi32>
      %add3A_159 = arith.addi %mul3A_60, %add3A_158 : vector<16xi32>
      tpu.vector_store_idx %arg7[%add3A_159], %gather3A_131 : memref<32768xf32, #tpu.memory_space<vmem>>[vector<16xi32>], vector<16xf32>,
      %add3A_160 = arith.constant 12 : i32
      %add3A_161 = vector.broadcast %add3A_160 : i32 to vector<16xi32>
      %add3A_162 = arith.addi %mul3A_60, %add3A_161 : vector<16xi32>
      tpu.vector_store_idx %arg7[%add3A_162], %gather3A_135 : memref<32768xf32, #tpu.memory_space<vmem>>[vector<16xi32>], vector<16xf32>,
      %add3A_163 = arith.constant 13 : i32
      %add3A_164 = vector.broadcast %add3A_163 : i32 to vector<16xi32>
      %add3A_165 = arith.addi %mul3A_60, %add3A_164 : vector<16xi32>
      tpu.vector_store_idx %arg7[%add3A_165], %gather3A_139 : memref<32768xf32, #tpu.memory_space<vmem>>[vector<16xi32>], vector<16xf32>,
      %add3A_166 = arith.constant 14 : i32
      %add3A_167 = vector.broadcast %add3A_166 : i32 to vector<16xi32>
      %add3A_168 = arith.addi %mul3A_60, %add3A_167 : vector<16xi32>
      tpu.vector_store_idx %arg7[%add3A_168], %gather3A_143 : memref<32768xf32, #tpu.memory_space<vmem>>[vector<16xi32>], vector<16xf32>,
      %add3A_169 = arith.constant 15 : i32
      %add3A_170 = vector.broadcast %add3A_169 : i32 to vector<16xi32>
      %add3A_171 = arith.addi %mul3A_60, %add3A_170 : vector<16xi32>
      tpu.vector_store_idx %arg7[%add3A_171], %gather3A_147 : memref<32768xf32, #tpu.memory_space<vmem>>[vector<16xi32>], vector<16xf32>,
      %add3A_172 = arith.constant 16 : i32
      %add3A_173 = vector.broadcast %add3A_172 : i32 to vector<16xi32>
      %add3A_174 = arith.addi %mul3A_53, %add3A_173 : vector<16xi32>
      %gather3A_175 = tpu.vector_load_idx %arg5[%add3A_174] : memref<15360xf32, #tpu.memory_space<vmem>>[vector<16xi32>], vector<16xf32>,
      %add3A_176 = arith.constant 17 : i32
      %add3A_177 = vector.broadcast %add3A_176 : i32 to vector<16xi32>
      %add3A_178 = arith.addi %mul3A_53, %add3A_177 : vector<16xi32>
      %gather3A_179 = tpu.vector_load_idx %arg5[%add3A_178] : memref<15360xf32, #tpu.memory_space<vmem>>[vector<16xi32>], vector<16xf32>,
      %add3A_180 = arith.constant 18 : i32
      %add3A_181 = vector.broadcast %add3A_180 : i32 to vector<16xi32>
      %add3A_182 = arith.addi %mul3A_53, %add3A_181 : vector<16xi32>
      %gather3A_183 = tpu.vector_load_idx %arg5[%add3A_182] : memref<15360xf32, #tpu.memory_space<vmem>>[vector<16xi32>], vector<16xf32>,
      %add3A_184 = arith.constant 19 : i32
      %add3A_185 = vector.broadcast %add3A_184 : i32 to vector<16xi32>
      %add3A_186 = arith.addi %mul3A_53, %add3A_185 : vector<16xi32>
      %gather3A_187 = tpu.vector_load_idx %arg5[%add3A_186] : memref<15360xf32, #tpu.memory_space<vmem>>[vector<16xi32>], vector<16xf32>,
      %add3A_188 = arith.constant 20 : i32
      %add3A_189 = vector.broadcast %add3A_188 : i32 to vector<16xi32>
      %add3A_190 = arith.addi %mul3A_53, %add3A_189 : vector<16xi32>
      %gather3A_191 = tpu.vector_load_idx %arg5[%add3A_190] : memref<15360xf32, #tpu.memory_space<vmem>>[vector<16xi32>], vector<16xf32>,
      %add3A_192 = arith.constant 21 : i32
      %add3A_193 = vector.broadcast %add3A_192 : i32 to vector<16xi32>
      %add3A_194 = arith.addi %mul3A_53, %add3A_193 : vector<16xi32>
      %gather3A_195 = tpu.vector_load_idx %arg5[%add3A_194] : memref<15360xf32, #tpu.memory_space<vmem>>[vector<16xi32>], vector<16xf32>,
      %add3A_196 = arith.constant 22 : i32
      %add3A_197 = vector.broadcast %add3A_196 : i32 to vector<16xi32>
      %add3A_198 = arith.addi %mul3A_53, %add3A_197 : vector<16xi32>
      %gather3A_199 = tpu.vector_load_idx %arg5[%add3A_198] : memref<15360xf32, #tpu.memory_space<vmem>>[vector<16xi32>], vector<16xf32>,
      %add3A_200 = arith.constant 23 : i32
      %add3A_201 = vector.broadcast %add3A_200 : i32 to vector<16xi32>
      %add3A_202 = arith.addi %mul3A_53, %add3A_201 : vector<16xi32>
      %gather3A_203 = tpu.vector_load_idx %arg5[%add3A_202] : memref<15360xf32, #tpu.memory_space<vmem>>[vector<16xi32>], vector<16xf32>,
      %add3A_204 = arith.constant 16 : i32
      %add3A_205 = vector.broadcast %add3A_204 : i32 to vector<16xi32>
      %add3A_206 = arith.addi %mul3A_60, %add3A_205 : vector<16xi32>
      tpu.vector_store_idx %arg7[%add3A_206], %gather3A_175 : memref<32768xf32, #tpu.memory_space<vmem>>[vector<16xi32>], vector<16xf32>,
      %add3A_207 = arith.constant 17 : i32
      %add3A_208 = vector.broadcast %add3A_207 : i32 to vector<16xi32>
      %add3A_209 = arith.addi %mul3A_60, %add3A_208 : vector<16xi32>
      tpu.vector_store_idx %arg7[%add3A_209], %gather3A_179 : memref<32768xf32, #tpu.memory_space<vmem>>[vector<16xi32>], vector<16xf32>,
      %add3A_210 = arith.constant 18 : i32
      %add3A_211 = vector.broadcast %add3A_210 : i32 to vector<16xi32>
      %add3A_212 = arith.addi %mul3A_60, %add3A_211 : vector<16xi32>
      tpu.vector_store_idx %arg7[%add3A_212], %gather3A_183 : memref<32768xf32, #tpu.memory_space<vmem>>[vector<16xi32>], vector<16xf32>,
      %add3A_213 = arith.constant 19 : i32
      %add3A_214 = vector.broadcast %add3A_213 : i32 to vector<16xi32>
      %add3A_215 = arith.addi %mul3A_60, %add3A_214 : vector<16xi32>
      tpu.vector_store_idx %arg7[%add3A_215], %gather3A_187 : memref<32768xf32, #tpu.memory_space<vmem>>[vector<16xi32>], vector<16xf32>,
      %add3A_216 = arith.constant 20 : i32
      %add3A_217 = vector.broadcast %add3A_216 : i32 to vector<16xi32>
      %add3A_218 = arith.addi %mul3A_60, %add3A_217 : vector<16xi32>
      tpu.vector_store_idx %arg7[%add3A_218], %gather3A_191 : memref<32768xf32, #tpu.memory_space<vmem>>[vector<16xi32>], vector<16xf32>,
      %add3A_219 = arith.constant 21 : i32
      %add3A_220 = vector.broadcast %add3A_219 : i32 to vector<16xi32>
      %add3A_221 = arith.addi %mul3A_60, %add3A_220 : vector<16xi32>
      tpu.vector_store_idx %arg7[%add3A_221], %gather3A_195 : memref<32768xf32, #tpu.memory_space<vmem>>[vector<16xi32>], vector<16xf32>,
      %add3A_222 = arith.constant 22 : i32
      %add3A_223 = vector.broadcast %add3A_222 : i32 to vector<16xi32>
      %add3A_224 = arith.addi %mul3A_60, %add3A_223 : vector<16xi32>
      tpu.vector_store_idx %arg7[%add3A_224], %gather3A_199 : memref<32768xf32, #tpu.memory_space<vmem>>[vector<16xi32>], vector<16xf32>,
      %add3A_225 = arith.constant 23 : i32
      %add3A_226 = vector.broadcast %add3A_225 : i32 to vector<16xi32>
      %add3A_227 = arith.addi %mul3A_60, %add3A_226 : vector<16xi32>
      tpu.vector_store_idx %arg7[%add3A_227], %gather3A_203 : memref<32768xf32, #tpu.memory_space<vmem>>[vector<16xi32>], vector<16xf32>,
      %add3A_228 = arith.constant 24 : i32
      %add3A_229 = vector.broadcast %add3A_228 : i32 to vector<16xi32>
      %add3A_230 = arith.addi %mul3A_53, %add3A_229 : vector<16xi32>
      %gather3A_231 = tpu.vector_load_idx %arg5[%add3A_230] : memref<15360xf32, #tpu.memory_space<vmem>>[vector<16xi32>], vector<16xf32>,
      %add3A_232 = arith.constant 25 : i32
      %add3A_233 = vector.broadcast %add3A_232 : i32 to vector<16xi32>
      %add3A_234 = arith.addi %mul3A_53, %add3A_233 : vector<16xi32>
      %gather3A_235 = tpu.vector_load_idx %arg5[%add3A_234] : memref<15360xf32, #tpu.memory_space<vmem>>[vector<16xi32>], vector<16xf32>,
      %add3A_236 = arith.constant 26 : i32
      %add3A_237 = vector.broadcast %add3A_236 : i32 to vector<16xi32>
      %add3A_238 = arith.addi %mul3A_53, %add3A_237 : vector<16xi32>
      %gather3A_239 = tpu.vector_load_idx %arg5[%add3A_238] : memref<15360xf32, #tpu.memory_space<vmem>>[vector<16xi32>], vector<16xf32>,
      %add3A_240 = arith.constant 27 : i32
      %add3A_241 = vector.broadcast %add3A_240 : i32 to vector<16xi32>
      %add3A_242 = arith.addi %mul3A_53, %add3A_241 : vector<16xi32>
      %gather3A_243 = tpu.vector_load_idx %arg5[%add3A_242] : memref<15360xf32, #tpu.memory_space<vmem>>[vector<16xi32>], vector<16xf32>,
      %add3A_244 = arith.constant 28 : i32
      %add3A_245 = vector.broadcast %add3A_244 : i32 to vector<16xi32>
      %add3A_246 = arith.addi %mul3A_53, %add3A_245 : vector<16xi32>
      %gather3A_247 = tpu.vector_load_idx %arg5[%add3A_246] : memref<15360xf32, #tpu.memory_space<vmem>>[vector<16xi32>], vector<16xf32>,
      %add3A_248 = arith.constant 29 : i32
      %add3A_249 = vector.broadcast %add3A_248 : i32 to vector<16xi32>
      %add3A_250 = arith.addi %mul3A_53, %add3A_249 : vector<16xi32>
      %gather3A_251 = tpu.vector_load_idx %arg5[%add3A_250] : memref<15360xf32, #tpu.memory_space<vmem>>[vector<16xi32>], vector<16xf32>,
      %add3A_252 = arith.constant 30 : i32
      %add3A_253 = vector.broadcast %add3A_252 : i32 to vector<16xi32>
      %add3A_254 = arith.addi %mul3A_53, %add3A_253 : vector<16xi32>
      %gather3A_255 = tpu.vector_load_idx %arg5[%add3A_254] : memref<15360xf32, #tpu.memory_space<vmem>>[vector<16xi32>], vector<16xf32>,
      %add3A_256 = arith.constant 31 : i32
      %add3A_257 = vector.broadcast %add3A_256 : i32 to vector<16xi32>
      %add3A_258 = arith.addi %mul3A_53, %add3A_257 : vector<16xi32>
      %gather3A_259 = tpu.vector_load_idx %arg5[%add3A_258] : memref<15360xf32, #tpu.memory_space<vmem>>[vector<16xi32>], vector<16xf32>,
      %add3A_260 = arith.constant 24 : i32
      %add3A_261 = vector.broadcast %add3A_260 : i32 to vector<16xi32>
      %add3A_262 = arith.addi %mul3A_60, %add3A_261 : vector<16xi32>
      tpu.vector_store_idx %arg7[%add3A_262], %gather3A_231 : memref<32768xf32, #tpu.memory_space<vmem>>[vector<16xi32>], vector<16xf32>,
      %add3A_263 = arith.constant 25 : i32
      %add3A_264 = vector.broadcast %add3A_263 : i32 to vector<16xi32>
      %add3A_265 = arith.addi %mul3A_60, %add3A_264 : vector<16xi32>
      tpu.vector_store_idx %arg7[%add3A_265], %gather3A_235 : memref<32768xf32, #tpu.memory_space<vmem>>[vector<16xi32>], vector<16xf32>,
      %add3A_266 = arith.constant 26 : i32
      %add3A_267 = vector.broadcast %add3A_266 : i32 to vector<16xi32>
      %add3A_268 = arith.addi %mul3A_60, %add3A_267 : vector<16xi32>
      tpu.vector_store_idx %arg7[%add3A_268], %gather3A_239 : memref<32768xf32, #tpu.memory_space<vmem>>[vector<16xi32>], vector<16xf32>,
      %add3A_269 = arith.constant 27 : i32
      %add3A_270 = vector.broadcast %add3A_269 : i32 to vector<16xi32>
      %add3A_271 = arith.addi %mul3A_60, %add3A_270 : vector<16xi32>
      tpu.vector_store_idx %arg7[%add3A_271], %gather3A_243 : memref<32768xf32, #tpu.memory_space<vmem>>[vector<16xi32>], vector<16xf32>,
      %add3A_272 = arith.constant 28 : i32
      %add3A_273 = vector.broadcast %add3A_272 : i32 to vector<16xi32>
      %add3A_274 = arith.addi %mul3A_60, %add3A_273 : vector<16xi32>
      tpu.vector_store_idx %arg7[%add3A_274], %gather3A_247 : memref<32768xf32, #tpu.memory_space<vmem>>[vector<16xi32>], vector<16xf32>,
      %add3A_275 = arith.constant 29 : i32
      %add3A_276 = vector.broadcast %add3A_275 : i32 to vector<16xi32>
      %add3A_277 = arith.addi %mul3A_60, %add3A_276 : vector<16xi32>
      tpu.vector_store_idx %arg7[%add3A_277], %gather3A_251 : memref<32768xf32, #tpu.memory_space<vmem>>[vector<16xi32>], vector<16xf32>,
      %add3A_278 = arith.constant 30 : i32
      %add3A_279 = vector.broadcast %add3A_278 : i32 to vector<16xi32>
      %add3A_280 = arith.addi %mul3A_60, %add3A_279 : vector<16xi32>
      tpu.vector_store_idx %arg7[%add3A_280], %gather3A_255 : memref<32768xf32, #tpu.memory_space<vmem>>[vector<16xi32>], vector<16xf32>,
      %add3A_281 = arith.constant 31 : i32
      %add3A_282 = vector.broadcast %add3A_281 : i32 to vector<16xi32>
      %add3A_283 = arith.addi %mul3A_60, %add3A_282 : vector<16xi32>
      tpu.vector_store_idx %arg7[%add3A_283], %gather3A_259 : memref<32768xf32, #tpu.memory_space<vmem>>[vector<16xi32>], vector<16xf32>,
      %add3A_284 = arith.constant 32 : i32
      %add3A_285 = vector.broadcast %add3A_284 : i32 to vector<16xi32>
      %add3A_286 = arith.addi %mul3A_53, %add3A_285 : vector<16xi32>
      %gather3A_287 = tpu.vector_load_idx %arg5[%add3A_286] : memref<15360xf32, #tpu.memory_space<vmem>>[vector<16xi32>], vector<16xf32>,
      %add3A_288 = arith.constant 33 : i32
      %add3A_289 = vector.broadcast %add3A_288 : i32 to vector<16xi32>
      %add3A_290 = arith.addi %mul3A_53, %add3A_289 : vector<16xi32>
      %gather3A_291 = tpu.vector_load_idx %arg5[%add3A_290] : memref<15360xf32, #tpu.memory_space<vmem>>[vector<16xi32>], vector<16xf32>,
      %add3A_292 = arith.constant 34 : i32
      %add3A_293 = vector.broadcast %add3A_292 : i32 to vector<16xi32>
      %add3A_294 = arith.addi %mul3A_53, %add3A_293 : vector<16xi32>
      %gather3A_295 = tpu.vector_load_idx %arg5[%add3A_294] : memref<15360xf32, #tpu.memory_space<vmem>>[vector<16xi32>], vector<16xf32>,
      %add3A_296 = arith.constant 35 : i32
      %add3A_297 = vector.broadcast %add3A_296 : i32 to vector<16xi32>
      %add3A_298 = arith.addi %mul3A_53, %add3A_297 : vector<16xi32>
      %gather3A_299 = tpu.vector_load_idx %arg5[%add3A_298] : memref<15360xf32, #tpu.memory_space<vmem>>[vector<16xi32>], vector<16xf32>,
      %add3A_300 = arith.constant 36 : i32
      %add3A_301 = vector.broadcast %add3A_300 : i32 to vector<16xi32>
      %add3A_302 = arith.addi %mul3A_53, %add3A_301 : vector<16xi32>
      %gather3A_303 = tpu.vector_load_idx %arg5[%add3A_302] : memref<15360xf32, #tpu.memory_space<vmem>>[vector<16xi32>], vector<16xf32>,
      %add3A_304 = arith.constant 37 : i32
      %add3A_305 = vector.broadcast %add3A_304 : i32 to vector<16xi32>
      %add3A_306 = arith.addi %mul3A_53, %add3A_305 : vector<16xi32>
      %gather3A_307 = tpu.vector_load_idx %arg5[%add3A_306] : memref<15360xf32, #tpu.memory_space<vmem>>[vector<16xi32>], vector<16xf32>,
      %add3A_308 = arith.constant 38 : i32
      %add3A_309 = vector.broadcast %add3A_308 : i32 to vector<16xi32>
      %add3A_310 = arith.addi %mul3A_53, %add3A_309 : vector<16xi32>
      %gather3A_311 = tpu.vector_load_idx %arg5[%add3A_310] : memref<15360xf32, #tpu.memory_space<vmem>>[vector<16xi32>], vector<16xf32>,
      %add3A_312 = arith.constant 39 : i32
      %add3A_313 = vector.broadcast %add3A_312 : i32 to vector<16xi32>
      %add3A_314 = arith.addi %mul3A_53, %add3A_313 : vector<16xi32>
      %gather3A_315 = tpu.vector_load_idx %arg5[%add3A_314] : memref<15360xf32, #tpu.memory_space<vmem>>[vector<16xi32>], vector<16xf32>,
      %add3A_316 = arith.constant 32 : i32
      %add3A_317 = vector.broadcast %add3A_316 : i32 to vector<16xi32>
      %add3A_318 = arith.addi %mul3A_60, %add3A_317 : vector<16xi32>
      tpu.vector_store_idx %arg7[%add3A_318], %gather3A_287 : memref<32768xf32, #tpu.memory_space<vmem>>[vector<16xi32>], vector<16xf32>,
      %add3A_319 = arith.constant 33 : i32
      %add3A_320 = vector.broadcast %add3A_319 : i32 to vector<16xi32>
      %add3A_321 = arith.addi %mul3A_60, %add3A_320 : vector<16xi32>
      tpu.vector_store_idx %arg7[%add3A_321], %gather3A_291 : memref<32768xf32, #tpu.memory_space<vmem>>[vector<16xi32>], vector<16xf32>,
      %add3A_322 = arith.constant 34 : i32
      %add3A_323 = vector.broadcast %add3A_322 : i32 to vector<16xi32>
      %add3A_324 = arith.addi %mul3A_60, %add3A_323 : vector<16xi32>
      tpu.vector_store_idx %arg7[%add3A_324], %gather3A_295 : memref<32768xf32, #tpu.memory_space<vmem>>[vector<16xi32>], vector<16xf32>,
      %add3A_325 = arith.constant 35 : i32
      %add3A_326 = vector.broadcast %add3A_325 : i32 to vector<16xi32>
      %add3A_327 = arith.addi %mul3A_60, %add3A_326 : vector<16xi32>
      tpu.vector_store_idx %arg7[%add3A_327], %gather3A_299 : memref<32768xf32, #tpu.memory_space<vmem>>[vector<16xi32>], vector<16xf32>,
      %add3A_328 = arith.constant 36 : i32
      %add3A_329 = vector.broadcast %add3A_328 : i32 to vector<16xi32>
      %add3A_330 = arith.addi %mul3A_60, %add3A_329 : vector<16xi32>
      tpu.vector_store_idx %arg7[%add3A_330], %gather3A_303 : memref<32768xf32, #tpu.memory_space<vmem>>[vector<16xi32>], vector<16xf32>,
      %add3A_331 = arith.constant 37 : i32
      %add3A_332 = vector.broadcast %add3A_331 : i32 to vector<16xi32>
      %add3A_333 = arith.addi %mul3A_60, %add3A_332 : vector<16xi32>
      tpu.vector_store_idx %arg7[%add3A_333], %gather3A_307 : memref<32768xf32, #tpu.memory_space<vmem>>[vector<16xi32>], vector<16xf32>,
      %add3A_334 = arith.constant 38 : i32
      %add3A_335 = vector.broadcast %add3A_334 : i32 to vector<16xi32>
      %add3A_336 = arith.addi %mul3A_60, %add3A_335 : vector<16xi32>
      tpu.vector_store_idx %arg7[%add3A_336], %gather3A_311 : memref<32768xf32, #tpu.memory_space<vmem>>[vector<16xi32>], vector<16xf32>,
      %add3A_337 = arith.constant 39 : i32
      %add3A_338 = vector.broadcast %add3A_337 : i32 to vector<16xi32>
      %add3A_339 = arith.addi %mul3A_60, %add3A_338 : vector<16xi32>
      tpu.vector_store_idx %arg7[%add3A_339], %gather3A_315 : memref<32768xf32, #tpu.memory_space<vmem>>[vector<16xi32>], vector<16xf32>,
      %add3A_340 = arith.constant 40 : i32
      %add3A_341 = vector.broadcast %add3A_340 : i32 to vector<16xi32>
      %add3A_342 = arith.addi %mul3A_53, %add3A_341 : vector<16xi32>
      %gather3A_343 = tpu.vector_load_idx %arg5[%add3A_342] : memref<15360xf32, #tpu.memory_space<vmem>>[vector<16xi32>], vector<16xf32>,
      %add3A_344 = arith.constant 41 : i32
      %add3A_345 = vector.broadcast %add3A_344 : i32 to vector<16xi32>
      %add3A_346 = arith.addi %mul3A_53, %add3A_345 : vector<16xi32>
      %gather3A_347 = tpu.vector_load_idx %arg5[%add3A_346] : memref<15360xf32, #tpu.memory_space<vmem>>[vector<16xi32>], vector<16xf32>,
      %add3A_348 = arith.constant 42 : i32
      %add3A_349 = vector.broadcast %add3A_348 : i32 to vector<16xi32>
      %add3A_350 = arith.addi %mul3A_53, %add3A_349 : vector<16xi32>
      %gather3A_351 = tpu.vector_load_idx %arg5[%add3A_350] : memref<15360xf32, #tpu.memory_space<vmem>>[vector<16xi32>], vector<16xf32>,
      %add3A_352 = arith.constant 43 : i32
      %add3A_353 = vector.broadcast %add3A_352 : i32 to vector<16xi32>
      %add3A_354 = arith.addi %mul3A_53, %add3A_353 : vector<16xi32>
      %gather3A_355 = tpu.vector_load_idx %arg5[%add3A_354] : memref<15360xf32, #tpu.memory_space<vmem>>[vector<16xi32>], vector<16xf32>,
      %add3A_356 = arith.constant 44 : i32
      %add3A_357 = vector.broadcast %add3A_356 : i32 to vector<16xi32>
      %add3A_358 = arith.addi %mul3A_53, %add3A_357 : vector<16xi32>
      %gather3A_359 = tpu.vector_load_idx %arg5[%add3A_358] : memref<15360xf32, #tpu.memory_space<vmem>>[vector<16xi32>], vector<16xf32>,
      %add3A_360 = arith.constant 45 : i32
      %add3A_361 = vector.broadcast %add3A_360 : i32 to vector<16xi32>
      %add3A_362 = arith.addi %mul3A_53, %add3A_361 : vector<16xi32>
      %gather3A_363 = tpu.vector_load_idx %arg5[%add3A_362] : memref<15360xf32, #tpu.memory_space<vmem>>[vector<16xi32>], vector<16xf32>,
      %add3A_364 = arith.constant 46 : i32
      %add3A_365 = vector.broadcast %add3A_364 : i32 to vector<16xi32>
      %add3A_366 = arith.addi %mul3A_53, %add3A_365 : vector<16xi32>
      %gather3A_367 = tpu.vector_load_idx %arg5[%add3A_366] : memref<15360xf32, #tpu.memory_space<vmem>>[vector<16xi32>], vector<16xf32>,
      %add3A_368 = arith.constant 47 : i32
      %add3A_369 = vector.broadcast %add3A_368 : i32 to vector<16xi32>
      %add3A_370 = arith.addi %mul3A_53, %add3A_369 : vector<16xi32>
      %gather3A_371 = tpu.vector_load_idx %arg5[%add3A_370] : memref<15360xf32, #tpu.memory_space<vmem>>[vector<16xi32>], vector<16xf32>,
      %add3A_372 = arith.constant 40 : i32
      %add3A_373 = vector.broadcast %add3A_372 : i32 to vector<16xi32>
      %add3A_374 = arith.addi %mul3A_60, %add3A_373 : vector<16xi32>
      tpu.vector_store_idx %arg7[%add3A_374], %gather3A_343 : memref<32768xf32, #tpu.memory_space<vmem>>[vector<16xi32>], vector<16xf32>,
      %add3A_375 = arith.constant 41 : i32
      %add3A_376 = vector.broadcast %add3A_375 : i32 to vector<16xi32>
      %add3A_377 = arith.addi %mul3A_60, %add3A_376 : vector<16xi32>
      tpu.vector_store_idx %arg7[%add3A_377], %gather3A_347 : memref<32768xf32, #tpu.memory_space<vmem>>[vector<16xi32>], vector<16xf32>,
      %add3A_378 = arith.constant 42 : i32
      %add3A_379 = vector.broadcast %add3A_378 : i32 to vector<16xi32>
      %add3A_380 = arith.addi %mul3A_60, %add3A_379 : vector<16xi32>
      tpu.vector_store_idx %arg7[%add3A_380], %gather3A_351 : memref<32768xf32, #tpu.memory_space<vmem>>[vector<16xi32>], vector<16xf32>,
      %add3A_381 = arith.constant 43 : i32
      %add3A_382 = vector.broadcast %add3A_381 : i32 to vector<16xi32>
      %add3A_383 = arith.addi %mul3A_60, %add3A_382 : vector<16xi32>
      tpu.vector_store_idx %arg7[%add3A_383], %gather3A_355 : memref<32768xf32, #tpu.memory_space<vmem>>[vector<16xi32>], vector<16xf32>,
      %add3A_384 = arith.constant 44 : i32
      %add3A_385 = vector.broadcast %add3A_384 : i32 to vector<16xi32>
      %add3A_386 = arith.addi %mul3A_60, %add3A_385 : vector<16xi32>
      tpu.vector_store_idx %arg7[%add3A_386], %gather3A_359 : memref<32768xf32, #tpu.memory_space<vmem>>[vector<16xi32>], vector<16xf32>,
      %add3A_387 = arith.constant 45 : i32
      %add3A_388 = vector.broadcast %add3A_387 : i32 to vector<16xi32>
      %add3A_389 = arith.addi %mul3A_60, %add3A_388 : vector<16xi32>
      tpu.vector_store_idx %arg7[%add3A_389], %gather3A_363 : memref<32768xf32, #tpu.memory_space<vmem>>[vector<16xi32>], vector<16xf32>,
      %add3A_390 = arith.constant 46 : i32
      %add3A_391 = vector.broadcast %add3A_390 : i32 to vector<16xi32>
      %add3A_392 = arith.addi %mul3A_60, %add3A_391 : vector<16xi32>
      tpu.vector_store_idx %arg7[%add3A_392], %gather3A_367 : memref<32768xf32, #tpu.memory_space<vmem>>[vector<16xi32>], vector<16xf32>,
      %add3A_393 = arith.constant 47 : i32
      %add3A_394 = vector.broadcast %add3A_393 : i32 to vector<16xi32>
      %add3A_395 = arith.addi %mul3A_60, %add3A_394 : vector<16xi32>
      tpu.vector_store_idx %arg7[%add3A_395], %gather3A_371 : memref<32768xf32, #tpu.memory_space<vmem>>[vector<16xi32>], vector<16xf32>,
      %add3A_396 = arith.constant 48 : i32
      %add3A_397 = vector.broadcast %add3A_396 : i32 to vector<16xi32>
      %add3A_398 = arith.addi %mul3A_53, %add3A_397 : vector<16xi32>
      %gather3A_399 = tpu.vector_load_idx %arg5[%add3A_398] : memref<15360xf32, #tpu.memory_space<vmem>>[vector<16xi32>], vector<16xf32>,
      %add3A_400 = arith.constant 49 : i32
      %add3A_401 = vector.broadcast %add3A_400 : i32 to vector<16xi32>
      %add3A_402 = arith.addi %mul3A_53, %add3A_401 : vector<16xi32>
      %gather3A_403 = tpu.vector_load_idx %arg5[%add3A_402] : memref<15360xf32, #tpu.memory_space<vmem>>[vector<16xi32>], vector<16xf32>,
      %add3A_404 = arith.constant 50 : i32
      %add3A_405 = vector.broadcast %add3A_404 : i32 to vector<16xi32>
      %add3A_406 = arith.addi %mul3A_53, %add3A_405 : vector<16xi32>
      %gather3A_407 = tpu.vector_load_idx %arg5[%add3A_406] : memref<15360xf32, #tpu.memory_space<vmem>>[vector<16xi32>], vector<16xf32>,
      %add3A_408 = arith.constant 51 : i32
      %add3A_409 = vector.broadcast %add3A_408 : i32 to vector<16xi32>
      %add3A_410 = arith.addi %mul3A_53, %add3A_409 : vector<16xi32>
      %gather3A_411 = tpu.vector_load_idx %arg5[%add3A_410] : memref<15360xf32, #tpu.memory_space<vmem>>[vector<16xi32>], vector<16xf32>,
      %add3A_412 = arith.constant 52 : i32
      %add3A_413 = vector.broadcast %add3A_412 : i32 to vector<16xi32>
      %add3A_414 = arith.addi %mul3A_53, %add3A_413 : vector<16xi32>
      %gather3A_415 = tpu.vector_load_idx %arg5[%add3A_414] : memref<15360xf32, #tpu.memory_space<vmem>>[vector<16xi32>], vector<16xf32>,
      %add3A_416 = arith.constant 53 : i32
      %add3A_417 = vector.broadcast %add3A_416 : i32 to vector<16xi32>
      %add3A_418 = arith.addi %mul3A_53, %add3A_417 : vector<16xi32>
      %gather3A_419 = tpu.vector_load_idx %arg5[%add3A_418] : memref<15360xf32, #tpu.memory_space<vmem>>[vector<16xi32>], vector<16xf32>,
      %add3A_420 = arith.constant 54 : i32
      %add3A_421 = vector.broadcast %add3A_420 : i32 to vector<16xi32>
      %add3A_422 = arith.addi %mul3A_53, %add3A_421 : vector<16xi32>
      %gather3A_423 = tpu.vector_load_idx %arg5[%add3A_422] : memref<15360xf32, #tpu.memory_space<vmem>>[vector<16xi32>], vector<16xf32>,
      %add3A_424 = arith.constant 55 : i32
      %add3A_425 = vector.broadcast %add3A_424 : i32 to vector<16xi32>
      %add3A_426 = arith.addi %mul3A_53, %add3A_425 : vector<16xi32>
      %gather3A_427 = tpu.vector_load_idx %arg5[%add3A_426] : memref<15360xf32, #tpu.memory_space<vmem>>[vector<16xi32>], vector<16xf32>,
      %add3A_428 = arith.constant 48 : i32
      %add3A_429 = vector.broadcast %add3A_428 : i32 to vector<16xi32>
      %add3A_430 = arith.addi %mul3A_60, %add3A_429 : vector<16xi32>
      tpu.vector_store_idx %arg7[%add3A_430], %gather3A_399 : memref<32768xf32, #tpu.memory_space<vmem>>[vector<16xi32>], vector<16xf32>,
      %add3A_431 = arith.constant 49 : i32
      %add3A_432 = vector.broadcast %add3A_431 : i32 to vector<16xi32>
      %add3A_433 = arith.addi %mul3A_60, %add3A_432 : vector<16xi32>
      tpu.vector_store_idx %arg7[%add3A_433], %gather3A_403 : memref<32768xf32, #tpu.memory_space<vmem>>[vector<16xi32>], vector<16xf32>,
      %add3A_434 = arith.constant 50 : i32
      %add3A_435 = vector.broadcast %add3A_434 : i32 to vector<16xi32>
      %add3A_436 = arith.addi %mul3A_60, %add3A_435 : vector<16xi32>
      tpu.vector_store_idx %arg7[%add3A_436], %gather3A_407 : memref<32768xf32, #tpu.memory_space<vmem>>[vector<16xi32>], vector<16xf32>,
      %add3A_437 = arith.constant 51 : i32
      %add3A_438 = vector.broadcast %add3A_437 : i32 to vector<16xi32>
      %add3A_439 = arith.addi %mul3A_60, %add3A_438 : vector<16xi32>
      tpu.vector_store_idx %arg7[%add3A_439], %gather3A_411 : memref<32768xf32, #tpu.memory_space<vmem>>[vector<16xi32>], vector<16xf32>,
      %add3A_440 = arith.constant 52 : i32
      %add3A_441 = vector.broadcast %add3A_440 : i32 to vector<16xi32>
      %add3A_442 = arith.addi %mul3A_60, %add3A_441 : vector<16xi32>
      tpu.vector_store_idx %arg7[%add3A_442], %gather3A_415 : memref<32768xf32, #tpu.memory_space<vmem>>[vector<16xi32>], vector<16xf32>,
      %add3A_443 = arith.constant 53 : i32
      %add3A_444 = vector.broadcast %add3A_443 : i32 to vector<16xi32>
      %add3A_445 = arith.addi %mul3A_60, %add3A_444 : vector<16xi32>
      tpu.vector_store_idx %arg7[%add3A_445], %gather3A_419 : memref<32768xf32, #tpu.memory_space<vmem>>[vector<16xi32>], vector<16xf32>,
      %add3A_446 = arith.constant 54 : i32
      %add3A_447 = vector.broadcast %add3A_446 : i32 to vector<16xi32>
      %add3A_448 = arith.addi %mul3A_60, %add3A_447 : vector<16xi32>
      tpu.vector_store_idx %arg7[%add3A_448], %gather3A_423 : memref<32768xf32, #tpu.memory_space<vmem>>[vector<16xi32>], vector<16xf32>,
      %add3A_449 = arith.constant 55 : i32
      %add3A_450 = vector.broadcast %add3A_449 : i32 to vector<16xi32>
      %add3A_451 = arith.addi %mul3A_60, %add3A_450 : vector<16xi32>
      tpu.vector_store_idx %arg7[%add3A_451], %gather3A_427 : memref<32768xf32, #tpu.memory_space<vmem>>[vector<16xi32>], vector<16xf32>,
      %add3A_452 = arith.constant 56 : i32
      %add3A_453 = vector.broadcast %add3A_452 : i32 to vector<16xi32>
      %add3A_454 = arith.addi %mul3A_53, %add3A_453 : vector<16xi32>
      %gather3A_455 = tpu.vector_load_idx %arg5[%add3A_454] : memref<15360xf32, #tpu.memory_space<vmem>>[vector<16xi32>], vector<16xf32>,
      %add3A_456 = arith.constant 57 : i32
      %add3A_457 = vector.broadcast %add3A_456 : i32 to vector<16xi32>
      %add3A_458 = arith.addi %mul3A_53, %add3A_457 : vector<16xi32>
      %gather3A_459 = tpu.vector_load_idx %arg5[%add3A_458] : memref<15360xf32, #tpu.memory_space<vmem>>[vector<16xi32>], vector<16xf32>,
      %add3A_460 = arith.constant 58 : i32
      %add3A_461 = vector.broadcast %add3A_460 : i32 to vector<16xi32>
      %add3A_462 = arith.addi %mul3A_53, %add3A_461 : vector<16xi32>
      %gather3A_463 = tpu.vector_load_idx %arg5[%add3A_462] : memref<15360xf32, #tpu.memory_space<vmem>>[vector<16xi32>], vector<16xf32>,
      %add3A_464 = arith.constant 59 : i32
      %add3A_465 = vector.broadcast %add3A_464 : i32 to vector<16xi32>
      %add3A_466 = arith.addi %mul3A_53, %add3A_465 : vector<16xi32>
      %gather3A_467 = tpu.vector_load_idx %arg5[%add3A_466] : memref<15360xf32, #tpu.memory_space<vmem>>[vector<16xi32>], vector<16xf32>,
      %add3A_468 = arith.constant 60 : i32
      %add3A_469 = vector.broadcast %add3A_468 : i32 to vector<16xi32>
      %add3A_470 = arith.addi %mul3A_53, %add3A_469 : vector<16xi32>
      %gather3A_471 = tpu.vector_load_idx %arg5[%add3A_470] : memref<15360xf32, #tpu.memory_space<vmem>>[vector<16xi32>], vector<16xf32>,
      %add3A_472 = arith.constant 61 : i32
      %add3A_473 = vector.broadcast %add3A_472 : i32 to vector<16xi32>
      %add3A_474 = arith.addi %mul3A_53, %add3A_473 : vector<16xi32>
      %gather3A_475 = tpu.vector_load_idx %arg5[%add3A_474] : memref<15360xf32, #tpu.memory_space<vmem>>[vector<16xi32>], vector<16xf32>,
      %add3A_476 = arith.constant 62 : i32
      %add3A_477 = vector.broadcast %add3A_476 : i32 to vector<16xi32>
      %add3A_478 = arith.addi %mul3A_53, %add3A_477 : vector<16xi32>
      %gather3A_479 = tpu.vector_load_idx %arg5[%add3A_478] : memref<15360xf32, #tpu.memory_space<vmem>>[vector<16xi32>], vector<16xf32>,
      %add3A_480 = arith.constant 63 : i32
      %add3A_481 = vector.broadcast %add3A_480 : i32 to vector<16xi32>
      %add3A_482 = arith.addi %mul3A_53, %add3A_481 : vector<16xi32>
      %gather3A_483 = tpu.vector_load_idx %arg5[%add3A_482] : memref<15360xf32, #tpu.memory_space<vmem>>[vector<16xi32>], vector<16xf32>,
      %add3A_484 = arith.constant 56 : i32
      %add3A_485 = vector.broadcast %add3A_484 : i32 to vector<16xi32>
      %add3A_486 = arith.addi %mul3A_60, %add3A_485 : vector<16xi32>
      tpu.vector_store_idx %arg7[%add3A_486], %gather3A_455 : memref<32768xf32, #tpu.memory_space<vmem>>[vector<16xi32>], vector<16xf32>,
      %add3A_487 = arith.constant 57 : i32
      %add3A_488 = vector.broadcast %add3A_487 : i32 to vector<16xi32>
      %add3A_489 = arith.addi %mul3A_60, %add3A_488 : vector<16xi32>
      tpu.vector_store_idx %arg7[%add3A_489], %gather3A_459 : memref<32768xf32, #tpu.memory_space<vmem>>[vector<16xi32>], vector<16xf32>,
      %add3A_490 = arith.constant 58 : i32
      %add3A_491 = vector.broadcast %add3A_490 : i32 to vector<16xi32>
      %add3A_492 = arith.addi %mul3A_60, %add3A_491 : vector<16xi32>
      tpu.vector_store_idx %arg7[%add3A_492], %gather3A_463 : memref<32768xf32, #tpu.memory_space<vmem>>[vector<16xi32>], vector<16xf32>,
      %add3A_493 = arith.constant 59 : i32
      %add3A_494 = vector.broadcast %add3A_493 : i32 to vector<16xi32>
      %add3A_495 = arith.addi %mul3A_60, %add3A_494 : vector<16xi32>
      tpu.vector_store_idx %arg7[%add3A_495], %gather3A_467 : memref<32768xf32, #tpu.memory_space<vmem>>[vector<16xi32>], vector<16xf32>,
      %add3A_496 = arith.constant 60 : i32
      %add3A_497 = vector.broadcast %add3A_496 : i32 to vector<16xi32>
      %add3A_498 = arith.addi %mul3A_60, %add3A_497 : vector<16xi32>
      tpu.vector_store_idx %arg7[%add3A_498], %gather3A_471 : memref<32768xf32, #tpu.memory_space<vmem>>[vector<16xi32>], vector<16xf32>,
      %add3A_499 = arith.constant 61 : i32
      %add3A_500 = vector.broadcast %add3A_499 : i32 to vector<16xi32>
      %add3A_501 = arith.addi %mul3A_60, %add3A_500 : vector<16xi32>
      tpu.vector_store_idx %arg7[%add3A_501], %gather3A_475 : memref<32768xf32, #tpu.memory_space<vmem>>[vector<16xi32>], vector<16xf32>,
      %add3A_502 = arith.constant 62 : i32
      %add3A_503 = vector.broadcast %add3A_502 : i32 to vector<16xi32>
      %add3A_504 = arith.addi %mul3A_60, %add3A_503 : vector<16xi32>
      tpu.vector_store_idx %arg7[%add3A_504], %gather3A_479 : memref<32768xf32, #tpu.memory_space<vmem>>[vector<16xi32>], vector<16xf32>,
      %add3A_505 = arith.constant 63 : i32
      %add3A_506 = vector.broadcast %add3A_505 : i32 to vector<16xi32>
      %add3A_507 = arith.addi %mul3A_60, %add3A_506 : vector<16xi32>
      tpu.vector_store_idx %arg7[%add3A_507], %gather3A_483 : memref<32768xf32, #tpu.memory_space<vmem>>[vector<16xi32>], vector<16xf32>,
    }
    %scan3A_8 = arith.constant 32 : i32
    %add3A_9 = arith.constant 0 : i32
    %add3A_10 = arith.addi %mul3A_2, %add3A_9 : i32
    %mul3A_11 = arith.constant 64 : i32
    %mul3A_12 = arith.muli %add3A_10, %mul3A_11 : i32
    %dma_start3A = tpu.memref_slice %arg4[%mul3A_12] : memref<52428800xf32, #tpu.memory_space<hbm>> -> memref<32768xf32, #tpu.memory_space<hbm>>
    %dma_start3A_13 = tpu.memref_slice %arg4[%mul3A_12] : memref<52428800xf32, #tpu.memory_space<hbm>> -> memref<32768xf32, #tpu.memory_space<hbm>>
    tpu.enqueue_dma source(%arg7 : memref<32768xf32, #tpu.memory_space<vmem>>) target(%dma_start3A_13 : memref<32768xf32, #tpu.memory_space<hbm>>) target_semaphore(%arg9 : memref<!tpu.dma_semaphore, #tpu.memory_space<semaphore_mem>>)
    %add3A_14 = arith.constant 512 : i32
    %add3A_15 = arith.addi %mul3A_2, %add3A_14 : i32
    "tpu.region"() ({
      %run_scoped3A = tpu.sem_alloc : memref<!tpu.dma_semaphore, #tpu.memory_space<semaphore_mem>>
      %dma_start3A_43 = tpu.memref_slice %arg2[%add3A_15] : memref<819200xi32, #tpu.memory_space<hbm>> -> memref<512xi32, #tpu.memory_space<hbm>>
      %dma_start3A_44 = tpu.memref_slice %arg2[%add3A_15] : memref<819200xi32, #tpu.memory_space<hbm>> -> memref<512xi32, #tpu.memory_space<hbm>>
      tpu.enqueue_dma source(%dma_start3A_44 : memref<512xi32, #tpu.memory_space<hbm>>) target(%arg6 : memref<512xi32, #tpu.memory_space<vmem>>) target_semaphore(%run_scoped3A : memref<!tpu.dma_semaphore, #tpu.memory_space<semaphore_mem>>)
      %dma_wait3A_45 = tpu.memref_slice %arg2[%add3A_15] : memref<819200xi32, #tpu.memory_space<hbm>> -> memref<512xi32, #tpu.memory_space<hbm>>
      %dma_wait3A_46 = tpu.memref_slice %arg2[%add3A_15] : memref<819200xi32, #tpu.memory_space<hbm>> -> memref<512xi32, #tpu.memory_space<hbm>>
      tpu.wait_dma2 semaphore(%run_scoped3A : memref<!tpu.dma_semaphore, #tpu.memory_space<semaphore_mem>>) src(%dma_wait3A_46 : memref<512xi32, #tpu.memory_space<hbm>>) dst(%arg6 : memref<512xi32, #tpu.memory_space<vmem>>)
      tpu.yield
    }) : () -> ()
    %scan3A_16 = arith.constant 0 : i32
    %scan3A_17 = arith.constant 32 : i32
    %scan3A_18 = arith.addi %scan3A_16, %scan3A_17 : i32
    %scan3A_19 = arith.constant 1 : i32
    scf.for %scan3A_43 = %scan3A_16 to %scan3A_18 step %scan3A_19  : i32 {
      %mul3A_44 = arith.constant 1 : i32
      %mul3A_45 = arith.muli %scan3A_43, %mul3A_44 : i32
      %add3A_46 = arith.constant 0 : i32
      %add3A_47 = arith.addi %add3A_46, %mul3A_45 : i32
      %mul3A_48 = arith.constant 16 : i32
      %mul3A_49 = arith.muli %add3A_47, %mul3A_48 : i32
      %get3A = arith.index_cast %mul3A_49 : i32 to index
      %get3A_50 = tpu.vector_load %arg6[%get3A] {strides = array<i32>} : memref<512xi32, #tpu.memory_space<vmem>>, vector<16xi32>,
      %mul3A_51 = arith.constant 64 : i32
      %mul3A_52 = vector.broadcast %mul3A_51 : i32 to vector<16xi32>
      %mul3A_53 = arith.muli %get3A_50, %mul3A_52 : vector<16xi32>
      %mul3A_54 = arith.constant 16 : i32
      %mul3A_55 = arith.muli %add3A_47, %mul3A_54 : i32
      %add3A_56 = vector.broadcast %mul3A_55 : i32 to vector<16xi32>
      %add3A_57 = arith.addi %iota3A, %add3A_56 : vector<16xi32>
      %mul3A_58 = arith.constant 64 : i32
      %mul3A_59 = vector.broadcast %mul3A_58 : i32 to vector<16xi32>
      %mul3A_60 = arith.muli %add3A_57, %mul3A_59 : vector<16xi32>
      %add3A_61 = arith.constant 0 : i32
      %add3A_62 = vector.broadcast %add3A_61 : i32 to vector<16xi32>
      %add3A_63 = arith.addi %mul3A_53, %add3A_62 : vector<16xi32>
      %gather3A = tpu.vector_load_idx %arg5[%add3A_63] : memref<15360xf32, #tpu.memory_space<vmem>>[vector<16xi32>], vector<16xf32>,
      %add3A_64 = arith.constant 1 : i32
      %add3A_65 = vector.broadcast %add3A_64 : i32 to vector<16xi32>
      %add3A_66 = arith.addi %mul3A_53, %add3A_65 : vector<16xi32>
      %gather3A_67 = tpu.vector_load_idx %arg5[%add3A_66] : memref<15360xf32, #tpu.memory_space<vmem>>[vector<16xi32>], vector<16xf32>,
      %add3A_68 = arith.constant 2 : i32
      %add3A_69 = vector.broadcast %add3A_68 : i32 to vector<16xi32>
      %add3A_70 = arith.addi %mul3A_53, %add3A_69 : vector<16xi32>
      %gather3A_71 = tpu.vector_load_idx %arg5[%add3A_70] : memref<15360xf32, #tpu.memory_space<vmem>>[vector<16xi32>], vector<16xf32>,
      %add3A_72 = arith.constant 3 : i32
      %add3A_73 = vector.broadcast %add3A_72 : i32 to vector<16xi32>
      %add3A_74 = arith.addi %mul3A_53, %add3A_73 : vector<16xi32>
      %gather3A_75 = tpu.vector_load_idx %arg5[%add3A_74] : memref<15360xf32, #tpu.memory_space<vmem>>[vector<16xi32>], vector<16xf32>,
      %add3A_76 = arith.constant 4 : i32
      %add3A_77 = vector.broadcast %add3A_76 : i32 to vector<16xi32>
      %add3A_78 = arith.addi %mul3A_53, %add3A_77 : vector<16xi32>
      %gather3A_79 = tpu.vector_load_idx %arg5[%add3A_78] : memref<15360xf32, #tpu.memory_space<vmem>>[vector<16xi32>], vector<16xf32>,
      %add3A_80 = arith.constant 5 : i32
      %add3A_81 = vector.broadcast %add3A_80 : i32 to vector<16xi32>
      %add3A_82 = arith.addi %mul3A_53, %add3A_81 : vector<16xi32>
      %gather3A_83 = tpu.vector_load_idx %arg5[%add3A_82] : memref<15360xf32, #tpu.memory_space<vmem>>[vector<16xi32>], vector<16xf32>,
      %add3A_84 = arith.constant 6 : i32
      %add3A_85 = vector.broadcast %add3A_84 : i32 to vector<16xi32>
      %add3A_86 = arith.addi %mul3A_53, %add3A_85 : vector<16xi32>
      %gather3A_87 = tpu.vector_load_idx %arg5[%add3A_86] : memref<15360xf32, #tpu.memory_space<vmem>>[vector<16xi32>], vector<16xf32>,
      %add3A_88 = arith.constant 7 : i32
      %add3A_89 = vector.broadcast %add3A_88 : i32 to vector<16xi32>
      %add3A_90 = arith.addi %mul3A_53, %add3A_89 : vector<16xi32>
      %gather3A_91 = tpu.vector_load_idx %arg5[%add3A_90] : memref<15360xf32, #tpu.memory_space<vmem>>[vector<16xi32>], vector<16xf32>,
      %add3A_92 = arith.constant 0 : i32
      %add3A_93 = vector.broadcast %add3A_92 : i32 to vector<16xi32>
      %add3A_94 = arith.addi %mul3A_60, %add3A_93 : vector<16xi32>
      tpu.vector_store_idx %arg8[%add3A_94], %gather3A : memref<32768xf32, #tpu.memory_space<vmem>>[vector<16xi32>], vector<16xf32>,
      %add3A_95 = arith.constant 1 : i32
      %add3A_96 = vector.broadcast %add3A_95 : i32 to vector<16xi32>
      %add3A_97 = arith.addi %mul3A_60, %add3A_96 : vector<16xi32>
      tpu.vector_store_idx %arg8[%add3A_97], %gather3A_67 : memref<32768xf32, #tpu.memory_space<vmem>>[vector<16xi32>], vector<16xf32>,
      %add3A_98 = arith.constant 2 : i32
      %add3A_99 = vector.broadcast %add3A_98 : i32 to vector<16xi32>
      %add3A_100 = arith.addi %mul3A_60, %add3A_99 : vector<16xi32>
      tpu.vector_store_idx %arg8[%add3A_100], %gather3A_71 : memref<32768xf32, #tpu.memory_space<vmem>>[vector<16xi32>], vector<16xf32>,
      %add3A_101 = arith.constant 3 : i32
      %add3A_102 = vector.broadcast %add3A_101 : i32 to vector<16xi32>
      %add3A_103 = arith.addi %mul3A_60, %add3A_102 : vector<16xi32>
      tpu.vector_store_idx %arg8[%add3A_103], %gather3A_75 : memref<32768xf32, #tpu.memory_space<vmem>>[vector<16xi32>], vector<16xf32>,
      %add3A_104 = arith.constant 4 : i32
      %add3A_105 = vector.broadcast %add3A_104 : i32 to vector<16xi32>
      %add3A_106 = arith.addi %mul3A_60, %add3A_105 : vector<16xi32>
      tpu.vector_store_idx %arg8[%add3A_106], %gather3A_79 : memref<32768xf32, #tpu.memory_space<vmem>>[vector<16xi32>], vector<16xf32>,
      %add3A_107 = arith.constant 5 : i32
      %add3A_108 = vector.broadcast %add3A_107 : i32 to vector<16xi32>
      %add3A_109 = arith.addi %mul3A_60, %add3A_108 : vector<16xi32>
      tpu.vector_store_idx %arg8[%add3A_109], %gather3A_83 : memref<32768xf32, #tpu.memory_space<vmem>>[vector<16xi32>], vector<16xf32>,
      %add3A_110 = arith.constant 6 : i32
      %add3A_111 = vector.broadcast %add3A_110 : i32 to vector<16xi32>
      %add3A_112 = arith.addi %mul3A_60, %add3A_111 : vector<16xi32>
      tpu.vector_store_idx %arg8[%add3A_112], %gather3A_87 : memref<32768xf32, #tpu.memory_space<vmem>>[vector<16xi32>], vector<16xf32>,
      %add3A_113 = arith.constant 7 : i32
      %add3A_114 = vector.broadcast %add3A_113 : i32 to vector<16xi32>
      %add3A_115 = arith.addi %mul3A_60, %add3A_114 : vector<16xi32>
      tpu.vector_store_idx %arg8[%add3A_115], %gather3A_91 : memref<32768xf32, #tpu.memory_space<vmem>>[vector<16xi32>], vector<16xf32>,
      %add3A_116 = arith.constant 8 : i32
      %add3A_117 = vector.broadcast %add3A_116 : i32 to vector<16xi32>
      %add3A_118 = arith.addi %mul3A_53, %add3A_117 : vector<16xi32>
      %gather3A_119 = tpu.vector_load_idx %arg5[%add3A_118] : memref<15360xf32, #tpu.memory_space<vmem>>[vector<16xi32>], vector<16xf32>,
      %add3A_120 = arith.constant 9 : i32
      %add3A_121 = vector.broadcast %add3A_120 : i32 to vector<16xi32>
      %add3A_122 = arith.addi %mul3A_53, %add3A_121 : vector<16xi32>
      %gather3A_123 = tpu.vector_load_idx %arg5[%add3A_122] : memref<15360xf32, #tpu.memory_space<vmem>>[vector<16xi32>], vector<16xf32>,
      %add3A_124 = arith.constant 10 : i32
      %add3A_125 = vector.broadcast %add3A_124 : i32 to vector<16xi32>
      %add3A_126 = arith.addi %mul3A_53, %add3A_125 : vector<16xi32>
      %gather3A_127 = tpu.vector_load_idx %arg5[%add3A_126] : memref<15360xf32, #tpu.memory_space<vmem>>[vector<16xi32>], vector<16xf32>,
      %add3A_128 = arith.constant 11 : i32
      %add3A_129 = vector.broadcast %add3A_128 : i32 to vector<16xi32>
      %add3A_130 = arith.addi %mul3A_53, %add3A_129 : vector<16xi32>
      %gather3A_131 = tpu.vector_load_idx %arg5[%add3A_130] : memref<15360xf32, #tpu.memory_space<vmem>>[vector<16xi32>], vector<16xf32>,
      %add3A_132 = arith.constant 12 : i32
      %add3A_133 = vector.broadcast %add3A_132 : i32 to vector<16xi32>
      %add3A_134 = arith.addi %mul3A_53, %add3A_133 : vector<16xi32>
      %gather3A_135 = tpu.vector_load_idx %arg5[%add3A_134] : memref<15360xf32, #tpu.memory_space<vmem>>[vector<16xi32>], vector<16xf32>,
      %add3A_136 = arith.constant 13 : i32
      %add3A_137 = vector.broadcast %add3A_136 : i32 to vector<16xi32>
      %add3A_138 = arith.addi %mul3A_53, %add3A_137 : vector<16xi32>
      %gather3A_139 = tpu.vector_load_idx %arg5[%add3A_138] : memref<15360xf32, #tpu.memory_space<vmem>>[vector<16xi32>], vector<16xf32>,
      %add3A_140 = arith.constant 14 : i32
      %add3A_141 = vector.broadcast %add3A_140 : i32 to vector<16xi32>
      %add3A_142 = arith.addi %mul3A_53, %add3A_141 : vector<16xi32>
      %gather3A_143 = tpu.vector_load_idx %arg5[%add3A_142] : memref<15360xf32, #tpu.memory_space<vmem>>[vector<16xi32>], vector<16xf32>,
      %add3A_144 = arith.constant 15 : i32
      %add3A_145 = vector.broadcast %add3A_144 : i32 to vector<16xi32>
      %add3A_146 = arith.addi %mul3A_53, %add3A_145 : vector<16xi32>
      %gather3A_147 = tpu.vector_load_idx %arg5[%add3A_146] : memref<15360xf32, #tpu.memory_space<vmem>>[vector<16xi32>], vector<16xf32>,
      %add3A_148 = arith.constant 8 : i32
      %add3A_149 = vector.broadcast %add3A_148 : i32 to vector<16xi32>
      %add3A_150 = arith.addi %mul3A_60, %add3A_149 : vector<16xi32>
      tpu.vector_store_idx %arg8[%add3A_150], %gather3A_119 : memref<32768xf32, #tpu.memory_space<vmem>>[vector<16xi32>], vector<16xf32>,
      %add3A_151 = arith.constant 9 : i32
      %add3A_152 = vector.broadcast %add3A_151 : i32 to vector<16xi32>
      %add3A_153 = arith.addi %mul3A_60, %add3A_152 : vector<16xi32>
      tpu.vector_store_idx %arg8[%add3A_153], %gather3A_123 : memref<32768xf32, #tpu.memory_space<vmem>>[vector<16xi32>], vector<16xf32>,
      %add3A_154 = arith.constant 10 : i32
      %add3A_155 = vector.broadcast %add3A_154 : i32 to vector<16xi32>
      %add3A_156 = arith.addi %mul3A_60, %add3A_155 : vector<16xi32>
      tpu.vector_store_idx %arg8[%add3A_156], %gather3A_127 : memref<32768xf32, #tpu.memory_space<vmem>>[vector<16xi32>], vector<16xf32>,
      %add3A_157 = arith.constant 11 : i32
      %add3A_158 = vector.broadcast %add3A_157 : i32 to vector<16xi32>
      %add3A_159 = arith.addi %mul3A_60, %add3A_158 : vector<16xi32>
      tpu.vector_store_idx %arg8[%add3A_159], %gather3A_131 : memref<32768xf32, #tpu.memory_space<vmem>>[vector<16xi32>], vector<16xf32>,
      %add3A_160 = arith.constant 12 : i32
      %add3A_161 = vector.broadcast %add3A_160 : i32 to vector<16xi32>
      %add3A_162 = arith.addi %mul3A_60, %add3A_161 : vector<16xi32>
      tpu.vector_store_idx %arg8[%add3A_162], %gather3A_135 : memref<32768xf32, #tpu.memory_space<vmem>>[vector<16xi32>], vector<16xf32>,
      %add3A_163 = arith.constant 13 : i32
      %add3A_164 = vector.broadcast %add3A_163 : i32 to vector<16xi32>
      %add3A_165 = arith.addi %mul3A_60, %add3A_164 : vector<16xi32>
      tpu.vector_store_idx %arg8[%add3A_165], %gather3A_139 : memref<32768xf32, #tpu.memory_space<vmem>>[vector<16xi32>], vector<16xf32>,
      %add3A_166 = arith.constant 14 : i32
      %add3A_167 = vector.broadcast %add3A_166 : i32 to vector<16xi32>
      %add3A_168 = arith.addi %mul3A_60, %add3A_167 : vector<16xi32>
      tpu.vector_store_idx %arg8[%add3A_168], %gather3A_143 : memref<32768xf32, #tpu.memory_space<vmem>>[vector<16xi32>], vector<16xf32>,
      %add3A_169 = arith.constant 15 : i32
      %add3A_170 = vector.broadcast %add3A_169 : i32 to vector<16xi32>
      %add3A_171 = arith.addi %mul3A_60, %add3A_170 : vector<16xi32>
      tpu.vector_store_idx %arg8[%add3A_171], %gather3A_147 : memref<32768xf32, #tpu.memory_space<vmem>>[vector<16xi32>], vector<16xf32>,
      %add3A_172 = arith.constant 16 : i32
      %add3A_173 = vector.broadcast %add3A_172 : i32 to vector<16xi32>
      %add3A_174 = arith.addi %mul3A_53, %add3A_173 : vector<16xi32>
      %gather3A_175 = tpu.vector_load_idx %arg5[%add3A_174] : memref<15360xf32, #tpu.memory_space<vmem>>[vector<16xi32>], vector<16xf32>,
      %add3A_176 = arith.constant 17 : i32
      %add3A_177 = vector.broadcast %add3A_176 : i32 to vector<16xi32>
      %add3A_178 = arith.addi %mul3A_53, %add3A_177 : vector<16xi32>
      %gather3A_179 = tpu.vector_load_idx %arg5[%add3A_178] : memref<15360xf32, #tpu.memory_space<vmem>>[vector<16xi32>], vector<16xf32>,
      %add3A_180 = arith.constant 18 : i32
      %add3A_181 = vector.broadcast %add3A_180 : i32 to vector<16xi32>
      %add3A_182 = arith.addi %mul3A_53, %add3A_181 : vector<16xi32>
      %gather3A_183 = tpu.vector_load_idx %arg5[%add3A_182] : memref<15360xf32, #tpu.memory_space<vmem>>[vector<16xi32>], vector<16xf32>,
      %add3A_184 = arith.constant 19 : i32
      %add3A_185 = vector.broadcast %add3A_184 : i32 to vector<16xi32>
      %add3A_186 = arith.addi %mul3A_53, %add3A_185 : vector<16xi32>
      %gather3A_187 = tpu.vector_load_idx %arg5[%add3A_186] : memref<15360xf32, #tpu.memory_space<vmem>>[vector<16xi32>], vector<16xf32>,
      %add3A_188 = arith.constant 20 : i32
      %add3A_189 = vector.broadcast %add3A_188 : i32 to vector<16xi32>
      %add3A_190 = arith.addi %mul3A_53, %add3A_189 : vector<16xi32>
      %gather3A_191 = tpu.vector_load_idx %arg5[%add3A_190] : memref<15360xf32, #tpu.memory_space<vmem>>[vector<16xi32>], vector<16xf32>,
      %add3A_192 = arith.constant 21 : i32
      %add3A_193 = vector.broadcast %add3A_192 : i32 to vector<16xi32>
      %add3A_194 = arith.addi %mul3A_53, %add3A_193 : vector<16xi32>
      %gather3A_195 = tpu.vector_load_idx %arg5[%add3A_194] : memref<15360xf32, #tpu.memory_space<vmem>>[vector<16xi32>], vector<16xf32>,
      %add3A_196 = arith.constant 22 : i32
      %add3A_197 = vector.broadcast %add3A_196 : i32 to vector<16xi32>
      %add3A_198 = arith.addi %mul3A_53, %add3A_197 : vector<16xi32>
      %gather3A_199 = tpu.vector_load_idx %arg5[%add3A_198] : memref<15360xf32, #tpu.memory_space<vmem>>[vector<16xi32>], vector<16xf32>,
      %add3A_200 = arith.constant 23 : i32
      %add3A_201 = vector.broadcast %add3A_200 : i32 to vector<16xi32>
      %add3A_202 = arith.addi %mul3A_53, %add3A_201 : vector<16xi32>
      %gather3A_203 = tpu.vector_load_idx %arg5[%add3A_202] : memref<15360xf32, #tpu.memory_space<vmem>>[vector<16xi32>], vector<16xf32>,
      %add3A_204 = arith.constant 16 : i32
      %add3A_205 = vector.broadcast %add3A_204 : i32 to vector<16xi32>
      %add3A_206 = arith.addi %mul3A_60, %add3A_205 : vector<16xi32>
      tpu.vector_store_idx %arg8[%add3A_206], %gather3A_175 : memref<32768xf32, #tpu.memory_space<vmem>>[vector<16xi32>], vector<16xf32>,
      %add3A_207 = arith.constant 17 : i32
      %add3A_208 = vector.broadcast %add3A_207 : i32 to vector<16xi32>
      %add3A_209 = arith.addi %mul3A_60, %add3A_208 : vector<16xi32>
      tpu.vector_store_idx %arg8[%add3A_209], %gather3A_179 : memref<32768xf32, #tpu.memory_space<vmem>>[vector<16xi32>], vector<16xf32>,
      %add3A_210 = arith.constant 18 : i32
      %add3A_211 = vector.broadcast %add3A_210 : i32 to vector<16xi32>
      %add3A_212 = arith.addi %mul3A_60, %add3A_211 : vector<16xi32>
      tpu.vector_store_idx %arg8[%add3A_212], %gather3A_183 : memref<32768xf32, #tpu.memory_space<vmem>>[vector<16xi32>], vector<16xf32>,
      %add3A_213 = arith.constant 19 : i32
      %add3A_214 = vector.broadcast %add3A_213 : i32 to vector<16xi32>
      %add3A_215 = arith.addi %mul3A_60, %add3A_214 : vector<16xi32>
      tpu.vector_store_idx %arg8[%add3A_215], %gather3A_187 : memref<32768xf32, #tpu.memory_space<vmem>>[vector<16xi32>], vector<16xf32>,
      %add3A_216 = arith.constant 20 : i32
      %add3A_217 = vector.broadcast %add3A_216 : i32 to vector<16xi32>
      %add3A_218 = arith.addi %mul3A_60, %add3A_217 : vector<16xi32>
      tpu.vector_store_idx %arg8[%add3A_218], %gather3A_191 : memref<32768xf32, #tpu.memory_space<vmem>>[vector<16xi32>], vector<16xf32>,
      %add3A_219 = arith.constant 21 : i32
      %add3A_220 = vector.broadcast %add3A_219 : i32 to vector<16xi32>
      %add3A_221 = arith.addi %mul3A_60, %add3A_220 : vector<16xi32>
      tpu.vector_store_idx %arg8[%add3A_221], %gather3A_195 : memref<32768xf32, #tpu.memory_space<vmem>>[vector<16xi32>], vector<16xf32>,
      %add3A_222 = arith.constant 22 : i32
      %add3A_223 = vector.broadcast %add3A_222 : i32 to vector<16xi32>
      %add3A_224 = arith.addi %mul3A_60, %add3A_223 : vector<16xi32>
      tpu.vector_store_idx %arg8[%add3A_224], %gather3A_199 : memref<32768xf32, #tpu.memory_space<vmem>>[vector<16xi32>], vector<16xf32>,
      %add3A_225 = arith.constant 23 : i32
      %add3A_226 = vector.broadcast %add3A_225 : i32 to vector<16xi32>
      %add3A_227 = arith.addi %mul3A_60, %add3A_226 : vector<16xi32>
      tpu.vector_store_idx %arg8[%add3A_227], %gather3A_203 : memref<32768xf32, #tpu.memory_space<vmem>>[vector<16xi32>], vector<16xf32>,
      %add3A_228 = arith.constant 24 : i32
      %add3A_229 = vector.broadcast %add3A_228 : i32 to vector<16xi32>
      %add3A_230 = arith.addi %mul3A_53, %add3A_229 : vector<16xi32>
      %gather3A_231 = tpu.vector_load_idx %arg5[%add3A_230] : memref<15360xf32, #tpu.memory_space<vmem>>[vector<16xi32>], vector<16xf32>,
      %add3A_232 = arith.constant 25 : i32
      %add3A_233 = vector.broadcast %add3A_232 : i32 to vector<16xi32>
      %add3A_234 = arith.addi %mul3A_53, %add3A_233 : vector<16xi32>
      %gather3A_235 = tpu.vector_load_idx %arg5[%add3A_234] : memref<15360xf32, #tpu.memory_space<vmem>>[vector<16xi32>], vector<16xf32>,
      %add3A_236 = arith.constant 26 : i32
      %add3A_237 = vector.broadcast %add3A_236 : i32 to vector<16xi32>
      %add3A_238 = arith.addi %mul3A_53, %add3A_237 : vector<16xi32>
      %gather3A_239 = tpu.vector_load_idx %arg5[%add3A_238] : memref<15360xf32, #tpu.memory_space<vmem>>[vector<16xi32>], vector<16xf32>,
      %add3A_240 = arith.constant 27 : i32
      %add3A_241 = vector.broadcast %add3A_240 : i32 to vector<16xi32>
      %add3A_242 = arith.addi %mul3A_53, %add3A_241 : vector<16xi32>
      %gather3A_243 = tpu.vector_load_idx %arg5[%add3A_242] : memref<15360xf32, #tpu.memory_space<vmem>>[vector<16xi32>], vector<16xf32>,
      %add3A_244 = arith.constant 28 : i32
      %add3A_245 = vector.broadcast %add3A_244 : i32 to vector<16xi32>
      %add3A_246 = arith.addi %mul3A_53, %add3A_245 : vector<16xi32>
      %gather3A_247 = tpu.vector_load_idx %arg5[%add3A_246] : memref<15360xf32, #tpu.memory_space<vmem>>[vector<16xi32>], vector<16xf32>,
      %add3A_248 = arith.constant 29 : i32
      %add3A_249 = vector.broadcast %add3A_248 : i32 to vector<16xi32>
      %add3A_250 = arith.addi %mul3A_53, %add3A_249 : vector<16xi32>
      %gather3A_251 = tpu.vector_load_idx %arg5[%add3A_250] : memref<15360xf32, #tpu.memory_space<vmem>>[vector<16xi32>], vector<16xf32>,
      %add3A_252 = arith.constant 30 : i32
      %add3A_253 = vector.broadcast %add3A_252 : i32 to vector<16xi32>
      %add3A_254 = arith.addi %mul3A_53, %add3A_253 : vector<16xi32>
      %gather3A_255 = tpu.vector_load_idx %arg5[%add3A_254] : memref<15360xf32, #tpu.memory_space<vmem>>[vector<16xi32>], vector<16xf32>,
      %add3A_256 = arith.constant 31 : i32
      %add3A_257 = vector.broadcast %add3A_256 : i32 to vector<16xi32>
      %add3A_258 = arith.addi %mul3A_53, %add3A_257 : vector<16xi32>
      %gather3A_259 = tpu.vector_load_idx %arg5[%add3A_258] : memref<15360xf32, #tpu.memory_space<vmem>>[vector<16xi32>], vector<16xf32>,
      %add3A_260 = arith.constant 24 : i32
      %add3A_261 = vector.broadcast %add3A_260 : i32 to vector<16xi32>
      %add3A_262 = arith.addi %mul3A_60, %add3A_261 : vector<16xi32>
      tpu.vector_store_idx %arg8[%add3A_262], %gather3A_231 : memref<32768xf32, #tpu.memory_space<vmem>>[vector<16xi32>], vector<16xf32>,
      %add3A_263 = arith.constant 25 : i32
      %add3A_264 = vector.broadcast %add3A_263 : i32 to vector<16xi32>
      %add3A_265 = arith.addi %mul3A_60, %add3A_264 : vector<16xi32>
      tpu.vector_store_idx %arg8[%add3A_265], %gather3A_235 : memref<32768xf32, #tpu.memory_space<vmem>>[vector<16xi32>], vector<16xf32>,
      %add3A_266 = arith.constant 26 : i32
      %add3A_267 = vector.broadcast %add3A_266 : i32 to vector<16xi32>
      %add3A_268 = arith.addi %mul3A_60, %add3A_267 : vector<16xi32>
      tpu.vector_store_idx %arg8[%add3A_268], %gather3A_239 : memref<32768xf32, #tpu.memory_space<vmem>>[vector<16xi32>], vector<16xf32>,
      %add3A_269 = arith.constant 27 : i32
      %add3A_270 = vector.broadcast %add3A_269 : i32 to vector<16xi32>
      %add3A_271 = arith.addi %mul3A_60, %add3A_270 : vector<16xi32>
      tpu.vector_store_idx %arg8[%add3A_271], %gather3A_243 : memref<32768xf32, #tpu.memory_space<vmem>>[vector<16xi32>], vector<16xf32>,
      %add3A_272 = arith.constant 28 : i32
      %add3A_273 = vector.broadcast %add3A_272 : i32 to vector<16xi32>
      %add3A_274 = arith.addi %mul3A_60, %add3A_273 : vector<16xi32>
      tpu.vector_store_idx %arg8[%add3A_274], %gather3A_247 : memref<32768xf32, #tpu.memory_space<vmem>>[vector<16xi32>], vector<16xf32>,
      %add3A_275 = arith.constant 29 : i32
      %add3A_276 = vector.broadcast %add3A_275 : i32 to vector<16xi32>
      %add3A_277 = arith.addi %mul3A_60, %add3A_276 : vector<16xi32>
      tpu.vector_store_idx %arg8[%add3A_277], %gather3A_251 : memref<32768xf32, #tpu.memory_space<vmem>>[vector<16xi32>], vector<16xf32>,
      %add3A_278 = arith.constant 30 : i32
      %add3A_279 = vector.broadcast %add3A_278 : i32 to vector<16xi32>
      %add3A_280 = arith.addi %mul3A_60, %add3A_279 : vector<16xi32>
      tpu.vector_store_idx %arg8[%add3A_280], %gather3A_255 : memref<32768xf32, #tpu.memory_space<vmem>>[vector<16xi32>], vector<16xf32>,
      %add3A_281 = arith.constant 31 : i32
      %add3A_282 = vector.broadcast %add3A_281 : i32 to vector<16xi32>
      %add3A_283 = arith.addi %mul3A_60, %add3A_282 : vector<16xi32>
      tpu.vector_store_idx %arg8[%add3A_283], %gather3A_259 : memref<32768xf32, #tpu.memory_space<vmem>>[vector<16xi32>], vector<16xf32>,
      %add3A_284 = arith.constant 32 : i32
      %add3A_285 = vector.broadcast %add3A_284 : i32 to vector<16xi32>
      %add3A_286 = arith.addi %mul3A_53, %add3A_285 : vector<16xi32>
      %gather3A_287 = tpu.vector_load_idx %arg5[%add3A_286] : memref<15360xf32, #tpu.memory_space<vmem>>[vector<16xi32>], vector<16xf32>,
      %add3A_288 = arith.constant 33 : i32
      %add3A_289 = vector.broadcast %add3A_288 : i32 to vector<16xi32>
      %add3A_290 = arith.addi %mul3A_53, %add3A_289 : vector<16xi32>
      %gather3A_291 = tpu.vector_load_idx %arg5[%add3A_290] : memref<15360xf32, #tpu.memory_space<vmem>>[vector<16xi32>], vector<16xf32>,
      %add3A_292 = arith.constant 34 : i32
      %add3A_293 = vector.broadcast %add3A_292 : i32 to vector<16xi32>
      %add3A_294 = arith.addi %mul3A_53, %add3A_293 : vector<16xi32>
      %gather3A_295 = tpu.vector_load_idx %arg5[%add3A_294] : memref<15360xf32, #tpu.memory_space<vmem>>[vector<16xi32>], vector<16xf32>,
      %add3A_296 = arith.constant 35 : i32
      %add3A_297 = vector.broadcast %add3A_296 : i32 to vector<16xi32>
      %add3A_298 = arith.addi %mul3A_53, %add3A_297 : vector<16xi32>
      %gather3A_299 = tpu.vector_load_idx %arg5[%add3A_298] : memref<15360xf32, #tpu.memory_space<vmem>>[vector<16xi32>], vector<16xf32>,
      %add3A_300 = arith.constant 36 : i32
      %add3A_301 = vector.broadcast %add3A_300 : i32 to vector<16xi32>
      %add3A_302 = arith.addi %mul3A_53, %add3A_301 : vector<16xi32>
      %gather3A_303 = tpu.vector_load_idx %arg5[%add3A_302] : memref<15360xf32, #tpu.memory_space<vmem>>[vector<16xi32>], vector<16xf32>,
      %add3A_304 = arith.constant 37 : i32
      %add3A_305 = vector.broadcast %add3A_304 : i32 to vector<16xi32>
      %add3A_306 = arith.addi %mul3A_53, %add3A_305 : vector<16xi32>
      %gather3A_307 = tpu.vector_load_idx %arg5[%add3A_306] : memref<15360xf32, #tpu.memory_space<vmem>>[vector<16xi32>], vector<16xf32>,
      %add3A_308 = arith.constant 38 : i32
      %add3A_309 = vector.broadcast %add3A_308 : i32 to vector<16xi32>
      %add3A_310 = arith.addi %mul3A_53, %add3A_309 : vector<16xi32>
      %gather3A_311 = tpu.vector_load_idx %arg5[%add3A_310] : memref<15360xf32, #tpu.memory_space<vmem>>[vector<16xi32>], vector<16xf32>,
      %add3A_312 = arith.constant 39 : i32
      %add3A_313 = vector.broadcast %add3A_312 : i32 to vector<16xi32>
      %add3A_314 = arith.addi %mul3A_53, %add3A_313 : vector<16xi32>
      %gather3A_315 = tpu.vector_load_idx %arg5[%add3A_314] : memref<15360xf32, #tpu.memory_space<vmem>>[vector<16xi32>], vector<16xf32>,
      %add3A_316 = arith.constant 32 : i32
      %add3A_317 = vector.broadcast %add3A_316 : i32 to vector<16xi32>
      %add3A_318 = arith.addi %mul3A_60, %add3A_317 : vector<16xi32>
      tpu.vector_store_idx %arg8[%add3A_318], %gather3A_287 : memref<32768xf32, #tpu.memory_space<vmem>>[vector<16xi32>], vector<16xf32>,
      %add3A_319 = arith.constant 33 : i32
      %add3A_320 = vector.broadcast %add3A_319 : i32 to vector<16xi32>
      %add3A_321 = arith.addi %mul3A_60, %add3A_320 : vector<16xi32>
      tpu.vector_store_idx %arg8[%add3A_321], %gather3A_291 : memref<32768xf32, #tpu.memory_space<vmem>>[vector<16xi32>], vector<16xf32>,
      %add3A_322 = arith.constant 34 : i32
      %add3A_323 = vector.broadcast %add3A_322 : i32 to vector<16xi32>
      %add3A_324 = arith.addi %mul3A_60, %add3A_323 : vector<16xi32>
      tpu.vector_store_idx %arg8[%add3A_324], %gather3A_295 : memref<32768xf32, #tpu.memory_space<vmem>>[vector<16xi32>], vector<16xf32>,
      %add3A_325 = arith.constant 35 : i32
      %add3A_326 = vector.broadcast %add3A_325 : i32 to vector<16xi32>
      %add3A_327 = arith.addi %mul3A_60, %add3A_326 : vector<16xi32>
      tpu.vector_store_idx %arg8[%add3A_327], %gather3A_299 : memref<32768xf32, #tpu.memory_space<vmem>>[vector<16xi32>], vector<16xf32>,
      %add3A_328 = arith.constant 36 : i32
      %add3A_329 = vector.broadcast %add3A_328 : i32 to vector<16xi32>
      %add3A_330 = arith.addi %mul3A_60, %add3A_329 : vector<16xi32>
      tpu.vector_store_idx %arg8[%add3A_330], %gather3A_303 : memref<32768xf32, #tpu.memory_space<vmem>>[vector<16xi32>], vector<16xf32>,
      %add3A_331 = arith.constant 37 : i32
      %add3A_332 = vector.broadcast %add3A_331 : i32 to vector<16xi32>
      %add3A_333 = arith.addi %mul3A_60, %add3A_332 : vector<16xi32>
      tpu.vector_store_idx %arg8[%add3A_333], %gather3A_307 : memref<32768xf32, #tpu.memory_space<vmem>>[vector<16xi32>], vector<16xf32>,
      %add3A_334 = arith.constant 38 : i32
      %add3A_335 = vector.broadcast %add3A_334 : i32 to vector<16xi32>
      %add3A_336 = arith.addi %mul3A_60, %add3A_335 : vector<16xi32>
      tpu.vector_store_idx %arg8[%add3A_336], %gather3A_311 : memref<32768xf32, #tpu.memory_space<vmem>>[vector<16xi32>], vector<16xf32>,
      %add3A_337 = arith.constant 39 : i32
      %add3A_338 = vector.broadcast %add3A_337 : i32 to vector<16xi32>
      %add3A_339 = arith.addi %mul3A_60, %add3A_338 : vector<16xi32>
      tpu.vector_store_idx %arg8[%add3A_339], %gather3A_315 : memref<32768xf32, #tpu.memory_space<vmem>>[vector<16xi32>], vector<16xf32>,
      %add3A_340 = arith.constant 40 : i32
      %add3A_341 = vector.broadcast %add3A_340 : i32 to vector<16xi32>
      %add3A_342 = arith.addi %mul3A_53, %add3A_341 : vector<16xi32>
      %gather3A_343 = tpu.vector_load_idx %arg5[%add3A_342] : memref<15360xf32, #tpu.memory_space<vmem>>[vector<16xi32>], vector<16xf32>,
      %add3A_344 = arith.constant 41 : i32
      %add3A_345 = vector.broadcast %add3A_344 : i32 to vector<16xi32>
      %add3A_346 = arith.addi %mul3A_53, %add3A_345 : vector<16xi32>
      %gather3A_347 = tpu.vector_load_idx %arg5[%add3A_346] : memref<15360xf32, #tpu.memory_space<vmem>>[vector<16xi32>], vector<16xf32>,
      %add3A_348 = arith.constant 42 : i32
      %add3A_349 = vector.broadcast %add3A_348 : i32 to vector<16xi32>
      %add3A_350 = arith.addi %mul3A_53, %add3A_349 : vector<16xi32>
      %gather3A_351 = tpu.vector_load_idx %arg5[%add3A_350] : memref<15360xf32, #tpu.memory_space<vmem>>[vector<16xi32>], vector<16xf32>,
      %add3A_352 = arith.constant 43 : i32
      %add3A_353 = vector.broadcast %add3A_352 : i32 to vector<16xi32>
      %add3A_354 = arith.addi %mul3A_53, %add3A_353 : vector<16xi32>
      %gather3A_355 = tpu.vector_load_idx %arg5[%add3A_354] : memref<15360xf32, #tpu.memory_space<vmem>>[vector<16xi32>], vector<16xf32>,
      %add3A_356 = arith.constant 44 : i32
      %add3A_357 = vector.broadcast %add3A_356 : i32 to vector<16xi32>
      %add3A_358 = arith.addi %mul3A_53, %add3A_357 : vector<16xi32>
      %gather3A_359 = tpu.vector_load_idx %arg5[%add3A_358] : memref<15360xf32, #tpu.memory_space<vmem>>[vector<16xi32>], vector<16xf32>,
      %add3A_360 = arith.constant 45 : i32
      %add3A_361 = vector.broadcast %add3A_360 : i32 to vector<16xi32>
      %add3A_362 = arith.addi %mul3A_53, %add3A_361 : vector<16xi32>
      %gather3A_363 = tpu.vector_load_idx %arg5[%add3A_362] : memref<15360xf32, #tpu.memory_space<vmem>>[vector<16xi32>], vector<16xf32>,
      %add3A_364 = arith.constant 46 : i32
      %add3A_365 = vector.broadcast %add3A_364 : i32 to vector<16xi32>
      %add3A_366 = arith.addi %mul3A_53, %add3A_365 : vector<16xi32>
      %gather3A_367 = tpu.vector_load_idx %arg5[%add3A_366] : memref<15360xf32, #tpu.memory_space<vmem>>[vector<16xi32>], vector<16xf32>,
      %add3A_368 = arith.constant 47 : i32
      %add3A_369 = vector.broadcast %add3A_368 : i32 to vector<16xi32>
      %add3A_370 = arith.addi %mul3A_53, %add3A_369 : vector<16xi32>
      %gather3A_371 = tpu.vector_load_idx %arg5[%add3A_370] : memref<15360xf32, #tpu.memory_space<vmem>>[vector<16xi32>], vector<16xf32>,
      %add3A_372 = arith.constant 40 : i32
      %add3A_373 = vector.broadcast %add3A_372 : i32 to vector<16xi32>
      %add3A_374 = arith.addi %mul3A_60, %add3A_373 : vector<16xi32>
      tpu.vector_store_idx %arg8[%add3A_374], %gather3A_343 : memref<32768xf32, #tpu.memory_space<vmem>>[vector<16xi32>], vector<16xf32>,
      %add3A_375 = arith.constant 41 : i32
      %add3A_376 = vector.broadcast %add3A_375 : i32 to vector<16xi32>
      %add3A_377 = arith.addi %mul3A_60, %add3A_376 : vector<16xi32>
      tpu.vector_store_idx %arg8[%add3A_377], %gather3A_347 : memref<32768xf32, #tpu.memory_space<vmem>>[vector<16xi32>], vector<16xf32>,
      %add3A_378 = arith.constant 42 : i32
      %add3A_379 = vector.broadcast %add3A_378 : i32 to vector<16xi32>
      %add3A_380 = arith.addi %mul3A_60, %add3A_379 : vector<16xi32>
      tpu.vector_store_idx %arg8[%add3A_380], %gather3A_351 : memref<32768xf32, #tpu.memory_space<vmem>>[vector<16xi32>], vector<16xf32>,
      %add3A_381 = arith.constant 43 : i32
      %add3A_382 = vector.broadcast %add3A_381 : i32 to vector<16xi32>
      %add3A_383 = arith.addi %mul3A_60, %add3A_382 : vector<16xi32>
      tpu.vector_store_idx %arg8[%add3A_383], %gather3A_355 : memref<32768xf32, #tpu.memory_space<vmem>>[vector<16xi32>], vector<16xf32>,
      %add3A_384 = arith.constant 44 : i32
      %add3A_385 = vector.broadcast %add3A_384 : i32 to vector<16xi32>
      %add3A_386 = arith.addi %mul3A_60, %add3A_385 : vector<16xi32>
      tpu.vector_store_idx %arg8[%add3A_386], %gather3A_359 : memref<32768xf32, #tpu.memory_space<vmem>>[vector<16xi32>], vector<16xf32>,
      %add3A_387 = arith.constant 45 : i32
      %add3A_388 = vector.broadcast %add3A_387 : i32 to vector<16xi32>
      %add3A_389 = arith.addi %mul3A_60, %add3A_388 : vector<16xi32>
      tpu.vector_store_idx %arg8[%add3A_389], %gather3A_363 : memref<32768xf32, #tpu.memory_space<vmem>>[vector<16xi32>], vector<16xf32>,
      %add3A_390 = arith.constant 46 : i32
      %add3A_391 = vector.broadcast %add3A_390 : i32 to vector<16xi32>
      %add3A_392 = arith.addi %mul3A_60, %add3A_391 : vector<16xi32>
      tpu.vector_store_idx %arg8[%add3A_392], %gather3A_367 : memref<32768xf32, #tpu.memory_space<vmem>>[vector<16xi32>], vector<16xf32>,
      %add3A_393 = arith.constant 47 : i32
      %add3A_394 = vector.broadcast %add3A_393 : i32 to vector<16xi32>
      %add3A_395 = arith.addi %mul3A_60, %add3A_394 : vector<16xi32>
      tpu.vector_store_idx %arg8[%add3A_395], %gather3A_371 : memref<32768xf32, #tpu.memory_space<vmem>>[vector<16xi32>], vector<16xf32>,
      %add3A_396 = arith.constant 48 : i32
      %add3A_397 = vector.broadcast %add3A_396 : i32 to vector<16xi32>
      %add3A_398 = arith.addi %mul3A_53, %add3A_397 : vector<16xi32>
      %gather3A_399 = tpu.vector_load_idx %arg5[%add3A_398] : memref<15360xf32, #tpu.memory_space<vmem>>[vector<16xi32>], vector<16xf32>,
      %add3A_400 = arith.constant 49 : i32
      %add3A_401 = vector.broadcast %add3A_400 : i32 to vector<16xi32>
      %add3A_402 = arith.addi %mul3A_53, %add3A_401 : vector<16xi32>
      %gather3A_403 = tpu.vector_load_idx %arg5[%add3A_402] : memref<15360xf32, #tpu.memory_space<vmem>>[vector<16xi32>], vector<16xf32>,
      %add3A_404 = arith.constant 50 : i32
      %add3A_405 = vector.broadcast %add3A_404 : i32 to vector<16xi32>
      %add3A_406 = arith.addi %mul3A_53, %add3A_405 : vector<16xi32>
      %gather3A_407 = tpu.vector_load_idx %arg5[%add3A_406] : memref<15360xf32, #tpu.memory_space<vmem>>[vector<16xi32>], vector<16xf32>,
      %add3A_408 = arith.constant 51 : i32
      %add3A_409 = vector.broadcast %add3A_408 : i32 to vector<16xi32>
      %add3A_410 = arith.addi %mul3A_53, %add3A_409 : vector<16xi32>
      %gather3A_411 = tpu.vector_load_idx %arg5[%add3A_410] : memref<15360xf32, #tpu.memory_space<vmem>>[vector<16xi32>], vector<16xf32>,
      %add3A_412 = arith.constant 52 : i32
      %add3A_413 = vector.broadcast %add3A_412 : i32 to vector<16xi32>
      %add3A_414 = arith.addi %mul3A_53, %add3A_413 : vector<16xi32>
      %gather3A_415 = tpu.vector_load_idx %arg5[%add3A_414] : memref<15360xf32, #tpu.memory_space<vmem>>[vector<16xi32>], vector<16xf32>,
      %add3A_416 = arith.constant 53 : i32
      %add3A_417 = vector.broadcast %add3A_416 : i32 to vector<16xi32>
      %add3A_418 = arith.addi %mul3A_53, %add3A_417 : vector<16xi32>
      %gather3A_419 = tpu.vector_load_idx %arg5[%add3A_418] : memref<15360xf32, #tpu.memory_space<vmem>>[vector<16xi32>], vector<16xf32>,
      %add3A_420 = arith.constant 54 : i32
      %add3A_421 = vector.broadcast %add3A_420 : i32 to vector<16xi32>
      %add3A_422 = arith.addi %mul3A_53, %add3A_421 : vector<16xi32>
      %gather3A_423 = tpu.vector_load_idx %arg5[%add3A_422] : memref<15360xf32, #tpu.memory_space<vmem>>[vector<16xi32>], vector<16xf32>,
      %add3A_424 = arith.constant 55 : i32
      %add3A_425 = vector.broadcast %add3A_424 : i32 to vector<16xi32>
      %add3A_426 = arith.addi %mul3A_53, %add3A_425 : vector<16xi32>
      %gather3A_427 = tpu.vector_load_idx %arg5[%add3A_426] : memref<15360xf32, #tpu.memory_space<vmem>>[vector<16xi32>], vector<16xf32>,
      %add3A_428 = arith.constant 48 : i32
      %add3A_429 = vector.broadcast %add3A_428 : i32 to vector<16xi32>
      %add3A_430 = arith.addi %mul3A_60, %add3A_429 : vector<16xi32>
      tpu.vector_store_idx %arg8[%add3A_430], %gather3A_399 : memref<32768xf32, #tpu.memory_space<vmem>>[vector<16xi32>], vector<16xf32>,
      %add3A_431 = arith.constant 49 : i32
      %add3A_432 = vector.broadcast %add3A_431 : i32 to vector<16xi32>
      %add3A_433 = arith.addi %mul3A_60, %add3A_432 : vector<16xi32>
      tpu.vector_store_idx %arg8[%add3A_433], %gather3A_403 : memref<32768xf32, #tpu.memory_space<vmem>>[vector<16xi32>], vector<16xf32>,
      %add3A_434 = arith.constant 50 : i32
      %add3A_435 = vector.broadcast %add3A_434 : i32 to vector<16xi32>
      %add3A_436 = arith.addi %mul3A_60, %add3A_435 : vector<16xi32>
      tpu.vector_store_idx %arg8[%add3A_436], %gather3A_407 : memref<32768xf32, #tpu.memory_space<vmem>>[vector<16xi32>], vector<16xf32>,
      %add3A_437 = arith.constant 51 : i32
      %add3A_438 = vector.broadcast %add3A_437 : i32 to vector<16xi32>
      %add3A_439 = arith.addi %mul3A_60, %add3A_438 : vector<16xi32>
      tpu.vector_store_idx %arg8[%add3A_439], %gather3A_411 : memref<32768xf32, #tpu.memory_space<vmem>>[vector<16xi32>], vector<16xf32>,
      %add3A_440 = arith.constant 52 : i32
      %add3A_441 = vector.broadcast %add3A_440 : i32 to vector<16xi32>
      %add3A_442 = arith.addi %mul3A_60, %add3A_441 : vector<16xi32>
      tpu.vector_store_idx %arg8[%add3A_442], %gather3A_415 : memref<32768xf32, #tpu.memory_space<vmem>>[vector<16xi32>], vector<16xf32>,
      %add3A_443 = arith.constant 53 : i32
      %add3A_444 = vector.broadcast %add3A_443 : i32 to vector<16xi32>
      %add3A_445 = arith.addi %mul3A_60, %add3A_444 : vector<16xi32>
      tpu.vector_store_idx %arg8[%add3A_445], %gather3A_419 : memref<32768xf32, #tpu.memory_space<vmem>>[vector<16xi32>], vector<16xf32>,
      %add3A_446 = arith.constant 54 : i32
      %add3A_447 = vector.broadcast %add3A_446 : i32 to vector<16xi32>
      %add3A_448 = arith.addi %mul3A_60, %add3A_447 : vector<16xi32>
      tpu.vector_store_idx %arg8[%add3A_448], %gather3A_423 : memref<32768xf32, #tpu.memory_space<vmem>>[vector<16xi32>], vector<16xf32>,
      %add3A_449 = arith.constant 55 : i32
      %add3A_450 = vector.broadcast %add3A_449 : i32 to vector<16xi32>
      %add3A_451 = arith.addi %mul3A_60, %add3A_450 : vector<16xi32>
      tpu.vector_store_idx %arg8[%add3A_451], %gather3A_427 : memref<32768xf32, #tpu.memory_space<vmem>>[vector<16xi32>], vector<16xf32>,
      %add3A_452 = arith.constant 56 : i32
      %add3A_453 = vector.broadcast %add3A_452 : i32 to vector<16xi32>
      %add3A_454 = arith.addi %mul3A_53, %add3A_453 : vector<16xi32>
      %gather3A_455 = tpu.vector_load_idx %arg5[%add3A_454] : memref<15360xf32, #tpu.memory_space<vmem>>[vector<16xi32>], vector<16xf32>,
      %add3A_456 = arith.constant 57 : i32
      %add3A_457 = vector.broadcast %add3A_456 : i32 to vector<16xi32>
      %add3A_458 = arith.addi %mul3A_53, %add3A_457 : vector<16xi32>
      %gather3A_459 = tpu.vector_load_idx %arg5[%add3A_458] : memref<15360xf32, #tpu.memory_space<vmem>>[vector<16xi32>], vector<16xf32>,
      %add3A_460 = arith.constant 58 : i32
      %add3A_461 = vector.broadcast %add3A_460 : i32 to vector<16xi32>
      %add3A_462 = arith.addi %mul3A_53, %add3A_461 : vector<16xi32>
      %gather3A_463 = tpu.vector_load_idx %arg5[%add3A_462] : memref<15360xf32, #tpu.memory_space<vmem>>[vector<16xi32>], vector<16xf32>,
      %add3A_464 = arith.constant 59 : i32
      %add3A_465 = vector.broadcast %add3A_464 : i32 to vector<16xi32>
      %add3A_466 = arith.addi %mul3A_53, %add3A_465 : vector<16xi32>
      %gather3A_467 = tpu.vector_load_idx %arg5[%add3A_466] : memref<15360xf32, #tpu.memory_space<vmem>>[vector<16xi32>], vector<16xf32>,
      %add3A_468 = arith.constant 60 : i32
      %add3A_469 = vector.broadcast %add3A_468 : i32 to vector<16xi32>
      %add3A_470 = arith.addi %mul3A_53, %add3A_469 : vector<16xi32>
      %gather3A_471 = tpu.vector_load_idx %arg5[%add3A_470] : memref<15360xf32, #tpu.memory_space<vmem>>[vector<16xi32>], vector<16xf32>,
      %add3A_472 = arith.constant 61 : i32
      %add3A_473 = vector.broadcast %add3A_472 : i32 to vector<16xi32>
      %add3A_474 = arith.addi %mul3A_53, %add3A_473 : vector<16xi32>
      %gather3A_475 = tpu.vector_load_idx %arg5[%add3A_474] : memref<15360xf32, #tpu.memory_space<vmem>>[vector<16xi32>], vector<16xf32>,
      %add3A_476 = arith.constant 62 : i32
      %add3A_477 = vector.broadcast %add3A_476 : i32 to vector<16xi32>
      %add3A_478 = arith.addi %mul3A_53, %add3A_477 : vector<16xi32>
      %gather3A_479 = tpu.vector_load_idx %arg5[%add3A_478] : memref<15360xf32, #tpu.memory_space<vmem>>[vector<16xi32>], vector<16xf32>,
      %add3A_480 = arith.constant 63 : i32
      %add3A_481 = vector.broadcast %add3A_480 : i32 to vector<16xi32>
      %add3A_482 = arith.addi %mul3A_53, %add3A_481 : vector<16xi32>
      %gather3A_483 = tpu.vector_load_idx %arg5[%add3A_482] : memref<15360xf32, #tpu.memory_space<vmem>>[vector<16xi32>], vector<16xf32>,
      %add3A_484 = arith.constant 56 : i32
      %add3A_485 = vector.broadcast %add3A_484 : i32 to vector<16xi32>
      %add3A_486 = arith.addi %mul3A_60, %add3A_485 : vector<16xi32>
      tpu.vector_store_idx %arg8[%add3A_486], %gather3A_455 : memref<32768xf32, #tpu.memory_space<vmem>>[vector<16xi32>], vector<16xf32>,
      %add3A_487 = arith.constant 57 : i32
      %add3A_488 = vector.broadcast %add3A_487 : i32 to vector<16xi32>
      %add3A_489 = arith.addi %mul3A_60, %add3A_488 : vector<16xi32>
      tpu.vector_store_idx %arg8[%add3A_489], %gather3A_459 : memref<32768xf32, #tpu.memory_space<vmem>>[vector<16xi32>], vector<16xf32>,
      %add3A_490 = arith.constant 58 : i32
      %add3A_491 = vector.broadcast %add3A_490 : i32 to vector<16xi32>
      %add3A_492 = arith.addi %mul3A_60, %add3A_491 : vector<16xi32>
      tpu.vector_store_idx %arg8[%add3A_492], %gather3A_463 : memref<32768xf32, #tpu.memory_space<vmem>>[vector<16xi32>], vector<16xf32>,
      %add3A_493 = arith.constant 59 : i32
      %add3A_494 = vector.broadcast %add3A_493 : i32 to vector<16xi32>
      %add3A_495 = arith.addi %mul3A_60, %add3A_494 : vector<16xi32>
      tpu.vector_store_idx %arg8[%add3A_495], %gather3A_467 : memref<32768xf32, #tpu.memory_space<vmem>>[vector<16xi32>], vector<16xf32>,
      %add3A_496 = arith.constant 60 : i32
      %add3A_497 = vector.broadcast %add3A_496 : i32 to vector<16xi32>
      %add3A_498 = arith.addi %mul3A_60, %add3A_497 : vector<16xi32>
      tpu.vector_store_idx %arg8[%add3A_498], %gather3A_471 : memref<32768xf32, #tpu.memory_space<vmem>>[vector<16xi32>], vector<16xf32>,
      %add3A_499 = arith.constant 61 : i32
      %add3A_500 = vector.broadcast %add3A_499 : i32 to vector<16xi32>
      %add3A_501 = arith.addi %mul3A_60, %add3A_500 : vector<16xi32>
      tpu.vector_store_idx %arg8[%add3A_501], %gather3A_475 : memref<32768xf32, #tpu.memory_space<vmem>>[vector<16xi32>], vector<16xf32>,
      %add3A_502 = arith.constant 62 : i32
      %add3A_503 = vector.broadcast %add3A_502 : i32 to vector<16xi32>
      %add3A_504 = arith.addi %mul3A_60, %add3A_503 : vector<16xi32>
      tpu.vector_store_idx %arg8[%add3A_504], %gather3A_479 : memref<32768xf32, #tpu.memory_space<vmem>>[vector<16xi32>], vector<16xf32>,
      %add3A_505 = arith.constant 63 : i32
      %add3A_506 = vector.broadcast %add3A_505 : i32 to vector<16xi32>
      %add3A_507 = arith.addi %mul3A_60, %add3A_506 : vector<16xi32>
      tpu.vector_store_idx %arg8[%add3A_507], %gather3A_483 : memref<32768xf32, #tpu.memory_space<vmem>>[vector<16xi32>], vector<16xf32>,
    }
    %scan3A_20 = arith.constant 32 : i32
    %add3A_21 = arith.constant 512 : i32
    %add3A_22 = arith.addi %mul3A_2, %add3A_21 : i32
    %mul3A_23 = arith.constant 64 : i32
    %mul3A_24 = arith.muli %add3A_22, %mul3A_23 : i32
    %dma_start3A_25 = tpu.memref_slice %arg4[%mul3A_24] : memref<52428800xf32, #tpu.memory_space<hbm>> -> memref<32768xf32, #tpu.memory_space<hbm>>
    %dma_start3A_26 = tpu.memref_slice %arg4[%mul3A_24] : memref<52428800xf32, #tpu.memory_space<hbm>> -> memref<32768xf32, #tpu.memory_space<hbm>>
    tpu.enqueue_dma source(%arg8 : memref<32768xf32, #tpu.memory_space<vmem>>) target(%dma_start3A_26 : memref<32768xf32, #tpu.memory_space<hbm>>) target_semaphore(%arg10 : memref<!tpu.dma_semaphore, #tpu.memory_space<semaphore_mem>>)
    %scan3A_27 = arith.constant 0 : i32
    %scan3A_28 = arith.constant 24 : i32
    %scan3A_29 = arith.addi %scan3A_27, %scan3A_28 : i32
    %scan3A_30 = arith.constant 1 : i32
    scf.for %scan3A_43 = %scan3A_27 to %scan3A_29 step %scan3A_30  : i32 {
      %mul3A_44 = arith.constant 2 : i32
      %mul3A_45 = arith.muli %scan3A_43, %mul3A_44 : i32
      %add3A_46 = arith.constant 2 : i32
      %add3A_47 = arith.addi %add3A_46, %mul3A_45 : i32
      %add3A_48 = arith.constant 0 : i32
      %add3A_49 = arith.addi %add3A_47, %add3A_48 : i32
      %sub3A = arith.constant 2 : i32
      %sub3A_50 = arith.subi %add3A_49, %sub3A : i32
      %mul3A_51 = arith.constant 512 : i32
      %mul3A_52 = arith.muli %sub3A_50, %mul3A_51 : i32
      %add3A_53 = arith.addi %mul3A_2, %mul3A_52 : i32
      %mul3A_54 = arith.constant 64 : i32
      %mul3A_55 = arith.muli %add3A_53, %mul3A_54 : i32
      %dma_wait3A_56 = tpu.memref_slice %arg4[%mul3A_55] : memref<52428800xf32, #tpu.memory_space<hbm>> -> memref<32768xf32, #tpu.memory_space<hbm>>
      %dma_wait3A_57 = tpu.memref_slice %arg4[%mul3A_55] : memref<52428800xf32, #tpu.memory_space<hbm>> -> memref<32768xf32, #tpu.memory_space<hbm>>
      tpu.wait_dma2 semaphore(%arg9 : memref<!tpu.dma_semaphore, #tpu.memory_space<semaphore_mem>>) src(%arg7 : memref<32768xf32, #tpu.memory_space<vmem>>) dst(%dma_wait3A_57 : memref<32768xf32, #tpu.memory_space<hbm>>)
      %mul3A_58 = arith.constant 512 : i32
      %mul3A_59 = arith.muli %add3A_49, %mul3A_58 : i32
      %add3A_60 = arith.addi %mul3A_2, %mul3A_59 : i32
      "tpu.region"() ({
        %run_scoped3A = tpu.sem_alloc : memref<!tpu.dma_semaphore, #tpu.memory_space<semaphore_mem>>
        %dma_start3A_99 = tpu.memref_slice %arg2[%add3A_60] : memref<819200xi32, #tpu.memory_space<hbm>> -> memref<512xi32, #tpu.memory_space<hbm>>
        %dma_start3A_100 = tpu.memref_slice %arg2[%add3A_60] : memref<819200xi32, #tpu.memory_space<hbm>> -> memref<512xi32, #tpu.memory_space<hbm>>
        tpu.enqueue_dma source(%dma_start3A_100 : memref<512xi32, #tpu.memory_space<hbm>>) target(%arg6 : memref<512xi32, #tpu.memory_space<vmem>>) target_semaphore(%run_scoped3A : memref<!tpu.dma_semaphore, #tpu.memory_space<semaphore_mem>>)
        %dma_wait3A_101 = tpu.memref_slice %arg2[%add3A_60] : memref<819200xi32, #tpu.memory_space<hbm>> -> memref<512xi32, #tpu.memory_space<hbm>>
        %dma_wait3A_102 = tpu.memref_slice %arg2[%add3A_60] : memref<819200xi32, #tpu.memory_space<hbm>> -> memref<512xi32, #tpu.memory_space<hbm>>
        tpu.wait_dma2 semaphore(%run_scoped3A : memref<!tpu.dma_semaphore, #tpu.memory_space<semaphore_mem>>) src(%dma_wait3A_102 : memref<512xi32, #tpu.memory_space<hbm>>) dst(%arg6 : memref<512xi32, #tpu.memory_space<vmem>>)
        tpu.yield
      }) : () -> ()
      %scan3A_61 = arith.constant 0 : i32
      %scan3A_62 = arith.constant 32 : i32
      %scan3A_63 = arith.addi %scan3A_61, %scan3A_62 : i32
      %scan3A_64 = arith.constant 1 : i32
      scf.for %scan3A_99 = %scan3A_61 to %scan3A_63 step %scan3A_64  : i32 {
        %mul3A_100 = arith.constant 1 : i32
        %mul3A_101 = arith.muli %scan3A_99, %mul3A_100 : i32
        %add3A_102 = arith.constant 0 : i32
        %add3A_103 = arith.addi %add3A_102, %mul3A_101 : i32
        %mul3A_104 = arith.constant 16 : i32
        %mul3A_105 = arith.muli %add3A_103, %mul3A_104 : i32
        %get3A = arith.index_cast %mul3A_105 : i32 to index
        %get3A_106 = tpu.vector_load %arg6[%get3A] {strides = array<i32>} : memref<512xi32, #tpu.memory_space<vmem>>, vector<16xi32>,
        %mul3A_107 = arith.constant 64 : i32
        %mul3A_108 = vector.broadcast %mul3A_107 : i32 to vector<16xi32>
        %mul3A_109 = arith.muli %get3A_106, %mul3A_108 : vector<16xi32>
        %mul3A_110 = arith.constant 16 : i32
        %mul3A_111 = arith.muli %add3A_103, %mul3A_110 : i32
        %add3A_112 = vector.broadcast %mul3A_111 : i32 to vector<16xi32>
        %add3A_113 = arith.addi %iota3A, %add3A_112 : vector<16xi32>
        %mul3A_114 = arith.constant 64 : i32
        %mul3A_115 = vector.broadcast %mul3A_114 : i32 to vector<16xi32>
        %mul3A_116 = arith.muli %add3A_113, %mul3A_115 : vector<16xi32>
        %add3A_117 = arith.constant 0 : i32
        %add3A_118 = vector.broadcast %add3A_117 : i32 to vector<16xi32>
        %add3A_119 = arith.addi %mul3A_109, %add3A_118 : vector<16xi32>
        %gather3A = tpu.vector_load_idx %arg5[%add3A_119] : memref<15360xf32, #tpu.memory_space<vmem>>[vector<16xi32>], vector<16xf32>,
        %add3A_120 = arith.constant 1 : i32
        %add3A_121 = vector.broadcast %add3A_120 : i32 to vector<16xi32>
        %add3A_122 = arith.addi %mul3A_109, %add3A_121 : vector<16xi32>
        %gather3A_123 = tpu.vector_load_idx %arg5[%add3A_122] : memref<15360xf32, #tpu.memory_space<vmem>>[vector<16xi32>], vector<16xf32>,
        %add3A_124 = arith.constant 2 : i32
        %add3A_125 = vector.broadcast %add3A_124 : i32 to vector<16xi32>
        %add3A_126 = arith.addi %mul3A_109, %add3A_125 : vector<16xi32>
        %gather3A_127 = tpu.vector_load_idx %arg5[%add3A_126] : memref<15360xf32, #tpu.memory_space<vmem>>[vector<16xi32>], vector<16xf32>,
        %add3A_128 = arith.constant 3 : i32
        %add3A_129 = vector.broadcast %add3A_128 : i32 to vector<16xi32>
        %add3A_130 = arith.addi %mul3A_109, %add3A_129 : vector<16xi32>
        %gather3A_131 = tpu.vector_load_idx %arg5[%add3A_130] : memref<15360xf32, #tpu.memory_space<vmem>>[vector<16xi32>], vector<16xf32>,
        %add3A_132 = arith.constant 4 : i32
        %add3A_133 = vector.broadcast %add3A_132 : i32 to vector<16xi32>
        %add3A_134 = arith.addi %mul3A_109, %add3A_133 : vector<16xi32>
        %gather3A_135 = tpu.vector_load_idx %arg5[%add3A_134] : memref<15360xf32, #tpu.memory_space<vmem>>[vector<16xi32>], vector<16xf32>,
        %add3A_136 = arith.constant 5 : i32
        %add3A_137 = vector.broadcast %add3A_136 : i32 to vector<16xi32>
        %add3A_138 = arith.addi %mul3A_109, %add3A_137 : vector<16xi32>
        %gather3A_139 = tpu.vector_load_idx %arg5[%add3A_138] : memref<15360xf32, #tpu.memory_space<vmem>>[vector<16xi32>], vector<16xf32>,
        %add3A_140 = arith.constant 6 : i32
        %add3A_141 = vector.broadcast %add3A_140 : i32 to vector<16xi32>
        %add3A_142 = arith.addi %mul3A_109, %add3A_141 : vector<16xi32>
        %gather3A_143 = tpu.vector_load_idx %arg5[%add3A_142] : memref<15360xf32, #tpu.memory_space<vmem>>[vector<16xi32>], vector<16xf32>,
        %add3A_144 = arith.constant 7 : i32
        %add3A_145 = vector.broadcast %add3A_144 : i32 to vector<16xi32>
        %add3A_146 = arith.addi %mul3A_109, %add3A_145 : vector<16xi32>
        %gather3A_147 = tpu.vector_load_idx %arg5[%add3A_146] : memref<15360xf32, #tpu.memory_space<vmem>>[vector<16xi32>], vector<16xf32>,
        %add3A_148 = arith.constant 0 : i32
        %add3A_149 = vector.broadcast %add3A_148 : i32 to vector<16xi32>
        %add3A_150 = arith.addi %mul3A_116, %add3A_149 : vector<16xi32>
        tpu.vector_store_idx %arg7[%add3A_150], %gather3A : memref<32768xf32, #tpu.memory_space<vmem>>[vector<16xi32>], vector<16xf32>,
        %add3A_151 = arith.constant 1 : i32
        %add3A_152 = vector.broadcast %add3A_151 : i32 to vector<16xi32>
        %add3A_153 = arith.addi %mul3A_116, %add3A_152 : vector<16xi32>
        tpu.vector_store_idx %arg7[%add3A_153], %gather3A_123 : memref<32768xf32, #tpu.memory_space<vmem>>[vector<16xi32>], vector<16xf32>,
        %add3A_154 = arith.constant 2 : i32
        %add3A_155 = vector.broadcast %add3A_154 : i32 to vector<16xi32>
        %add3A_156 = arith.addi %mul3A_116, %add3A_155 : vector<16xi32>
        tpu.vector_store_idx %arg7[%add3A_156], %gather3A_127 : memref<32768xf32, #tpu.memory_space<vmem>>[vector<16xi32>], vector<16xf32>,
        %add3A_157 = arith.constant 3 : i32
        %add3A_158 = vector.broadcast %add3A_157 : i32 to vector<16xi32>
        %add3A_159 = arith.addi %mul3A_116, %add3A_158 : vector<16xi32>
        tpu.vector_store_idx %arg7[%add3A_159], %gather3A_131 : memref<32768xf32, #tpu.memory_space<vmem>>[vector<16xi32>], vector<16xf32>,
        %add3A_160 = arith.constant 4 : i32
        %add3A_161 = vector.broadcast %add3A_160 : i32 to vector<16xi32>
        %add3A_162 = arith.addi %mul3A_116, %add3A_161 : vector<16xi32>
        tpu.vector_store_idx %arg7[%add3A_162], %gather3A_135 : memref<32768xf32, #tpu.memory_space<vmem>>[vector<16xi32>], vector<16xf32>,
        %add3A_163 = arith.constant 5 : i32
        %add3A_164 = vector.broadcast %add3A_163 : i32 to vector<16xi32>
        %add3A_165 = arith.addi %mul3A_116, %add3A_164 : vector<16xi32>
        tpu.vector_store_idx %arg7[%add3A_165], %gather3A_139 : memref<32768xf32, #tpu.memory_space<vmem>>[vector<16xi32>], vector<16xf32>,
        %add3A_166 = arith.constant 6 : i32
        %add3A_167 = vector.broadcast %add3A_166 : i32 to vector<16xi32>
        %add3A_168 = arith.addi %mul3A_116, %add3A_167 : vector<16xi32>
        tpu.vector_store_idx %arg7[%add3A_168], %gather3A_143 : memref<32768xf32, #tpu.memory_space<vmem>>[vector<16xi32>], vector<16xf32>,
        %add3A_169 = arith.constant 7 : i32
        %add3A_170 = vector.broadcast %add3A_169 : i32 to vector<16xi32>
        %add3A_171 = arith.addi %mul3A_116, %add3A_170 : vector<16xi32>
        tpu.vector_store_idx %arg7[%add3A_171], %gather3A_147 : memref<32768xf32, #tpu.memory_space<vmem>>[vector<16xi32>], vector<16xf32>,
        %add3A_172 = arith.constant 8 : i32
        %add3A_173 = vector.broadcast %add3A_172 : i32 to vector<16xi32>
        %add3A_174 = arith.addi %mul3A_109, %add3A_173 : vector<16xi32>
        %gather3A_175 = tpu.vector_load_idx %arg5[%add3A_174] : memref<15360xf32, #tpu.memory_space<vmem>>[vector<16xi32>], vector<16xf32>,
        %add3A_176 = arith.constant 9 : i32
        %add3A_177 = vector.broadcast %add3A_176 : i32 to vector<16xi32>
        %add3A_178 = arith.addi %mul3A_109, %add3A_177 : vector<16xi32>
        %gather3A_179 = tpu.vector_load_idx %arg5[%add3A_178] : memref<15360xf32, #tpu.memory_space<vmem>>[vector<16xi32>], vector<16xf32>,
        %add3A_180 = arith.constant 10 : i32
        %add3A_181 = vector.broadcast %add3A_180 : i32 to vector<16xi32>
        %add3A_182 = arith.addi %mul3A_109, %add3A_181 : vector<16xi32>
        %gather3A_183 = tpu.vector_load_idx %arg5[%add3A_182] : memref<15360xf32, #tpu.memory_space<vmem>>[vector<16xi32>], vector<16xf32>,
        %add3A_184 = arith.constant 11 : i32
        %add3A_185 = vector.broadcast %add3A_184 : i32 to vector<16xi32>
        %add3A_186 = arith.addi %mul3A_109, %add3A_185 : vector<16xi32>
        %gather3A_187 = tpu.vector_load_idx %arg5[%add3A_186] : memref<15360xf32, #tpu.memory_space<vmem>>[vector<16xi32>], vector<16xf32>,
        %add3A_188 = arith.constant 12 : i32
        %add3A_189 = vector.broadcast %add3A_188 : i32 to vector<16xi32>
        %add3A_190 = arith.addi %mul3A_109, %add3A_189 : vector<16xi32>
        %gather3A_191 = tpu.vector_load_idx %arg5[%add3A_190] : memref<15360xf32, #tpu.memory_space<vmem>>[vector<16xi32>], vector<16xf32>,
        %add3A_192 = arith.constant 13 : i32
        %add3A_193 = vector.broadcast %add3A_192 : i32 to vector<16xi32>
        %add3A_194 = arith.addi %mul3A_109, %add3A_193 : vector<16xi32>
        %gather3A_195 = tpu.vector_load_idx %arg5[%add3A_194] : memref<15360xf32, #tpu.memory_space<vmem>>[vector<16xi32>], vector<16xf32>,
        %add3A_196 = arith.constant 14 : i32
        %add3A_197 = vector.broadcast %add3A_196 : i32 to vector<16xi32>
        %add3A_198 = arith.addi %mul3A_109, %add3A_197 : vector<16xi32>
        %gather3A_199 = tpu.vector_load_idx %arg5[%add3A_198] : memref<15360xf32, #tpu.memory_space<vmem>>[vector<16xi32>], vector<16xf32>,
        %add3A_200 = arith.constant 15 : i32
        %add3A_201 = vector.broadcast %add3A_200 : i32 to vector<16xi32>
        %add3A_202 = arith.addi %mul3A_109, %add3A_201 : vector<16xi32>
        %gather3A_203 = tpu.vector_load_idx %arg5[%add3A_202] : memref<15360xf32, #tpu.memory_space<vmem>>[vector<16xi32>], vector<16xf32>,
        %add3A_204 = arith.constant 8 : i32
        %add3A_205 = vector.broadcast %add3A_204 : i32 to vector<16xi32>
        %add3A_206 = arith.addi %mul3A_116, %add3A_205 : vector<16xi32>
        tpu.vector_store_idx %arg7[%add3A_206], %gather3A_175 : memref<32768xf32, #tpu.memory_space<vmem>>[vector<16xi32>], vector<16xf32>,
        %add3A_207 = arith.constant 9 : i32
        %add3A_208 = vector.broadcast %add3A_207 : i32 to vector<16xi32>
        %add3A_209 = arith.addi %mul3A_116, %add3A_208 : vector<16xi32>
        tpu.vector_store_idx %arg7[%add3A_209], %gather3A_179 : memref<32768xf32, #tpu.memory_space<vmem>>[vector<16xi32>], vector<16xf32>,
        %add3A_210 = arith.constant 10 : i32
        %add3A_211 = vector.broadcast %add3A_210 : i32 to vector<16xi32>
        %add3A_212 = arith.addi %mul3A_116, %add3A_211 : vector<16xi32>
        tpu.vector_store_idx %arg7[%add3A_212], %gather3A_183 : memref<32768xf32, #tpu.memory_space<vmem>>[vector<16xi32>], vector<16xf32>,
        %add3A_213 = arith.constant 11 : i32
        %add3A_214 = vector.broadcast %add3A_213 : i32 to vector<16xi32>
        %add3A_215 = arith.addi %mul3A_116, %add3A_214 : vector<16xi32>
        tpu.vector_store_idx %arg7[%add3A_215], %gather3A_187 : memref<32768xf32, #tpu.memory_space<vmem>>[vector<16xi32>], vector<16xf32>,
        %add3A_216 = arith.constant 12 : i32
        %add3A_217 = vector.broadcast %add3A_216 : i32 to vector<16xi32>
        %add3A_218 = arith.addi %mul3A_116, %add3A_217 : vector<16xi32>
        tpu.vector_store_idx %arg7[%add3A_218], %gather3A_191 : memref<32768xf32, #tpu.memory_space<vmem>>[vector<16xi32>], vector<16xf32>,
        %add3A_219 = arith.constant 13 : i32
        %add3A_220 = vector.broadcast %add3A_219 : i32 to vector<16xi32>
        %add3A_221 = arith.addi %mul3A_116, %add3A_220 : vector<16xi32>
        tpu.vector_store_idx %arg7[%add3A_221], %gather3A_195 : memref<32768xf32, #tpu.memory_space<vmem>>[vector<16xi32>], vector<16xf32>,
        %add3A_222 = arith.constant 14 : i32
        %add3A_223 = vector.broadcast %add3A_222 : i32 to vector<16xi32>
        %add3A_224 = arith.addi %mul3A_116, %add3A_223 : vector<16xi32>
        tpu.vector_store_idx %arg7[%add3A_224], %gather3A_199 : memref<32768xf32, #tpu.memory_space<vmem>>[vector<16xi32>], vector<16xf32>,
        %add3A_225 = arith.constant 15 : i32
        %add3A_226 = vector.broadcast %add3A_225 : i32 to vector<16xi32>
        %add3A_227 = arith.addi %mul3A_116, %add3A_226 : vector<16xi32>
        tpu.vector_store_idx %arg7[%add3A_227], %gather3A_203 : memref<32768xf32, #tpu.memory_space<vmem>>[vector<16xi32>], vector<16xf32>,
        %add3A_228 = arith.constant 16 : i32
        %add3A_229 = vector.broadcast %add3A_228 : i32 to vector<16xi32>
        %add3A_230 = arith.addi %mul3A_109, %add3A_229 : vector<16xi32>
        %gather3A_231 = tpu.vector_load_idx %arg5[%add3A_230] : memref<15360xf32, #tpu.memory_space<vmem>>[vector<16xi32>], vector<16xf32>,
        %add3A_232 = arith.constant 17 : i32
        %add3A_233 = vector.broadcast %add3A_232 : i32 to vector<16xi32>
        %add3A_234 = arith.addi %mul3A_109, %add3A_233 : vector<16xi32>
        %gather3A_235 = tpu.vector_load_idx %arg5[%add3A_234] : memref<15360xf32, #tpu.memory_space<vmem>>[vector<16xi32>], vector<16xf32>,
        %add3A_236 = arith.constant 18 : i32
        %add3A_237 = vector.broadcast %add3A_236 : i32 to vector<16xi32>
        %add3A_238 = arith.addi %mul3A_109, %add3A_237 : vector<16xi32>
        %gather3A_239 = tpu.vector_load_idx %arg5[%add3A_238] : memref<15360xf32, #tpu.memory_space<vmem>>[vector<16xi32>], vector<16xf32>,
        %add3A_240 = arith.constant 19 : i32
        %add3A_241 = vector.broadcast %add3A_240 : i32 to vector<16xi32>
        %add3A_242 = arith.addi %mul3A_109, %add3A_241 : vector<16xi32>
        %gather3A_243 = tpu.vector_load_idx %arg5[%add3A_242] : memref<15360xf32, #tpu.memory_space<vmem>>[vector<16xi32>], vector<16xf32>,
        %add3A_244 = arith.constant 20 : i32
        %add3A_245 = vector.broadcast %add3A_244 : i32 to vector<16xi32>
        %add3A_246 = arith.addi %mul3A_109, %add3A_245 : vector<16xi32>
        %gather3A_247 = tpu.vector_load_idx %arg5[%add3A_246] : memref<15360xf32, #tpu.memory_space<vmem>>[vector<16xi32>], vector<16xf32>,
        %add3A_248 = arith.constant 21 : i32
        %add3A_249 = vector.broadcast %add3A_248 : i32 to vector<16xi32>
        %add3A_250 = arith.addi %mul3A_109, %add3A_249 : vector<16xi32>
        %gather3A_251 = tpu.vector_load_idx %arg5[%add3A_250] : memref<15360xf32, #tpu.memory_space<vmem>>[vector<16xi32>], vector<16xf32>,
        %add3A_252 = arith.constant 22 : i32
        %add3A_253 = vector.broadcast %add3A_252 : i32 to vector<16xi32>
        %add3A_254 = arith.addi %mul3A_109, %add3A_253 : vector<16xi32>
        %gather3A_255 = tpu.vector_load_idx %arg5[%add3A_254] : memref<15360xf32, #tpu.memory_space<vmem>>[vector<16xi32>], vector<16xf32>,
        %add3A_256 = arith.constant 23 : i32
        %add3A_257 = vector.broadcast %add3A_256 : i32 to vector<16xi32>
        %add3A_258 = arith.addi %mul3A_109, %add3A_257 : vector<16xi32>
        %gather3A_259 = tpu.vector_load_idx %arg5[%add3A_258] : memref<15360xf32, #tpu.memory_space<vmem>>[vector<16xi32>], vector<16xf32>,
        %add3A_260 = arith.constant 16 : i32
        %add3A_261 = vector.broadcast %add3A_260 : i32 to vector<16xi32>
        %add3A_262 = arith.addi %mul3A_116, %add3A_261 : vector<16xi32>
        tpu.vector_store_idx %arg7[%add3A_262], %gather3A_231 : memref<32768xf32, #tpu.memory_space<vmem>>[vector<16xi32>], vector<16xf32>,
        %add3A_263 = arith.constant 17 : i32
        %add3A_264 = vector.broadcast %add3A_263 : i32 to vector<16xi32>
        %add3A_265 = arith.addi %mul3A_116, %add3A_264 : vector<16xi32>
        tpu.vector_store_idx %arg7[%add3A_265], %gather3A_235 : memref<32768xf32, #tpu.memory_space<vmem>>[vector<16xi32>], vector<16xf32>,
        %add3A_266 = arith.constant 18 : i32
        %add3A_267 = vector.broadcast %add3A_266 : i32 to vector<16xi32>
        %add3A_268 = arith.addi %mul3A_116, %add3A_267 : vector<16xi32>
        tpu.vector_store_idx %arg7[%add3A_268], %gather3A_239 : memref<32768xf32, #tpu.memory_space<vmem>>[vector<16xi32>], vector<16xf32>,
        %add3A_269 = arith.constant 19 : i32
        %add3A_270 = vector.broadcast %add3A_269 : i32 to vector<16xi32>
        %add3A_271 = arith.addi %mul3A_116, %add3A_270 : vector<16xi32>
        tpu.vector_store_idx %arg7[%add3A_271], %gather3A_243 : memref<32768xf32, #tpu.memory_space<vmem>>[vector<16xi32>], vector<16xf32>,
        %add3A_272 = arith.constant 20 : i32
        %add3A_273 = vector.broadcast %add3A_272 : i32 to vector<16xi32>
        %add3A_274 = arith.addi %mul3A_116, %add3A_273 : vector<16xi32>
        tpu.vector_store_idx %arg7[%add3A_274], %gather3A_247 : memref<32768xf32, #tpu.memory_space<vmem>>[vector<16xi32>], vector<16xf32>,
        %add3A_275 = arith.constant 21 : i32
        %add3A_276 = vector.broadcast %add3A_275 : i32 to vector<16xi32>
        %add3A_277 = arith.addi %mul3A_116, %add3A_276 : vector<16xi32>
        tpu.vector_store_idx %arg7[%add3A_277], %gather3A_251 : memref<32768xf32, #tpu.memory_space<vmem>>[vector<16xi32>], vector<16xf32>,
        %add3A_278 = arith.constant 22 : i32
        %add3A_279 = vector.broadcast %add3A_278 : i32 to vector<16xi32>
        %add3A_280 = arith.addi %mul3A_116, %add3A_279 : vector<16xi32>
        tpu.vector_store_idx %arg7[%add3A_280], %gather3A_255 : memref<32768xf32, #tpu.memory_space<vmem>>[vector<16xi32>], vector<16xf32>,
        %add3A_281 = arith.constant 23 : i32
        %add3A_282 = vector.broadcast %add3A_281 : i32 to vector<16xi32>
        %add3A_283 = arith.addi %mul3A_116, %add3A_282 : vector<16xi32>
        tpu.vector_store_idx %arg7[%add3A_283], %gather3A_259 : memref<32768xf32, #tpu.memory_space<vmem>>[vector<16xi32>], vector<16xf32>,
        %add3A_284 = arith.constant 24 : i32
        %add3A_285 = vector.broadcast %add3A_284 : i32 to vector<16xi32>
        %add3A_286 = arith.addi %mul3A_109, %add3A_285 : vector<16xi32>
        %gather3A_287 = tpu.vector_load_idx %arg5[%add3A_286] : memref<15360xf32, #tpu.memory_space<vmem>>[vector<16xi32>], vector<16xf32>,
        %add3A_288 = arith.constant 25 : i32
        %add3A_289 = vector.broadcast %add3A_288 : i32 to vector<16xi32>
        %add3A_290 = arith.addi %mul3A_109, %add3A_289 : vector<16xi32>
        %gather3A_291 = tpu.vector_load_idx %arg5[%add3A_290] : memref<15360xf32, #tpu.memory_space<vmem>>[vector<16xi32>], vector<16xf32>,
        %add3A_292 = arith.constant 26 : i32
        %add3A_293 = vector.broadcast %add3A_292 : i32 to vector<16xi32>
        %add3A_294 = arith.addi %mul3A_109, %add3A_293 : vector<16xi32>
        %gather3A_295 = tpu.vector_load_idx %arg5[%add3A_294] : memref<15360xf32, #tpu.memory_space<vmem>>[vector<16xi32>], vector<16xf32>,
        %add3A_296 = arith.constant 27 : i32
        %add3A_297 = vector.broadcast %add3A_296 : i32 to vector<16xi32>
        %add3A_298 = arith.addi %mul3A_109, %add3A_297 : vector<16xi32>
        %gather3A_299 = tpu.vector_load_idx %arg5[%add3A_298] : memref<15360xf32, #tpu.memory_space<vmem>>[vector<16xi32>], vector<16xf32>,
        %add3A_300 = arith.constant 28 : i32
        %add3A_301 = vector.broadcast %add3A_300 : i32 to vector<16xi32>
        %add3A_302 = arith.addi %mul3A_109, %add3A_301 : vector<16xi32>
        %gather3A_303 = tpu.vector_load_idx %arg5[%add3A_302] : memref<15360xf32, #tpu.memory_space<vmem>>[vector<16xi32>], vector<16xf32>,
        %add3A_304 = arith.constant 29 : i32
        %add3A_305 = vector.broadcast %add3A_304 : i32 to vector<16xi32>
        %add3A_306 = arith.addi %mul3A_109, %add3A_305 : vector<16xi32>
        %gather3A_307 = tpu.vector_load_idx %arg5[%add3A_306] : memref<15360xf32, #tpu.memory_space<vmem>>[vector<16xi32>], vector<16xf32>,
        %add3A_308 = arith.constant 30 : i32
        %add3A_309 = vector.broadcast %add3A_308 : i32 to vector<16xi32>
        %add3A_310 = arith.addi %mul3A_109, %add3A_309 : vector<16xi32>
        %gather3A_311 = tpu.vector_load_idx %arg5[%add3A_310] : memref<15360xf32, #tpu.memory_space<vmem>>[vector<16xi32>], vector<16xf32>,
        %add3A_312 = arith.constant 31 : i32
        %add3A_313 = vector.broadcast %add3A_312 : i32 to vector<16xi32>
        %add3A_314 = arith.addi %mul3A_109, %add3A_313 : vector<16xi32>
        %gather3A_315 = tpu.vector_load_idx %arg5[%add3A_314] : memref<15360xf32, #tpu.memory_space<vmem>>[vector<16xi32>], vector<16xf32>,
        %add3A_316 = arith.constant 24 : i32
        %add3A_317 = vector.broadcast %add3A_316 : i32 to vector<16xi32>
        %add3A_318 = arith.addi %mul3A_116, %add3A_317 : vector<16xi32>
        tpu.vector_store_idx %arg7[%add3A_318], %gather3A_287 : memref<32768xf32, #tpu.memory_space<vmem>>[vector<16xi32>], vector<16xf32>,
        %add3A_319 = arith.constant 25 : i32
        %add3A_320 = vector.broadcast %add3A_319 : i32 to vector<16xi32>
        %add3A_321 = arith.addi %mul3A_116, %add3A_320 : vector<16xi32>
        tpu.vector_store_idx %arg7[%add3A_321], %gather3A_291 : memref<32768xf32, #tpu.memory_space<vmem>>[vector<16xi32>], vector<16xf32>,
        %add3A_322 = arith.constant 26 : i32
        %add3A_323 = vector.broadcast %add3A_322 : i32 to vector<16xi32>
        %add3A_324 = arith.addi %mul3A_116, %add3A_323 : vector<16xi32>
        tpu.vector_store_idx %arg7[%add3A_324], %gather3A_295 : memref<32768xf32, #tpu.memory_space<vmem>>[vector<16xi32>], vector<16xf32>,
        %add3A_325 = arith.constant 27 : i32
        %add3A_326 = vector.broadcast %add3A_325 : i32 to vector<16xi32>
        %add3A_327 = arith.addi %mul3A_116, %add3A_326 : vector<16xi32>
        tpu.vector_store_idx %arg7[%add3A_327], %gather3A_299 : memref<32768xf32, #tpu.memory_space<vmem>>[vector<16xi32>], vector<16xf32>,
        %add3A_328 = arith.constant 28 : i32
        %add3A_329 = vector.broadcast %add3A_328 : i32 to vector<16xi32>
        %add3A_330 = arith.addi %mul3A_116, %add3A_329 : vector<16xi32>
        tpu.vector_store_idx %arg7[%add3A_330], %gather3A_303 : memref<32768xf32, #tpu.memory_space<vmem>>[vector<16xi32>], vector<16xf32>,
        %add3A_331 = arith.constant 29 : i32
        %add3A_332 = vector.broadcast %add3A_331 : i32 to vector<16xi32>
        %add3A_333 = arith.addi %mul3A_116, %add3A_332 : vector<16xi32>
        tpu.vector_store_idx %arg7[%add3A_333], %gather3A_307 : memref<32768xf32, #tpu.memory_space<vmem>>[vector<16xi32>], vector<16xf32>,
        %add3A_334 = arith.constant 30 : i32
        %add3A_335 = vector.broadcast %add3A_334 : i32 to vector<16xi32>
        %add3A_336 = arith.addi %mul3A_116, %add3A_335 : vector<16xi32>
        tpu.vector_store_idx %arg7[%add3A_336], %gather3A_311 : memref<32768xf32, #tpu.memory_space<vmem>>[vector<16xi32>], vector<16xf32>,
        %add3A_337 = arith.constant 31 : i32
        %add3A_338 = vector.broadcast %add3A_337 : i32 to vector<16xi32>
        %add3A_339 = arith.addi %mul3A_116, %add3A_338 : vector<16xi32>
        tpu.vector_store_idx %arg7[%add3A_339], %gather3A_315 : memref<32768xf32, #tpu.memory_space<vmem>>[vector<16xi32>], vector<16xf32>,
        %add3A_340 = arith.constant 32 : i32
        %add3A_341 = vector.broadcast %add3A_340 : i32 to vector<16xi32>
        %add3A_342 = arith.addi %mul3A_109, %add3A_341 : vector<16xi32>
        %gather3A_343 = tpu.vector_load_idx %arg5[%add3A_342] : memref<15360xf32, #tpu.memory_space<vmem>>[vector<16xi32>], vector<16xf32>,
        %add3A_344 = arith.constant 33 : i32
        %add3A_345 = vector.broadcast %add3A_344 : i32 to vector<16xi32>
        %add3A_346 = arith.addi %mul3A_109, %add3A_345 : vector<16xi32>
        %gather3A_347 = tpu.vector_load_idx %arg5[%add3A_346] : memref<15360xf32, #tpu.memory_space<vmem>>[vector<16xi32>], vector<16xf32>,
        %add3A_348 = arith.constant 34 : i32
        %add3A_349 = vector.broadcast %add3A_348 : i32 to vector<16xi32>
        %add3A_350 = arith.addi %mul3A_109, %add3A_349 : vector<16xi32>
        %gather3A_351 = tpu.vector_load_idx %arg5[%add3A_350] : memref<15360xf32, #tpu.memory_space<vmem>>[vector<16xi32>], vector<16xf32>,
        %add3A_352 = arith.constant 35 : i32
        %add3A_353 = vector.broadcast %add3A_352 : i32 to vector<16xi32>
        %add3A_354 = arith.addi %mul3A_109, %add3A_353 : vector<16xi32>
        %gather3A_355 = tpu.vector_load_idx %arg5[%add3A_354] : memref<15360xf32, #tpu.memory_space<vmem>>[vector<16xi32>], vector<16xf32>,
        %add3A_356 = arith.constant 36 : i32
        %add3A_357 = vector.broadcast %add3A_356 : i32 to vector<16xi32>
        %add3A_358 = arith.addi %mul3A_109, %add3A_357 : vector<16xi32>
        %gather3A_359 = tpu.vector_load_idx %arg5[%add3A_358] : memref<15360xf32, #tpu.memory_space<vmem>>[vector<16xi32>], vector<16xf32>,
        %add3A_360 = arith.constant 37 : i32
        %add3A_361 = vector.broadcast %add3A_360 : i32 to vector<16xi32>
        %add3A_362 = arith.addi %mul3A_109, %add3A_361 : vector<16xi32>
        %gather3A_363 = tpu.vector_load_idx %arg5[%add3A_362] : memref<15360xf32, #tpu.memory_space<vmem>>[vector<16xi32>], vector<16xf32>,
        %add3A_364 = arith.constant 38 : i32
        %add3A_365 = vector.broadcast %add3A_364 : i32 to vector<16xi32>
        %add3A_366 = arith.addi %mul3A_109, %add3A_365 : vector<16xi32>
        %gather3A_367 = tpu.vector_load_idx %arg5[%add3A_366] : memref<15360xf32, #tpu.memory_space<vmem>>[vector<16xi32>], vector<16xf32>,
        %add3A_368 = arith.constant 39 : i32
        %add3A_369 = vector.broadcast %add3A_368 : i32 to vector<16xi32>
        %add3A_370 = arith.addi %mul3A_109, %add3A_369 : vector<16xi32>
        %gather3A_371 = tpu.vector_load_idx %arg5[%add3A_370] : memref<15360xf32, #tpu.memory_space<vmem>>[vector<16xi32>], vector<16xf32>,
        %add3A_372 = arith.constant 32 : i32
        %add3A_373 = vector.broadcast %add3A_372 : i32 to vector<16xi32>
        %add3A_374 = arith.addi %mul3A_116, %add3A_373 : vector<16xi32>
        tpu.vector_store_idx %arg7[%add3A_374], %gather3A_343 : memref<32768xf32, #tpu.memory_space<vmem>>[vector<16xi32>], vector<16xf32>,
        %add3A_375 = arith.constant 33 : i32
        %add3A_376 = vector.broadcast %add3A_375 : i32 to vector<16xi32>
        %add3A_377 = arith.addi %mul3A_116, %add3A_376 : vector<16xi32>
        tpu.vector_store_idx %arg7[%add3A_377], %gather3A_347 : memref<32768xf32, #tpu.memory_space<vmem>>[vector<16xi32>], vector<16xf32>,
        %add3A_378 = arith.constant 34 : i32
        %add3A_379 = vector.broadcast %add3A_378 : i32 to vector<16xi32>
        %add3A_380 = arith.addi %mul3A_116, %add3A_379 : vector<16xi32>
        tpu.vector_store_idx %arg7[%add3A_380], %gather3A_351 : memref<32768xf32, #tpu.memory_space<vmem>>[vector<16xi32>], vector<16xf32>,
        %add3A_381 = arith.constant 35 : i32
        %add3A_382 = vector.broadcast %add3A_381 : i32 to vector<16xi32>
        %add3A_383 = arith.addi %mul3A_116, %add3A_382 : vector<16xi32>
        tpu.vector_store_idx %arg7[%add3A_383], %gather3A_355 : memref<32768xf32, #tpu.memory_space<vmem>>[vector<16xi32>], vector<16xf32>,
        %add3A_384 = arith.constant 36 : i32
        %add3A_385 = vector.broadcast %add3A_384 : i32 to vector<16xi32>
        %add3A_386 = arith.addi %mul3A_116, %add3A_385 : vector<16xi32>
        tpu.vector_store_idx %arg7[%add3A_386], %gather3A_359 : memref<32768xf32, #tpu.memory_space<vmem>>[vector<16xi32>], vector<16xf32>,
        %add3A_387 = arith.constant 37 : i32
        %add3A_388 = vector.broadcast %add3A_387 : i32 to vector<16xi32>
        %add3A_389 = arith.addi %mul3A_116, %add3A_388 : vector<16xi32>
        tpu.vector_store_idx %arg7[%add3A_389], %gather3A_363 : memref<32768xf32, #tpu.memory_space<vmem>>[vector<16xi32>], vector<16xf32>,
        %add3A_390 = arith.constant 38 : i32
        %add3A_391 = vector.broadcast %add3A_390 : i32 to vector<16xi32>
        %add3A_392 = arith.addi %mul3A_116, %add3A_391 : vector<16xi32>
        tpu.vector_store_idx %arg7[%add3A_392], %gather3A_367 : memref<32768xf32, #tpu.memory_space<vmem>>[vector<16xi32>], vector<16xf32>,
        %add3A_393 = arith.constant 39 : i32
        %add3A_394 = vector.broadcast %add3A_393 : i32 to vector<16xi32>
        %add3A_395 = arith.addi %mul3A_116, %add3A_394 : vector<16xi32>
        tpu.vector_store_idx %arg7[%add3A_395], %gather3A_371 : memref<32768xf32, #tpu.memory_space<vmem>>[vector<16xi32>], vector<16xf32>,
        %add3A_396 = arith.constant 40 : i32
        %add3A_397 = vector.broadcast %add3A_396 : i32 to vector<16xi32>
        %add3A_398 = arith.addi %mul3A_109, %add3A_397 : vector<16xi32>
        %gather3A_399 = tpu.vector_load_idx %arg5[%add3A_398] : memref<15360xf32, #tpu.memory_space<vmem>>[vector<16xi32>], vector<16xf32>,
        %add3A_400 = arith.constant 41 : i32
        %add3A_401 = vector.broadcast %add3A_400 : i32 to vector<16xi32>
        %add3A_402 = arith.addi %mul3A_109, %add3A_401 : vector<16xi32>
        %gather3A_403 = tpu.vector_load_idx %arg5[%add3A_402] : memref<15360xf32, #tpu.memory_space<vmem>>[vector<16xi32>], vector<16xf32>,
        %add3A_404 = arith.constant 42 : i32
        %add3A_405 = vector.broadcast %add3A_404 : i32 to vector<16xi32>
        %add3A_406 = arith.addi %mul3A_109, %add3A_405 : vector<16xi32>
        %gather3A_407 = tpu.vector_load_idx %arg5[%add3A_406] : memref<15360xf32, #tpu.memory_space<vmem>>[vector<16xi32>], vector<16xf32>,
        %add3A_408 = arith.constant 43 : i32
        %add3A_409 = vector.broadcast %add3A_408 : i32 to vector<16xi32>
        %add3A_410 = arith.addi %mul3A_109, %add3A_409 : vector<16xi32>
        %gather3A_411 = tpu.vector_load_idx %arg5[%add3A_410] : memref<15360xf32, #tpu.memory_space<vmem>>[vector<16xi32>], vector<16xf32>,
        %add3A_412 = arith.constant 44 : i32
        %add3A_413 = vector.broadcast %add3A_412 : i32 to vector<16xi32>
        %add3A_414 = arith.addi %mul3A_109, %add3A_413 : vector<16xi32>
        %gather3A_415 = tpu.vector_load_idx %arg5[%add3A_414] : memref<15360xf32, #tpu.memory_space<vmem>>[vector<16xi32>], vector<16xf32>,
        %add3A_416 = arith.constant 45 : i32
        %add3A_417 = vector.broadcast %add3A_416 : i32 to vector<16xi32>
        %add3A_418 = arith.addi %mul3A_109, %add3A_417 : vector<16xi32>
        %gather3A_419 = tpu.vector_load_idx %arg5[%add3A_418] : memref<15360xf32, #tpu.memory_space<vmem>>[vector<16xi32>], vector<16xf32>,
        %add3A_420 = arith.constant 46 : i32
        %add3A_421 = vector.broadcast %add3A_420 : i32 to vector<16xi32>
        %add3A_422 = arith.addi %mul3A_109, %add3A_421 : vector<16xi32>
        %gather3A_423 = tpu.vector_load_idx %arg5[%add3A_422] : memref<15360xf32, #tpu.memory_space<vmem>>[vector<16xi32>], vector<16xf32>,
        %add3A_424 = arith.constant 47 : i32
        %add3A_425 = vector.broadcast %add3A_424 : i32 to vector<16xi32>
        %add3A_426 = arith.addi %mul3A_109, %add3A_425 : vector<16xi32>
        %gather3A_427 = tpu.vector_load_idx %arg5[%add3A_426] : memref<15360xf32, #tpu.memory_space<vmem>>[vector<16xi32>], vector<16xf32>,
        %add3A_428 = arith.constant 40 : i32
        %add3A_429 = vector.broadcast %add3A_428 : i32 to vector<16xi32>
        %add3A_430 = arith.addi %mul3A_116, %add3A_429 : vector<16xi32>
        tpu.vector_store_idx %arg7[%add3A_430], %gather3A_399 : memref<32768xf32, #tpu.memory_space<vmem>>[vector<16xi32>], vector<16xf32>,
        %add3A_431 = arith.constant 41 : i32
        %add3A_432 = vector.broadcast %add3A_431 : i32 to vector<16xi32>
        %add3A_433 = arith.addi %mul3A_116, %add3A_432 : vector<16xi32>
        tpu.vector_store_idx %arg7[%add3A_433], %gather3A_403 : memref<32768xf32, #tpu.memory_space<vmem>>[vector<16xi32>], vector<16xf32>,
        %add3A_434 = arith.constant 42 : i32
        %add3A_435 = vector.broadcast %add3A_434 : i32 to vector<16xi32>
        %add3A_436 = arith.addi %mul3A_116, %add3A_435 : vector<16xi32>
        tpu.vector_store_idx %arg7[%add3A_436], %gather3A_407 : memref<32768xf32, #tpu.memory_space<vmem>>[vector<16xi32>], vector<16xf32>,
        %add3A_437 = arith.constant 43 : i32
        %add3A_438 = vector.broadcast %add3A_437 : i32 to vector<16xi32>
        %add3A_439 = arith.addi %mul3A_116, %add3A_438 : vector<16xi32>
        tpu.vector_store_idx %arg7[%add3A_439], %gather3A_411 : memref<32768xf32, #tpu.memory_space<vmem>>[vector<16xi32>], vector<16xf32>,
        %add3A_440 = arith.constant 44 : i32
        %add3A_441 = vector.broadcast %add3A_440 : i32 to vector<16xi32>
        %add3A_442 = arith.addi %mul3A_116, %add3A_441 : vector<16xi32>
        tpu.vector_store_idx %arg7[%add3A_442], %gather3A_415 : memref<32768xf32, #tpu.memory_space<vmem>>[vector<16xi32>], vector<16xf32>,
        %add3A_443 = arith.constant 45 : i32
        %add3A_444 = vector.broadcast %add3A_443 : i32 to vector<16xi32>
        %add3A_445 = arith.addi %mul3A_116, %add3A_444 : vector<16xi32>
        tpu.vector_store_idx %arg7[%add3A_445], %gather3A_419 : memref<32768xf32, #tpu.memory_space<vmem>>[vector<16xi32>], vector<16xf32>,
        %add3A_446 = arith.constant 46 : i32
        %add3A_447 = vector.broadcast %add3A_446 : i32 to vector<16xi32>
        %add3A_448 = arith.addi %mul3A_116, %add3A_447 : vector<16xi32>
        tpu.vector_store_idx %arg7[%add3A_448], %gather3A_423 : memref<32768xf32, #tpu.memory_space<vmem>>[vector<16xi32>], vector<16xf32>,
        %add3A_449 = arith.constant 47 : i32
        %add3A_450 = vector.broadcast %add3A_449 : i32 to vector<16xi32>
        %add3A_451 = arith.addi %mul3A_116, %add3A_450 : vector<16xi32>
        tpu.vector_store_idx %arg7[%add3A_451], %gather3A_427 : memref<32768xf32, #tpu.memory_space<vmem>>[vector<16xi32>], vector<16xf32>,
        %add3A_452 = arith.constant 48 : i32
        %add3A_453 = vector.broadcast %add3A_452 : i32 to vector<16xi32>
        %add3A_454 = arith.addi %mul3A_109, %add3A_453 : vector<16xi32>
        %gather3A_455 = tpu.vector_load_idx %arg5[%add3A_454] : memref<15360xf32, #tpu.memory_space<vmem>>[vector<16xi32>], vector<16xf32>,
        %add3A_456 = arith.constant 49 : i32
        %add3A_457 = vector.broadcast %add3A_456 : i32 to vector<16xi32>
        %add3A_458 = arith.addi %mul3A_109, %add3A_457 : vector<16xi32>
        %gather3A_459 = tpu.vector_load_idx %arg5[%add3A_458] : memref<15360xf32, #tpu.memory_space<vmem>>[vector<16xi32>], vector<16xf32>,
        %add3A_460 = arith.constant 50 : i32
        %add3A_461 = vector.broadcast %add3A_460 : i32 to vector<16xi32>
        %add3A_462 = arith.addi %mul3A_109, %add3A_461 : vector<16xi32>
        %gather3A_463 = tpu.vector_load_idx %arg5[%add3A_462] : memref<15360xf32, #tpu.memory_space<vmem>>[vector<16xi32>], vector<16xf32>,
        %add3A_464 = arith.constant 51 : i32
        %add3A_465 = vector.broadcast %add3A_464 : i32 to vector<16xi32>
        %add3A_466 = arith.addi %mul3A_109, %add3A_465 : vector<16xi32>
        %gather3A_467 = tpu.vector_load_idx %arg5[%add3A_466] : memref<15360xf32, #tpu.memory_space<vmem>>[vector<16xi32>], vector<16xf32>,
        %add3A_468 = arith.constant 52 : i32
        %add3A_469 = vector.broadcast %add3A_468 : i32 to vector<16xi32>
        %add3A_470 = arith.addi %mul3A_109, %add3A_469 : vector<16xi32>
        %gather3A_471 = tpu.vector_load_idx %arg5[%add3A_470] : memref<15360xf32, #tpu.memory_space<vmem>>[vector<16xi32>], vector<16xf32>,
        %add3A_472 = arith.constant 53 : i32
        %add3A_473 = vector.broadcast %add3A_472 : i32 to vector<16xi32>
        %add3A_474 = arith.addi %mul3A_109, %add3A_473 : vector<16xi32>
        %gather3A_475 = tpu.vector_load_idx %arg5[%add3A_474] : memref<15360xf32, #tpu.memory_space<vmem>>[vector<16xi32>], vector<16xf32>,
        %add3A_476 = arith.constant 54 : i32
        %add3A_477 = vector.broadcast %add3A_476 : i32 to vector<16xi32>
        %add3A_478 = arith.addi %mul3A_109, %add3A_477 : vector<16xi32>
        %gather3A_479 = tpu.vector_load_idx %arg5[%add3A_478] : memref<15360xf32, #tpu.memory_space<vmem>>[vector<16xi32>], vector<16xf32>,
        %add3A_480 = arith.constant 55 : i32
        %add3A_481 = vector.broadcast %add3A_480 : i32 to vector<16xi32>
        %add3A_482 = arith.addi %mul3A_109, %add3A_481 : vector<16xi32>
        %gather3A_483 = tpu.vector_load_idx %arg5[%add3A_482] : memref<15360xf32, #tpu.memory_space<vmem>>[vector<16xi32>], vector<16xf32>,
        %add3A_484 = arith.constant 48 : i32
        %add3A_485 = vector.broadcast %add3A_484 : i32 to vector<16xi32>
        %add3A_486 = arith.addi %mul3A_116, %add3A_485 : vector<16xi32>
        tpu.vector_store_idx %arg7[%add3A_486], %gather3A_455 : memref<32768xf32, #tpu.memory_space<vmem>>[vector<16xi32>], vector<16xf32>,
        %add3A_487 = arith.constant 49 : i32
        %add3A_488 = vector.broadcast %add3A_487 : i32 to vector<16xi32>
        %add3A_489 = arith.addi %mul3A_116, %add3A_488 : vector<16xi32>
        tpu.vector_store_idx %arg7[%add3A_489], %gather3A_459 : memref<32768xf32, #tpu.memory_space<vmem>>[vector<16xi32>], vector<16xf32>,
        %add3A_490 = arith.constant 50 : i32
        %add3A_491 = vector.broadcast %add3A_490 : i32 to vector<16xi32>
        %add3A_492 = arith.addi %mul3A_116, %add3A_491 : vector<16xi32>
        tpu.vector_store_idx %arg7[%add3A_492], %gather3A_463 : memref<32768xf32, #tpu.memory_space<vmem>>[vector<16xi32>], vector<16xf32>,
        %add3A_493 = arith.constant 51 : i32
        %add3A_494 = vector.broadcast %add3A_493 : i32 to vector<16xi32>
        %add3A_495 = arith.addi %mul3A_116, %add3A_494 : vector<16xi32>
        tpu.vector_store_idx %arg7[%add3A_495], %gather3A_467 : memref<32768xf32, #tpu.memory_space<vmem>>[vector<16xi32>], vector<16xf32>,
        %add3A_496 = arith.constant 52 : i32
        %add3A_497 = vector.broadcast %add3A_496 : i32 to vector<16xi32>
        %add3A_498 = arith.addi %mul3A_116, %add3A_497 : vector<16xi32>
        tpu.vector_store_idx %arg7[%add3A_498], %gather3A_471 : memref<32768xf32, #tpu.memory_space<vmem>>[vector<16xi32>], vector<16xf32>,
        %add3A_499 = arith.constant 53 : i32
        %add3A_500 = vector.broadcast %add3A_499 : i32 to vector<16xi32>
        %add3A_501 = arith.addi %mul3A_116, %add3A_500 : vector<16xi32>
        tpu.vector_store_idx %arg7[%add3A_501], %gather3A_475 : memref<32768xf32, #tpu.memory_space<vmem>>[vector<16xi32>], vector<16xf32>,
        %add3A_502 = arith.constant 54 : i32
        %add3A_503 = vector.broadcast %add3A_502 : i32 to vector<16xi32>
        %add3A_504 = arith.addi %mul3A_116, %add3A_503 : vector<16xi32>
        tpu.vector_store_idx %arg7[%add3A_504], %gather3A_479 : memref<32768xf32, #tpu.memory_space<vmem>>[vector<16xi32>], vector<16xf32>,
        %add3A_505 = arith.constant 55 : i32
        %add3A_506 = vector.broadcast %add3A_505 : i32 to vector<16xi32>
        %add3A_507 = arith.addi %mul3A_116, %add3A_506 : vector<16xi32>
        tpu.vector_store_idx %arg7[%add3A_507], %gather3A_483 : memref<32768xf32, #tpu.memory_space<vmem>>[vector<16xi32>], vector<16xf32>,
        %add3A_508 = arith.constant 56 : i32
        %add3A_509 = vector.broadcast %add3A_508 : i32 to vector<16xi32>
        %add3A_510 = arith.addi %mul3A_109, %add3A_509 : vector<16xi32>
        %gather3A_511 = tpu.vector_load_idx %arg5[%add3A_510] : memref<15360xf32, #tpu.memory_space<vmem>>[vector<16xi32>], vector<16xf32>,
        %add3A_512 = arith.constant 57 : i32
        %add3A_513 = vector.broadcast %add3A_512 : i32 to vector<16xi32>
        %add3A_514 = arith.addi %mul3A_109, %add3A_513 : vector<16xi32>
        %gather3A_515 = tpu.vector_load_idx %arg5[%add3A_514] : memref<15360xf32, #tpu.memory_space<vmem>>[vector<16xi32>], vector<16xf32>,
        %add3A_516 = arith.constant 58 : i32
        %add3A_517 = vector.broadcast %add3A_516 : i32 to vector<16xi32>
        %add3A_518 = arith.addi %mul3A_109, %add3A_517 : vector<16xi32>
        %gather3A_519 = tpu.vector_load_idx %arg5[%add3A_518] : memref<15360xf32, #tpu.memory_space<vmem>>[vector<16xi32>], vector<16xf32>,
        %add3A_520 = arith.constant 59 : i32
        %add3A_521 = vector.broadcast %add3A_520 : i32 to vector<16xi32>
        %add3A_522 = arith.addi %mul3A_109, %add3A_521 : vector<16xi32>
        %gather3A_523 = tpu.vector_load_idx %arg5[%add3A_522] : memref<15360xf32, #tpu.memory_space<vmem>>[vector<16xi32>], vector<16xf32>,
        %add3A_524 = arith.constant 60 : i32
        %add3A_525 = vector.broadcast %add3A_524 : i32 to vector<16xi32>
        %add3A_526 = arith.addi %mul3A_109, %add3A_525 : vector<16xi32>
        %gather3A_527 = tpu.vector_load_idx %arg5[%add3A_526] : memref<15360xf32, #tpu.memory_space<vmem>>[vector<16xi32>], vector<16xf32>,
        %add3A_528 = arith.constant 61 : i32
        %add3A_529 = vector.broadcast %add3A_528 : i32 to vector<16xi32>
        %add3A_530 = arith.addi %mul3A_109, %add3A_529 : vector<16xi32>
        %gather3A_531 = tpu.vector_load_idx %arg5[%add3A_530] : memref<15360xf32, #tpu.memory_space<vmem>>[vector<16xi32>], vector<16xf32>,
        %add3A_532 = arith.constant 62 : i32
        %add3A_533 = vector.broadcast %add3A_532 : i32 to vector<16xi32>
        %add3A_534 = arith.addi %mul3A_109, %add3A_533 : vector<16xi32>
        %gather3A_535 = tpu.vector_load_idx %arg5[%add3A_534] : memref<15360xf32, #tpu.memory_space<vmem>>[vector<16xi32>], vector<16xf32>,
        %add3A_536 = arith.constant 63 : i32
        %add3A_537 = vector.broadcast %add3A_536 : i32 to vector<16xi32>
        %add3A_538 = arith.addi %mul3A_109, %add3A_537 : vector<16xi32>
        %gather3A_539 = tpu.vector_load_idx %arg5[%add3A_538] : memref<15360xf32, #tpu.memory_space<vmem>>[vector<16xi32>], vector<16xf32>,
        %add3A_540 = arith.constant 56 : i32
        %add3A_541 = vector.broadcast %add3A_540 : i32 to vector<16xi32>
        %add3A_542 = arith.addi %mul3A_116, %add3A_541 : vector<16xi32>
        tpu.vector_store_idx %arg7[%add3A_542], %gather3A_511 : memref<32768xf32, #tpu.memory_space<vmem>>[vector<16xi32>], vector<16xf32>,
        %add3A_543 = arith.constant 57 : i32
        %add3A_544 = vector.broadcast %add3A_543 : i32 to vector<16xi32>
        %add3A_545 = arith.addi %mul3A_116, %add3A_544 : vector<16xi32>
        tpu.vector_store_idx %arg7[%add3A_545], %gather3A_515 : memref<32768xf32, #tpu.memory_space<vmem>>[vector<16xi32>], vector<16xf32>,
        %add3A_546 = arith.constant 58 : i32
        %add3A_547 = vector.broadcast %add3A_546 : i32 to vector<16xi32>
        %add3A_548 = arith.addi %mul3A_116, %add3A_547 : vector<16xi32>
        tpu.vector_store_idx %arg7[%add3A_548], %gather3A_519 : memref<32768xf32, #tpu.memory_space<vmem>>[vector<16xi32>], vector<16xf32>,
        %add3A_549 = arith.constant 59 : i32
        %add3A_550 = vector.broadcast %add3A_549 : i32 to vector<16xi32>
        %add3A_551 = arith.addi %mul3A_116, %add3A_550 : vector<16xi32>
        tpu.vector_store_idx %arg7[%add3A_551], %gather3A_523 : memref<32768xf32, #tpu.memory_space<vmem>>[vector<16xi32>], vector<16xf32>,
        %add3A_552 = arith.constant 60 : i32
        %add3A_553 = vector.broadcast %add3A_552 : i32 to vector<16xi32>
        %add3A_554 = arith.addi %mul3A_116, %add3A_553 : vector<16xi32>
        tpu.vector_store_idx %arg7[%add3A_554], %gather3A_527 : memref<32768xf32, #tpu.memory_space<vmem>>[vector<16xi32>], vector<16xf32>,
        %add3A_555 = arith.constant 61 : i32
        %add3A_556 = vector.broadcast %add3A_555 : i32 to vector<16xi32>
        %add3A_557 = arith.addi %mul3A_116, %add3A_556 : vector<16xi32>
        tpu.vector_store_idx %arg7[%add3A_557], %gather3A_531 : memref<32768xf32, #tpu.memory_space<vmem>>[vector<16xi32>], vector<16xf32>,
        %add3A_558 = arith.constant 62 : i32
        %add3A_559 = vector.broadcast %add3A_558 : i32 to vector<16xi32>
        %add3A_560 = arith.addi %mul3A_116, %add3A_559 : vector<16xi32>
        tpu.vector_store_idx %arg7[%add3A_560], %gather3A_535 : memref<32768xf32, #tpu.memory_space<vmem>>[vector<16xi32>], vector<16xf32>,
        %add3A_561 = arith.constant 63 : i32
        %add3A_562 = vector.broadcast %add3A_561 : i32 to vector<16xi32>
        %add3A_563 = arith.addi %mul3A_116, %add3A_562 : vector<16xi32>
        tpu.vector_store_idx %arg7[%add3A_563], %gather3A_539 : memref<32768xf32, #tpu.memory_space<vmem>>[vector<16xi32>], vector<16xf32>,
      }
      %scan3A_65 = arith.constant 32 : i32
      %mul3A_66 = arith.constant 512 : i32
      %mul3A_67 = arith.muli %add3A_49, %mul3A_66 : i32
      %add3A_68 = arith.addi %mul3A_2, %mul3A_67 : i32
      %mul3A_69 = arith.constant 64 : i32
      %mul3A_70 = arith.muli %add3A_68, %mul3A_69 : i32
      %dma_start3A_71 = tpu.memref_slice %arg4[%mul3A_70] : memref<52428800xf32, #tpu.memory_space<hbm>> -> memref<32768xf32, #tpu.memory_space<hbm>>
      %dma_start3A_72 = tpu.memref_slice %arg4[%mul3A_70] : memref<52428800xf32, #tpu.memory_space<hbm>> -> memref<32768xf32, #tpu.memory_space<hbm>>
      tpu.enqueue_dma source(%arg7 : memref<32768xf32, #tpu.memory_space<vmem>>) target(%dma_start3A_72 : memref<32768xf32, #tpu.memory_space<hbm>>) target_semaphore(%arg9 : memref<!tpu.dma_semaphore, #tpu.memory_space<semaphore_mem>>)
      %add3A_73 = arith.constant 1 : i32
      %add3A_74 = arith.addi %add3A_47, %add3A_73 : i32
      %sub3A_75 = arith.constant 2 : i32
      %sub3A_76 = arith.subi %add3A_74, %sub3A_75 : i32
      %mul3A_77 = arith.constant 512 : i32
      %mul3A_78 = arith.muli %sub3A_76, %mul3A_77 : i32
      %add3A_79 = arith.addi %mul3A_2, %mul3A_78 : i32
      %mul3A_80 = arith.constant 64 : i32
      %mul3A_81 = arith.muli %add3A_79, %mul3A_80 : i32
      %dma_wait3A_82 = tpu.memref_slice %arg4[%mul3A_81] : memref<52428800xf32, #tpu.memory_space<hbm>> -> memref<32768xf32, #tpu.memory_space<hbm>>
      %dma_wait3A_83 = tpu.memref_slice %arg4[%mul3A_81] : memref<52428800xf32, #tpu.memory_space<hbm>> -> memref<32768xf32, #tpu.memory_space<hbm>>
      tpu.wait_dma2 semaphore(%arg10 : memref<!tpu.dma_semaphore, #tpu.memory_space<semaphore_mem>>) src(%arg8 : memref<32768xf32, #tpu.memory_space<vmem>>) dst(%dma_wait3A_83 : memref<32768xf32, #tpu.memory_space<hbm>>)
      %mul3A_84 = arith.constant 512 : i32
      %mul3A_85 = arith.muli %add3A_74, %mul3A_84 : i32
      %add3A_86 = arith.addi %mul3A_2, %mul3A_85 : i32
      "tpu.region"() ({
        %run_scoped3A = tpu.sem_alloc : memref<!tpu.dma_semaphore, #tpu.memory_space<semaphore_mem>>
        %dma_start3A_99 = tpu.memref_slice %arg2[%add3A_86] : memref<819200xi32, #tpu.memory_space<hbm>> -> memref<512xi32, #tpu.memory_space<hbm>>
        %dma_start3A_100 = tpu.memref_slice %arg2[%add3A_86] : memref<819200xi32, #tpu.memory_space<hbm>> -> memref<512xi32, #tpu.memory_space<hbm>>
        tpu.enqueue_dma source(%dma_start3A_100 : memref<512xi32, #tpu.memory_space<hbm>>) target(%arg6 : memref<512xi32, #tpu.memory_space<vmem>>) target_semaphore(%run_scoped3A : memref<!tpu.dma_semaphore, #tpu.memory_space<semaphore_mem>>)
        %dma_wait3A_101 = tpu.memref_slice %arg2[%add3A_86] : memref<819200xi32, #tpu.memory_space<hbm>> -> memref<512xi32, #tpu.memory_space<hbm>>
        %dma_wait3A_102 = tpu.memref_slice %arg2[%add3A_86] : memref<819200xi32, #tpu.memory_space<hbm>> -> memref<512xi32, #tpu.memory_space<hbm>>
        tpu.wait_dma2 semaphore(%run_scoped3A : memref<!tpu.dma_semaphore, #tpu.memory_space<semaphore_mem>>) src(%dma_wait3A_102 : memref<512xi32, #tpu.memory_space<hbm>>) dst(%arg6 : memref<512xi32, #tpu.memory_space<vmem>>)
        tpu.yield
      }) : () -> ()
      %scan3A_87 = arith.constant 0 : i32
      %scan3A_88 = arith.constant 32 : i32
      %scan3A_89 = arith.addi %scan3A_87, %scan3A_88 : i32
      %scan3A_90 = arith.constant 1 : i32
      scf.for %scan3A_99 = %scan3A_87 to %scan3A_89 step %scan3A_90  : i32 {
        %mul3A_100 = arith.constant 1 : i32
        %mul3A_101 = arith.muli %scan3A_99, %mul3A_100 : i32
        %add3A_102 = arith.constant 0 : i32
        %add3A_103 = arith.addi %add3A_102, %mul3A_101 : i32
        %mul3A_104 = arith.constant 16 : i32
        %mul3A_105 = arith.muli %add3A_103, %mul3A_104 : i32
        %get3A = arith.index_cast %mul3A_105 : i32 to index
        %get3A_106 = tpu.vector_load %arg6[%get3A] {strides = array<i32>} : memref<512xi32, #tpu.memory_space<vmem>>, vector<16xi32>,
        %mul3A_107 = arith.constant 64 : i32
        %mul3A_108 = vector.broadcast %mul3A_107 : i32 to vector<16xi32>
        %mul3A_109 = arith.muli %get3A_106, %mul3A_108 : vector<16xi32>
        %mul3A_110 = arith.constant 16 : i32
        %mul3A_111 = arith.muli %add3A_103, %mul3A_110 : i32
        %add3A_112 = vector.broadcast %mul3A_111 : i32 to vector<16xi32>
        %add3A_113 = arith.addi %iota3A, %add3A_112 : vector<16xi32>
        %mul3A_114 = arith.constant 64 : i32
        %mul3A_115 = vector.broadcast %mul3A_114 : i32 to vector<16xi32>
        %mul3A_116 = arith.muli %add3A_113, %mul3A_115 : vector<16xi32>
        %add3A_117 = arith.constant 0 : i32
        %add3A_118 = vector.broadcast %add3A_117 : i32 to vector<16xi32>
        %add3A_119 = arith.addi %mul3A_109, %add3A_118 : vector<16xi32>
        %gather3A = tpu.vector_load_idx %arg5[%add3A_119] : memref<15360xf32, #tpu.memory_space<vmem>>[vector<16xi32>], vector<16xf32>,
        %add3A_120 = arith.constant 1 : i32
        %add3A_121 = vector.broadcast %add3A_120 : i32 to vector<16xi32>
        %add3A_122 = arith.addi %mul3A_109, %add3A_121 : vector<16xi32>
        %gather3A_123 = tpu.vector_load_idx %arg5[%add3A_122] : memref<15360xf32, #tpu.memory_space<vmem>>[vector<16xi32>], vector<16xf32>,
        %add3A_124 = arith.constant 2 : i32
        %add3A_125 = vector.broadcast %add3A_124 : i32 to vector<16xi32>
        %add3A_126 = arith.addi %mul3A_109, %add3A_125 : vector<16xi32>
        %gather3A_127 = tpu.vector_load_idx %arg5[%add3A_126] : memref<15360xf32, #tpu.memory_space<vmem>>[vector<16xi32>], vector<16xf32>,
        %add3A_128 = arith.constant 3 : i32
        %add3A_129 = vector.broadcast %add3A_128 : i32 to vector<16xi32>
        %add3A_130 = arith.addi %mul3A_109, %add3A_129 : vector<16xi32>
        %gather3A_131 = tpu.vector_load_idx %arg5[%add3A_130] : memref<15360xf32, #tpu.memory_space<vmem>>[vector<16xi32>], vector<16xf32>,
        %add3A_132 = arith.constant 4 : i32
        %add3A_133 = vector.broadcast %add3A_132 : i32 to vector<16xi32>
        %add3A_134 = arith.addi %mul3A_109, %add3A_133 : vector<16xi32>
        %gather3A_135 = tpu.vector_load_idx %arg5[%add3A_134] : memref<15360xf32, #tpu.memory_space<vmem>>[vector<16xi32>], vector<16xf32>,
        %add3A_136 = arith.constant 5 : i32
        %add3A_137 = vector.broadcast %add3A_136 : i32 to vector<16xi32>
        %add3A_138 = arith.addi %mul3A_109, %add3A_137 : vector<16xi32>
        %gather3A_139 = tpu.vector_load_idx %arg5[%add3A_138] : memref<15360xf32, #tpu.memory_space<vmem>>[vector<16xi32>], vector<16xf32>,
        %add3A_140 = arith.constant 6 : i32
        %add3A_141 = vector.broadcast %add3A_140 : i32 to vector<16xi32>
        %add3A_142 = arith.addi %mul3A_109, %add3A_141 : vector<16xi32>
        %gather3A_143 = tpu.vector_load_idx %arg5[%add3A_142] : memref<15360xf32, #tpu.memory_space<vmem>>[vector<16xi32>], vector<16xf32>,
        %add3A_144 = arith.constant 7 : i32
        %add3A_145 = vector.broadcast %add3A_144 : i32 to vector<16xi32>
        %add3A_146 = arith.addi %mul3A_109, %add3A_145 : vector<16xi32>
        %gather3A_147 = tpu.vector_load_idx %arg5[%add3A_146] : memref<15360xf32, #tpu.memory_space<vmem>>[vector<16xi32>], vector<16xf32>,
        %add3A_148 = arith.constant 0 : i32
        %add3A_149 = vector.broadcast %add3A_148 : i32 to vector<16xi32>
        %add3A_150 = arith.addi %mul3A_116, %add3A_149 : vector<16xi32>
        tpu.vector_store_idx %arg8[%add3A_150], %gather3A : memref<32768xf32, #tpu.memory_space<vmem>>[vector<16xi32>], vector<16xf32>,
        %add3A_151 = arith.constant 1 : i32
        %add3A_152 = vector.broadcast %add3A_151 : i32 to vector<16xi32>
        %add3A_153 = arith.addi %mul3A_116, %add3A_152 : vector<16xi32>
        tpu.vector_store_idx %arg8[%add3A_153], %gather3A_123 : memref<32768xf32, #tpu.memory_space<vmem>>[vector<16xi32>], vector<16xf32>,
        %add3A_154 = arith.constant 2 : i32
        %add3A_155 = vector.broadcast %add3A_154 : i32 to vector<16xi32>
        %add3A_156 = arith.addi %mul3A_116, %add3A_155 : vector<16xi32>
        tpu.vector_store_idx %arg8[%add3A_156], %gather3A_127 : memref<32768xf32, #tpu.memory_space<vmem>>[vector<16xi32>], vector<16xf32>,
        %add3A_157 = arith.constant 3 : i32
        %add3A_158 = vector.broadcast %add3A_157 : i32 to vector<16xi32>
        %add3A_159 = arith.addi %mul3A_116, %add3A_158 : vector<16xi32>
        tpu.vector_store_idx %arg8[%add3A_159], %gather3A_131 : memref<32768xf32, #tpu.memory_space<vmem>>[vector<16xi32>], vector<16xf32>,
        %add3A_160 = arith.constant 4 : i32
        %add3A_161 = vector.broadcast %add3A_160 : i32 to vector<16xi32>
        %add3A_162 = arith.addi %mul3A_116, %add3A_161 : vector<16xi32>
        tpu.vector_store_idx %arg8[%add3A_162], %gather3A_135 : memref<32768xf32, #tpu.memory_space<vmem>>[vector<16xi32>], vector<16xf32>,
        %add3A_163 = arith.constant 5 : i32
        %add3A_164 = vector.broadcast %add3A_163 : i32 to vector<16xi32>
        %add3A_165 = arith.addi %mul3A_116, %add3A_164 : vector<16xi32>
        tpu.vector_store_idx %arg8[%add3A_165], %gather3A_139 : memref<32768xf32, #tpu.memory_space<vmem>>[vector<16xi32>], vector<16xf32>,
        %add3A_166 = arith.constant 6 : i32
        %add3A_167 = vector.broadcast %add3A_166 : i32 to vector<16xi32>
        %add3A_168 = arith.addi %mul3A_116, %add3A_167 : vector<16xi32>
        tpu.vector_store_idx %arg8[%add3A_168], %gather3A_143 : memref<32768xf32, #tpu.memory_space<vmem>>[vector<16xi32>], vector<16xf32>,
        %add3A_169 = arith.constant 7 : i32
        %add3A_170 = vector.broadcast %add3A_169 : i32 to vector<16xi32>
        %add3A_171 = arith.addi %mul3A_116, %add3A_170 : vector<16xi32>
        tpu.vector_store_idx %arg8[%add3A_171], %gather3A_147 : memref<32768xf32, #tpu.memory_space<vmem>>[vector<16xi32>], vector<16xf32>,
        %add3A_172 = arith.constant 8 : i32
        %add3A_173 = vector.broadcast %add3A_172 : i32 to vector<16xi32>
        %add3A_174 = arith.addi %mul3A_109, %add3A_173 : vector<16xi32>
        %gather3A_175 = tpu.vector_load_idx %arg5[%add3A_174] : memref<15360xf32, #tpu.memory_space<vmem>>[vector<16xi32>], vector<16xf32>,
        %add3A_176 = arith.constant 9 : i32
        %add3A_177 = vector.broadcast %add3A_176 : i32 to vector<16xi32>
        %add3A_178 = arith.addi %mul3A_109, %add3A_177 : vector<16xi32>
        %gather3A_179 = tpu.vector_load_idx %arg5[%add3A_178] : memref<15360xf32, #tpu.memory_space<vmem>>[vector<16xi32>], vector<16xf32>,
        %add3A_180 = arith.constant 10 : i32
        %add3A_181 = vector.broadcast %add3A_180 : i32 to vector<16xi32>
        %add3A_182 = arith.addi %mul3A_109, %add3A_181 : vector<16xi32>
        %gather3A_183 = tpu.vector_load_idx %arg5[%add3A_182] : memref<15360xf32, #tpu.memory_space<vmem>>[vector<16xi32>], vector<16xf32>,
        %add3A_184 = arith.constant 11 : i32
        %add3A_185 = vector.broadcast %add3A_184 : i32 to vector<16xi32>
        %add3A_186 = arith.addi %mul3A_109, %add3A_185 : vector<16xi32>
        %gather3A_187 = tpu.vector_load_idx %arg5[%add3A_186] : memref<15360xf32, #tpu.memory_space<vmem>>[vector<16xi32>], vector<16xf32>,
        %add3A_188 = arith.constant 12 : i32
        %add3A_189 = vector.broadcast %add3A_188 : i32 to vector<16xi32>
        %add3A_190 = arith.addi %mul3A_109, %add3A_189 : vector<16xi32>
        %gather3A_191 = tpu.vector_load_idx %arg5[%add3A_190] : memref<15360xf32, #tpu.memory_space<vmem>>[vector<16xi32>], vector<16xf32>,
        %add3A_192 = arith.constant 13 : i32
        %add3A_193 = vector.broadcast %add3A_192 : i32 to vector<16xi32>
        %add3A_194 = arith.addi %mul3A_109, %add3A_193 : vector<16xi32>
        %gather3A_195 = tpu.vector_load_idx %arg5[%add3A_194] : memref<15360xf32, #tpu.memory_space<vmem>>[vector<16xi32>], vector<16xf32>,
        %add3A_196 = arith.constant 14 : i32
        %add3A_197 = vector.broadcast %add3A_196 : i32 to vector<16xi32>
        %add3A_198 = arith.addi %mul3A_109, %add3A_197 : vector<16xi32>
        %gather3A_199 = tpu.vector_load_idx %arg5[%add3A_198] : memref<15360xf32, #tpu.memory_space<vmem>>[vector<16xi32>], vector<16xf32>,
        %add3A_200 = arith.constant 15 : i32
        %add3A_201 = vector.broadcast %add3A_200 : i32 to vector<16xi32>
        %add3A_202 = arith.addi %mul3A_109, %add3A_201 : vector<16xi32>
        %gather3A_203 = tpu.vector_load_idx %arg5[%add3A_202] : memref<15360xf32, #tpu.memory_space<vmem>>[vector<16xi32>], vector<16xf32>,
        %add3A_204 = arith.constant 8 : i32
        %add3A_205 = vector.broadcast %add3A_204 : i32 to vector<16xi32>
        %add3A_206 = arith.addi %mul3A_116, %add3A_205 : vector<16xi32>
        tpu.vector_store_idx %arg8[%add3A_206], %gather3A_175 : memref<32768xf32, #tpu.memory_space<vmem>>[vector<16xi32>], vector<16xf32>,
        %add3A_207 = arith.constant 9 : i32
        %add3A_208 = vector.broadcast %add3A_207 : i32 to vector<16xi32>
        %add3A_209 = arith.addi %mul3A_116, %add3A_208 : vector<16xi32>
        tpu.vector_store_idx %arg8[%add3A_209], %gather3A_179 : memref<32768xf32, #tpu.memory_space<vmem>>[vector<16xi32>], vector<16xf32>,
        %add3A_210 = arith.constant 10 : i32
        %add3A_211 = vector.broadcast %add3A_210 : i32 to vector<16xi32>
        %add3A_212 = arith.addi %mul3A_116, %add3A_211 : vector<16xi32>
        tpu.vector_store_idx %arg8[%add3A_212], %gather3A_183 : memref<32768xf32, #tpu.memory_space<vmem>>[vector<16xi32>], vector<16xf32>,
        %add3A_213 = arith.constant 11 : i32
        %add3A_214 = vector.broadcast %add3A_213 : i32 to vector<16xi32>
        %add3A_215 = arith.addi %mul3A_116, %add3A_214 : vector<16xi32>
        tpu.vector_store_idx %arg8[%add3A_215], %gather3A_187 : memref<32768xf32, #tpu.memory_space<vmem>>[vector<16xi32>], vector<16xf32>,
        %add3A_216 = arith.constant 12 : i32
        %add3A_217 = vector.broadcast %add3A_216 : i32 to vector<16xi32>
        %add3A_218 = arith.addi %mul3A_116, %add3A_217 : vector<16xi32>
        tpu.vector_store_idx %arg8[%add3A_218], %gather3A_191 : memref<32768xf32, #tpu.memory_space<vmem>>[vector<16xi32>], vector<16xf32>,
        %add3A_219 = arith.constant 13 : i32
        %add3A_220 = vector.broadcast %add3A_219 : i32 to vector<16xi32>
        %add3A_221 = arith.addi %mul3A_116, %add3A_220 : vector<16xi32>
        tpu.vector_store_idx %arg8[%add3A_221], %gather3A_195 : memref<32768xf32, #tpu.memory_space<vmem>>[vector<16xi32>], vector<16xf32>,
        %add3A_222 = arith.constant 14 : i32
        %add3A_223 = vector.broadcast %add3A_222 : i32 to vector<16xi32>
        %add3A_224 = arith.addi %mul3A_116, %add3A_223 : vector<16xi32>
        tpu.vector_store_idx %arg8[%add3A_224], %gather3A_199 : memref<32768xf32, #tpu.memory_space<vmem>>[vector<16xi32>], vector<16xf32>,
        %add3A_225 = arith.constant 15 : i32
        %add3A_226 = vector.broadcast %add3A_225 : i32 to vector<16xi32>
        %add3A_227 = arith.addi %mul3A_116, %add3A_226 : vector<16xi32>
        tpu.vector_store_idx %arg8[%add3A_227], %gather3A_203 : memref<32768xf32, #tpu.memory_space<vmem>>[vector<16xi32>], vector<16xf32>,
        %add3A_228 = arith.constant 16 : i32
        %add3A_229 = vector.broadcast %add3A_228 : i32 to vector<16xi32>
        %add3A_230 = arith.addi %mul3A_109, %add3A_229 : vector<16xi32>
        %gather3A_231 = tpu.vector_load_idx %arg5[%add3A_230] : memref<15360xf32, #tpu.memory_space<vmem>>[vector<16xi32>], vector<16xf32>,
        %add3A_232 = arith.constant 17 : i32
        %add3A_233 = vector.broadcast %add3A_232 : i32 to vector<16xi32>
        %add3A_234 = arith.addi %mul3A_109, %add3A_233 : vector<16xi32>
        %gather3A_235 = tpu.vector_load_idx %arg5[%add3A_234] : memref<15360xf32, #tpu.memory_space<vmem>>[vector<16xi32>], vector<16xf32>,
        %add3A_236 = arith.constant 18 : i32
        %add3A_237 = vector.broadcast %add3A_236 : i32 to vector<16xi32>
        %add3A_238 = arith.addi %mul3A_109, %add3A_237 : vector<16xi32>
        %gather3A_239 = tpu.vector_load_idx %arg5[%add3A_238] : memref<15360xf32, #tpu.memory_space<vmem>>[vector<16xi32>], vector<16xf32>,
        %add3A_240 = arith.constant 19 : i32
        %add3A_241 = vector.broadcast %add3A_240 : i32 to vector<16xi32>
        %add3A_242 = arith.addi %mul3A_109, %add3A_241 : vector<16xi32>
        %gather3A_243 = tpu.vector_load_idx %arg5[%add3A_242] : memref<15360xf32, #tpu.memory_space<vmem>>[vector<16xi32>], vector<16xf32>,
        %add3A_244 = arith.constant 20 : i32
        %add3A_245 = vector.broadcast %add3A_244 : i32 to vector<16xi32>
        %add3A_246 = arith.addi %mul3A_109, %add3A_245 : vector<16xi32>
        %gather3A_247 = tpu.vector_load_idx %arg5[%add3A_246] : memref<15360xf32, #tpu.memory_space<vmem>>[vector<16xi32>], vector<16xf32>,
        %add3A_248 = arith.constant 21 : i32
        %add3A_249 = vector.broadcast %add3A_248 : i32 to vector<16xi32>
        %add3A_250 = arith.addi %mul3A_109, %add3A_249 : vector<16xi32>
        %gather3A_251 = tpu.vector_load_idx %arg5[%add3A_250] : memref<15360xf32, #tpu.memory_space<vmem>>[vector<16xi32>], vector<16xf32>,
        %add3A_252 = arith.constant 22 : i32
        %add3A_253 = vector.broadcast %add3A_252 : i32 to vector<16xi32>
        %add3A_254 = arith.addi %mul3A_109, %add3A_253 : vector<16xi32>
        %gather3A_255 = tpu.vector_load_idx %arg5[%add3A_254] : memref<15360xf32, #tpu.memory_space<vmem>>[vector<16xi32>], vector<16xf32>,
        %add3A_256 = arith.constant 23 : i32
        %add3A_257 = vector.broadcast %add3A_256 : i32 to vector<16xi32>
        %add3A_258 = arith.addi %mul3A_109, %add3A_257 : vector<16xi32>
        %gather3A_259 = tpu.vector_load_idx %arg5[%add3A_258] : memref<15360xf32, #tpu.memory_space<vmem>>[vector<16xi32>], vector<16xf32>,
        %add3A_260 = arith.constant 16 : i32
        %add3A_261 = vector.broadcast %add3A_260 : i32 to vector<16xi32>
        %add3A_262 = arith.addi %mul3A_116, %add3A_261 : vector<16xi32>
        tpu.vector_store_idx %arg8[%add3A_262], %gather3A_231 : memref<32768xf32, #tpu.memory_space<vmem>>[vector<16xi32>], vector<16xf32>,
        %add3A_263 = arith.constant 17 : i32
        %add3A_264 = vector.broadcast %add3A_263 : i32 to vector<16xi32>
        %add3A_265 = arith.addi %mul3A_116, %add3A_264 : vector<16xi32>
        tpu.vector_store_idx %arg8[%add3A_265], %gather3A_235 : memref<32768xf32, #tpu.memory_space<vmem>>[vector<16xi32>], vector<16xf32>,
        %add3A_266 = arith.constant 18 : i32
        %add3A_267 = vector.broadcast %add3A_266 : i32 to vector<16xi32>
        %add3A_268 = arith.addi %mul3A_116, %add3A_267 : vector<16xi32>
        tpu.vector_store_idx %arg8[%add3A_268], %gather3A_239 : memref<32768xf32, #tpu.memory_space<vmem>>[vector<16xi32>], vector<16xf32>,
        %add3A_269 = arith.constant 19 : i32
        %add3A_270 = vector.broadcast %add3A_269 : i32 to vector<16xi32>
        %add3A_271 = arith.addi %mul3A_116, %add3A_270 : vector<16xi32>
        tpu.vector_store_idx %arg8[%add3A_271], %gather3A_243 : memref<32768xf32, #tpu.memory_space<vmem>>[vector<16xi32>], vector<16xf32>,
        %add3A_272 = arith.constant 20 : i32
        %add3A_273 = vector.broadcast %add3A_272 : i32 to vector<16xi32>
        %add3A_274 = arith.addi %mul3A_116, %add3A_273 : vector<16xi32>
        tpu.vector_store_idx %arg8[%add3A_274], %gather3A_247 : memref<32768xf32, #tpu.memory_space<vmem>>[vector<16xi32>], vector<16xf32>,
        %add3A_275 = arith.constant 21 : i32
        %add3A_276 = vector.broadcast %add3A_275 : i32 to vector<16xi32>
        %add3A_277 = arith.addi %mul3A_116, %add3A_276 : vector<16xi32>
        tpu.vector_store_idx %arg8[%add3A_277], %gather3A_251 : memref<32768xf32, #tpu.memory_space<vmem>>[vector<16xi32>], vector<16xf32>,
        %add3A_278 = arith.constant 22 : i32
        %add3A_279 = vector.broadcast %add3A_278 : i32 to vector<16xi32>
        %add3A_280 = arith.addi %mul3A_116, %add3A_279 : vector<16xi32>
        tpu.vector_store_idx %arg8[%add3A_280], %gather3A_255 : memref<32768xf32, #tpu.memory_space<vmem>>[vector<16xi32>], vector<16xf32>,
        %add3A_281 = arith.constant 23 : i32
        %add3A_282 = vector.broadcast %add3A_281 : i32 to vector<16xi32>
        %add3A_283 = arith.addi %mul3A_116, %add3A_282 : vector<16xi32>
        tpu.vector_store_idx %arg8[%add3A_283], %gather3A_259 : memref<32768xf32, #tpu.memory_space<vmem>>[vector<16xi32>], vector<16xf32>,
        %add3A_284 = arith.constant 24 : i32
        %add3A_285 = vector.broadcast %add3A_284 : i32 to vector<16xi32>
        %add3A_286 = arith.addi %mul3A_109, %add3A_285 : vector<16xi32>
        %gather3A_287 = tpu.vector_load_idx %arg5[%add3A_286] : memref<15360xf32, #tpu.memory_space<vmem>>[vector<16xi32>], vector<16xf32>,
        %add3A_288 = arith.constant 25 : i32
        %add3A_289 = vector.broadcast %add3A_288 : i32 to vector<16xi32>
        %add3A_290 = arith.addi %mul3A_109, %add3A_289 : vector<16xi32>
        %gather3A_291 = tpu.vector_load_idx %arg5[%add3A_290] : memref<15360xf32, #tpu.memory_space<vmem>>[vector<16xi32>], vector<16xf32>,
        %add3A_292 = arith.constant 26 : i32
        %add3A_293 = vector.broadcast %add3A_292 : i32 to vector<16xi32>
        %add3A_294 = arith.addi %mul3A_109, %add3A_293 : vector<16xi32>
        %gather3A_295 = tpu.vector_load_idx %arg5[%add3A_294] : memref<15360xf32, #tpu.memory_space<vmem>>[vector<16xi32>], vector<16xf32>,
        %add3A_296 = arith.constant 27 : i32
        %add3A_297 = vector.broadcast %add3A_296 : i32 to vector<16xi32>
        %add3A_298 = arith.addi %mul3A_109, %add3A_297 : vector<16xi32>
        %gather3A_299 = tpu.vector_load_idx %arg5[%add3A_298] : memref<15360xf32, #tpu.memory_space<vmem>>[vector<16xi32>], vector<16xf32>,
        %add3A_300 = arith.constant 28 : i32
        %add3A_301 = vector.broadcast %add3A_300 : i32 to vector<16xi32>
        %add3A_302 = arith.addi %mul3A_109, %add3A_301 : vector<16xi32>
        %gather3A_303 = tpu.vector_load_idx %arg5[%add3A_302] : memref<15360xf32, #tpu.memory_space<vmem>>[vector<16xi32>], vector<16xf32>,
        %add3A_304 = arith.constant 29 : i32
        %add3A_305 = vector.broadcast %add3A_304 : i32 to vector<16xi32>
        %add3A_306 = arith.addi %mul3A_109, %add3A_305 : vector<16xi32>
        %gather3A_307 = tpu.vector_load_idx %arg5[%add3A_306] : memref<15360xf32, #tpu.memory_space<vmem>>[vector<16xi32>], vector<16xf32>,
        %add3A_308 = arith.constant 30 : i32
        %add3A_309 = vector.broadcast %add3A_308 : i32 to vector<16xi32>
        %add3A_310 = arith.addi %mul3A_109, %add3A_309 : vector<16xi32>
        %gather3A_311 = tpu.vector_load_idx %arg5[%add3A_310] : memref<15360xf32, #tpu.memory_space<vmem>>[vector<16xi32>], vector<16xf32>,
        %add3A_312 = arith.constant 31 : i32
        %add3A_313 = vector.broadcast %add3A_312 : i32 to vector<16xi32>
        %add3A_314 = arith.addi %mul3A_109, %add3A_313 : vector<16xi32>
        %gather3A_315 = tpu.vector_load_idx %arg5[%add3A_314] : memref<15360xf32, #tpu.memory_space<vmem>>[vector<16xi32>], vector<16xf32>,
        %add3A_316 = arith.constant 24 : i32
        %add3A_317 = vector.broadcast %add3A_316 : i32 to vector<16xi32>
        %add3A_318 = arith.addi %mul3A_116, %add3A_317 : vector<16xi32>
        tpu.vector_store_idx %arg8[%add3A_318], %gather3A_287 : memref<32768xf32, #tpu.memory_space<vmem>>[vector<16xi32>], vector<16xf32>,
        %add3A_319 = arith.constant 25 : i32
        %add3A_320 = vector.broadcast %add3A_319 : i32 to vector<16xi32>
        %add3A_321 = arith.addi %mul3A_116, %add3A_320 : vector<16xi32>
        tpu.vector_store_idx %arg8[%add3A_321], %gather3A_291 : memref<32768xf32, #tpu.memory_space<vmem>>[vector<16xi32>], vector<16xf32>,
        %add3A_322 = arith.constant 26 : i32
        %add3A_323 = vector.broadcast %add3A_322 : i32 to vector<16xi32>
        %add3A_324 = arith.addi %mul3A_116, %add3A_323 : vector<16xi32>
        tpu.vector_store_idx %arg8[%add3A_324], %gather3A_295 : memref<32768xf32, #tpu.memory_space<vmem>>[vector<16xi32>], vector<16xf32>,
        %add3A_325 = arith.constant 27 : i32
        %add3A_326 = vector.broadcast %add3A_325 : i32 to vector<16xi32>
        %add3A_327 = arith.addi %mul3A_116, %add3A_326 : vector<16xi32>
        tpu.vector_store_idx %arg8[%add3A_327], %gather3A_299 : memref<32768xf32, #tpu.memory_space<vmem>>[vector<16xi32>], vector<16xf32>,
        %add3A_328 = arith.constant 28 : i32
        %add3A_329 = vector.broadcast %add3A_328 : i32 to vector<16xi32>
        %add3A_330 = arith.addi %mul3A_116, %add3A_329 : vector<16xi32>
        tpu.vector_store_idx %arg8[%add3A_330], %gather3A_303 : memref<32768xf32, #tpu.memory_space<vmem>>[vector<16xi32>], vector<16xf32>,
        %add3A_331 = arith.constant 29 : i32
        %add3A_332 = vector.broadcast %add3A_331 : i32 to vector<16xi32>
        %add3A_333 = arith.addi %mul3A_116, %add3A_332 : vector<16xi32>
        tpu.vector_store_idx %arg8[%add3A_333], %gather3A_307 : memref<32768xf32, #tpu.memory_space<vmem>>[vector<16xi32>], vector<16xf32>,
        %add3A_334 = arith.constant 30 : i32
        %add3A_335 = vector.broadcast %add3A_334 : i32 to vector<16xi32>
        %add3A_336 = arith.addi %mul3A_116, %add3A_335 : vector<16xi32>
        tpu.vector_store_idx %arg8[%add3A_336], %gather3A_311 : memref<32768xf32, #tpu.memory_space<vmem>>[vector<16xi32>], vector<16xf32>,
        %add3A_337 = arith.constant 31 : i32
        %add3A_338 = vector.broadcast %add3A_337 : i32 to vector<16xi32>
        %add3A_339 = arith.addi %mul3A_116, %add3A_338 : vector<16xi32>
        tpu.vector_store_idx %arg8[%add3A_339], %gather3A_315 : memref<32768xf32, #tpu.memory_space<vmem>>[vector<16xi32>], vector<16xf32>,
        %add3A_340 = arith.constant 32 : i32
        %add3A_341 = vector.broadcast %add3A_340 : i32 to vector<16xi32>
        %add3A_342 = arith.addi %mul3A_109, %add3A_341 : vector<16xi32>
        %gather3A_343 = tpu.vector_load_idx %arg5[%add3A_342] : memref<15360xf32, #tpu.memory_space<vmem>>[vector<16xi32>], vector<16xf32>,
        %add3A_344 = arith.constant 33 : i32
        %add3A_345 = vector.broadcast %add3A_344 : i32 to vector<16xi32>
        %add3A_346 = arith.addi %mul3A_109, %add3A_345 : vector<16xi32>
        %gather3A_347 = tpu.vector_load_idx %arg5[%add3A_346] : memref<15360xf32, #tpu.memory_space<vmem>>[vector<16xi32>], vector<16xf32>,
        %add3A_348 = arith.constant 34 : i32
        %add3A_349 = vector.broadcast %add3A_348 : i32 to vector<16xi32>
        %add3A_350 = arith.addi %mul3A_109, %add3A_349 : vector<16xi32>
        %gather3A_351 = tpu.vector_load_idx %arg5[%add3A_350] : memref<15360xf32, #tpu.memory_space<vmem>>[vector<16xi32>], vector<16xf32>,
        %add3A_352 = arith.constant 35 : i32
        %add3A_353 = vector.broadcast %add3A_352 : i32 to vector<16xi32>
        %add3A_354 = arith.addi %mul3A_109, %add3A_353 : vector<16xi32>
        %gather3A_355 = tpu.vector_load_idx %arg5[%add3A_354] : memref<15360xf32, #tpu.memory_space<vmem>>[vector<16xi32>], vector<16xf32>,
        %add3A_356 = arith.constant 36 : i32
        %add3A_357 = vector.broadcast %add3A_356 : i32 to vector<16xi32>
        %add3A_358 = arith.addi %mul3A_109, %add3A_357 : vector<16xi32>
        %gather3A_359 = tpu.vector_load_idx %arg5[%add3A_358] : memref<15360xf32, #tpu.memory_space<vmem>>[vector<16xi32>], vector<16xf32>,
        %add3A_360 = arith.constant 37 : i32
        %add3A_361 = vector.broadcast %add3A_360 : i32 to vector<16xi32>
        %add3A_362 = arith.addi %mul3A_109, %add3A_361 : vector<16xi32>
        %gather3A_363 = tpu.vector_load_idx %arg5[%add3A_362] : memref<15360xf32, #tpu.memory_space<vmem>>[vector<16xi32>], vector<16xf32>,
        %add3A_364 = arith.constant 38 : i32
        %add3A_365 = vector.broadcast %add3A_364 : i32 to vector<16xi32>
        %add3A_366 = arith.addi %mul3A_109, %add3A_365 : vector<16xi32>
        %gather3A_367 = tpu.vector_load_idx %arg5[%add3A_366] : memref<15360xf32, #tpu.memory_space<vmem>>[vector<16xi32>], vector<16xf32>,
        %add3A_368 = arith.constant 39 : i32
        %add3A_369 = vector.broadcast %add3A_368 : i32 to vector<16xi32>
        %add3A_370 = arith.addi %mul3A_109, %add3A_369 : vector<16xi32>
        %gather3A_371 = tpu.vector_load_idx %arg5[%add3A_370] : memref<15360xf32, #tpu.memory_space<vmem>>[vector<16xi32>], vector<16xf32>,
        %add3A_372 = arith.constant 32 : i32
        %add3A_373 = vector.broadcast %add3A_372 : i32 to vector<16xi32>
        %add3A_374 = arith.addi %mul3A_116, %add3A_373 : vector<16xi32>
        tpu.vector_store_idx %arg8[%add3A_374], %gather3A_343 : memref<32768xf32, #tpu.memory_space<vmem>>[vector<16xi32>], vector<16xf32>,
        %add3A_375 = arith.constant 33 : i32
        %add3A_376 = vector.broadcast %add3A_375 : i32 to vector<16xi32>
        %add3A_377 = arith.addi %mul3A_116, %add3A_376 : vector<16xi32>
        tpu.vector_store_idx %arg8[%add3A_377], %gather3A_347 : memref<32768xf32, #tpu.memory_space<vmem>>[vector<16xi32>], vector<16xf32>,
        %add3A_378 = arith.constant 34 : i32
        %add3A_379 = vector.broadcast %add3A_378 : i32 to vector<16xi32>
        %add3A_380 = arith.addi %mul3A_116, %add3A_379 : vector<16xi32>
        tpu.vector_store_idx %arg8[%add3A_380], %gather3A_351 : memref<32768xf32, #tpu.memory_space<vmem>>[vector<16xi32>], vector<16xf32>,
        %add3A_381 = arith.constant 35 : i32
        %add3A_382 = vector.broadcast %add3A_381 : i32 to vector<16xi32>
        %add3A_383 = arith.addi %mul3A_116, %add3A_382 : vector<16xi32>
        tpu.vector_store_idx %arg8[%add3A_383], %gather3A_355 : memref<32768xf32, #tpu.memory_space<vmem>>[vector<16xi32>], vector<16xf32>,
        %add3A_384 = arith.constant 36 : i32
        %add3A_385 = vector.broadcast %add3A_384 : i32 to vector<16xi32>
        %add3A_386 = arith.addi %mul3A_116, %add3A_385 : vector<16xi32>
        tpu.vector_store_idx %arg8[%add3A_386], %gather3A_359 : memref<32768xf32, #tpu.memory_space<vmem>>[vector<16xi32>], vector<16xf32>,
        %add3A_387 = arith.constant 37 : i32
        %add3A_388 = vector.broadcast %add3A_387 : i32 to vector<16xi32>
        %add3A_389 = arith.addi %mul3A_116, %add3A_388 : vector<16xi32>
        tpu.vector_store_idx %arg8[%add3A_389], %gather3A_363 : memref<32768xf32, #tpu.memory_space<vmem>>[vector<16xi32>], vector<16xf32>,
        %add3A_390 = arith.constant 38 : i32
        %add3A_391 = vector.broadcast %add3A_390 : i32 to vector<16xi32>
        %add3A_392 = arith.addi %mul3A_116, %add3A_391 : vector<16xi32>
        tpu.vector_store_idx %arg8[%add3A_392], %gather3A_367 : memref<32768xf32, #tpu.memory_space<vmem>>[vector<16xi32>], vector<16xf32>,
        %add3A_393 = arith.constant 39 : i32
        %add3A_394 = vector.broadcast %add3A_393 : i32 to vector<16xi32>
        %add3A_395 = arith.addi %mul3A_116, %add3A_394 : vector<16xi32>
        tpu.vector_store_idx %arg8[%add3A_395], %gather3A_371 : memref<32768xf32, #tpu.memory_space<vmem>>[vector<16xi32>], vector<16xf32>,
        %add3A_396 = arith.constant 40 : i32
        %add3A_397 = vector.broadcast %add3A_396 : i32 to vector<16xi32>
        %add3A_398 = arith.addi %mul3A_109, %add3A_397 : vector<16xi32>
        %gather3A_399 = tpu.vector_load_idx %arg5[%add3A_398] : memref<15360xf32, #tpu.memory_space<vmem>>[vector<16xi32>], vector<16xf32>,
        %add3A_400 = arith.constant 41 : i32
        %add3A_401 = vector.broadcast %add3A_400 : i32 to vector<16xi32>
        %add3A_402 = arith.addi %mul3A_109, %add3A_401 : vector<16xi32>
        %gather3A_403 = tpu.vector_load_idx %arg5[%add3A_402] : memref<15360xf32, #tpu.memory_space<vmem>>[vector<16xi32>], vector<16xf32>,
        %add3A_404 = arith.constant 42 : i32
        %add3A_405 = vector.broadcast %add3A_404 : i32 to vector<16xi32>
        %add3A_406 = arith.addi %mul3A_109, %add3A_405 : vector<16xi32>
        %gather3A_407 = tpu.vector_load_idx %arg5[%add3A_406] : memref<15360xf32, #tpu.memory_space<vmem>>[vector<16xi32>], vector<16xf32>,
        %add3A_408 = arith.constant 43 : i32
        %add3A_409 = vector.broadcast %add3A_408 : i32 to vector<16xi32>
        %add3A_410 = arith.addi %mul3A_109, %add3A_409 : vector<16xi32>
        %gather3A_411 = tpu.vector_load_idx %arg5[%add3A_410] : memref<15360xf32, #tpu.memory_space<vmem>>[vector<16xi32>], vector<16xf32>,
        %add3A_412 = arith.constant 44 : i32
        %add3A_413 = vector.broadcast %add3A_412 : i32 to vector<16xi32>
        %add3A_414 = arith.addi %mul3A_109, %add3A_413 : vector<16xi32>
        %gather3A_415 = tpu.vector_load_idx %arg5[%add3A_414] : memref<15360xf32, #tpu.memory_space<vmem>>[vector<16xi32>], vector<16xf32>,
        %add3A_416 = arith.constant 45 : i32
        %add3A_417 = vector.broadcast %add3A_416 : i32 to vector<16xi32>
        %add3A_418 = arith.addi %mul3A_109, %add3A_417 : vector<16xi32>
        %gather3A_419 = tpu.vector_load_idx %arg5[%add3A_418] : memref<15360xf32, #tpu.memory_space<vmem>>[vector<16xi32>], vector<16xf32>,
        %add3A_420 = arith.constant 46 : i32
        %add3A_421 = vector.broadcast %add3A_420 : i32 to vector<16xi32>
        %add3A_422 = arith.addi %mul3A_109, %add3A_421 : vector<16xi32>
        %gather3A_423 = tpu.vector_load_idx %arg5[%add3A_422] : memref<15360xf32, #tpu.memory_space<vmem>>[vector<16xi32>], vector<16xf32>,
        %add3A_424 = arith.constant 47 : i32
        %add3A_425 = vector.broadcast %add3A_424 : i32 to vector<16xi32>
        %add3A_426 = arith.addi %mul3A_109, %add3A_425 : vector<16xi32>
        %gather3A_427 = tpu.vector_load_idx %arg5[%add3A_426] : memref<15360xf32, #tpu.memory_space<vmem>>[vector<16xi32>], vector<16xf32>,
        %add3A_428 = arith.constant 40 : i32
        %add3A_429 = vector.broadcast %add3A_428 : i32 to vector<16xi32>
        %add3A_430 = arith.addi %mul3A_116, %add3A_429 : vector<16xi32>
        tpu.vector_store_idx %arg8[%add3A_430], %gather3A_399 : memref<32768xf32, #tpu.memory_space<vmem>>[vector<16xi32>], vector<16xf32>,
        %add3A_431 = arith.constant 41 : i32
        %add3A_432 = vector.broadcast %add3A_431 : i32 to vector<16xi32>
        %add3A_433 = arith.addi %mul3A_116, %add3A_432 : vector<16xi32>
        tpu.vector_store_idx %arg8[%add3A_433], %gather3A_403 : memref<32768xf32, #tpu.memory_space<vmem>>[vector<16xi32>], vector<16xf32>,
        %add3A_434 = arith.constant 42 : i32
        %add3A_435 = vector.broadcast %add3A_434 : i32 to vector<16xi32>
        %add3A_436 = arith.addi %mul3A_116, %add3A_435 : vector<16xi32>
        tpu.vector_store_idx %arg8[%add3A_436], %gather3A_407 : memref<32768xf32, #tpu.memory_space<vmem>>[vector<16xi32>], vector<16xf32>,
        %add3A_437 = arith.constant 43 : i32
        %add3A_438 = vector.broadcast %add3A_437 : i32 to vector<16xi32>
        %add3A_439 = arith.addi %mul3A_116, %add3A_438 : vector<16xi32>
        tpu.vector_store_idx %arg8[%add3A_439], %gather3A_411 : memref<32768xf32, #tpu.memory_space<vmem>>[vector<16xi32>], vector<16xf32>,
        %add3A_440 = arith.constant 44 : i32
        %add3A_441 = vector.broadcast %add3A_440 : i32 to vector<16xi32>
        %add3A_442 = arith.addi %mul3A_116, %add3A_441 : vector<16xi32>
        tpu.vector_store_idx %arg8[%add3A_442], %gather3A_415 : memref<32768xf32, #tpu.memory_space<vmem>>[vector<16xi32>], vector<16xf32>,
        %add3A_443 = arith.constant 45 : i32
        %add3A_444 = vector.broadcast %add3A_443 : i32 to vector<16xi32>
        %add3A_445 = arith.addi %mul3A_116, %add3A_444 : vector<16xi32>
        tpu.vector_store_idx %arg8[%add3A_445], %gather3A_419 : memref<32768xf32, #tpu.memory_space<vmem>>[vector<16xi32>], vector<16xf32>,
        %add3A_446 = arith.constant 46 : i32
        %add3A_447 = vector.broadcast %add3A_446 : i32 to vector<16xi32>
        %add3A_448 = arith.addi %mul3A_116, %add3A_447 : vector<16xi32>
        tpu.vector_store_idx %arg8[%add3A_448], %gather3A_423 : memref<32768xf32, #tpu.memory_space<vmem>>[vector<16xi32>], vector<16xf32>,
        %add3A_449 = arith.constant 47 : i32
        %add3A_450 = vector.broadcast %add3A_449 : i32 to vector<16xi32>
        %add3A_451 = arith.addi %mul3A_116, %add3A_450 : vector<16xi32>
        tpu.vector_store_idx %arg8[%add3A_451], %gather3A_427 : memref<32768xf32, #tpu.memory_space<vmem>>[vector<16xi32>], vector<16xf32>,
        %add3A_452 = arith.constant 48 : i32
        %add3A_453 = vector.broadcast %add3A_452 : i32 to vector<16xi32>
        %add3A_454 = arith.addi %mul3A_109, %add3A_453 : vector<16xi32>
        %gather3A_455 = tpu.vector_load_idx %arg5[%add3A_454] : memref<15360xf32, #tpu.memory_space<vmem>>[vector<16xi32>], vector<16xf32>,
        %add3A_456 = arith.constant 49 : i32
        %add3A_457 = vector.broadcast %add3A_456 : i32 to vector<16xi32>
        %add3A_458 = arith.addi %mul3A_109, %add3A_457 : vector<16xi32>
        %gather3A_459 = tpu.vector_load_idx %arg5[%add3A_458] : memref<15360xf32, #tpu.memory_space<vmem>>[vector<16xi32>], vector<16xf32>,
        %add3A_460 = arith.constant 50 : i32
        %add3A_461 = vector.broadcast %add3A_460 : i32 to vector<16xi32>
        %add3A_462 = arith.addi %mul3A_109, %add3A_461 : vector<16xi32>
        %gather3A_463 = tpu.vector_load_idx %arg5[%add3A_462] : memref<15360xf32, #tpu.memory_space<vmem>>[vector<16xi32>], vector<16xf32>,
        %add3A_464 = arith.constant 51 : i32
        %add3A_465 = vector.broadcast %add3A_464 : i32 to vector<16xi32>
        %add3A_466 = arith.addi %mul3A_109, %add3A_465 : vector<16xi32>
        %gather3A_467 = tpu.vector_load_idx %arg5[%add3A_466] : memref<15360xf32, #tpu.memory_space<vmem>>[vector<16xi32>], vector<16xf32>,
        %add3A_468 = arith.constant 52 : i32
        %add3A_469 = vector.broadcast %add3A_468 : i32 to vector<16xi32>
        %add3A_470 = arith.addi %mul3A_109, %add3A_469 : vector<16xi32>
        %gather3A_471 = tpu.vector_load_idx %arg5[%add3A_470] : memref<15360xf32, #tpu.memory_space<vmem>>[vector<16xi32>], vector<16xf32>,
        %add3A_472 = arith.constant 53 : i32
        %add3A_473 = vector.broadcast %add3A_472 : i32 to vector<16xi32>
        %add3A_474 = arith.addi %mul3A_109, %add3A_473 : vector<16xi32>
        %gather3A_475 = tpu.vector_load_idx %arg5[%add3A_474] : memref<15360xf32, #tpu.memory_space<vmem>>[vector<16xi32>], vector<16xf32>,
        %add3A_476 = arith.constant 54 : i32
        %add3A_477 = vector.broadcast %add3A_476 : i32 to vector<16xi32>
        %add3A_478 = arith.addi %mul3A_109, %add3A_477 : vector<16xi32>
        %gather3A_479 = tpu.vector_load_idx %arg5[%add3A_478] : memref<15360xf32, #tpu.memory_space<vmem>>[vector<16xi32>], vector<16xf32>,
        %add3A_480 = arith.constant 55 : i32
        %add3A_481 = vector.broadcast %add3A_480 : i32 to vector<16xi32>
        %add3A_482 = arith.addi %mul3A_109, %add3A_481 : vector<16xi32>
        %gather3A_483 = tpu.vector_load_idx %arg5[%add3A_482] : memref<15360xf32, #tpu.memory_space<vmem>>[vector<16xi32>], vector<16xf32>,
        %add3A_484 = arith.constant 48 : i32
        %add3A_485 = vector.broadcast %add3A_484 : i32 to vector<16xi32>
        %add3A_486 = arith.addi %mul3A_116, %add3A_485 : vector<16xi32>
        tpu.vector_store_idx %arg8[%add3A_486], %gather3A_455 : memref<32768xf32, #tpu.memory_space<vmem>>[vector<16xi32>], vector<16xf32>,
        %add3A_487 = arith.constant 49 : i32
        %add3A_488 = vector.broadcast %add3A_487 : i32 to vector<16xi32>
        %add3A_489 = arith.addi %mul3A_116, %add3A_488 : vector<16xi32>
        tpu.vector_store_idx %arg8[%add3A_489], %gather3A_459 : memref<32768xf32, #tpu.memory_space<vmem>>[vector<16xi32>], vector<16xf32>,
        %add3A_490 = arith.constant 50 : i32
        %add3A_491 = vector.broadcast %add3A_490 : i32 to vector<16xi32>
        %add3A_492 = arith.addi %mul3A_116, %add3A_491 : vector<16xi32>
        tpu.vector_store_idx %arg8[%add3A_492], %gather3A_463 : memref<32768xf32, #tpu.memory_space<vmem>>[vector<16xi32>], vector<16xf32>,
        %add3A_493 = arith.constant 51 : i32
        %add3A_494 = vector.broadcast %add3A_493 : i32 to vector<16xi32>
        %add3A_495 = arith.addi %mul3A_116, %add3A_494 : vector<16xi32>
        tpu.vector_store_idx %arg8[%add3A_495], %gather3A_467 : memref<32768xf32, #tpu.memory_space<vmem>>[vector<16xi32>], vector<16xf32>,
        %add3A_496 = arith.constant 52 : i32
        %add3A_497 = vector.broadcast %add3A_496 : i32 to vector<16xi32>
        %add3A_498 = arith.addi %mul3A_116, %add3A_497 : vector<16xi32>
        tpu.vector_store_idx %arg8[%add3A_498], %gather3A_471 : memref<32768xf32, #tpu.memory_space<vmem>>[vector<16xi32>], vector<16xf32>,
        %add3A_499 = arith.constant 53 : i32
        %add3A_500 = vector.broadcast %add3A_499 : i32 to vector<16xi32>
        %add3A_501 = arith.addi %mul3A_116, %add3A_500 : vector<16xi32>
        tpu.vector_store_idx %arg8[%add3A_501], %gather3A_475 : memref<32768xf32, #tpu.memory_space<vmem>>[vector<16xi32>], vector<16xf32>,
        %add3A_502 = arith.constant 54 : i32
        %add3A_503 = vector.broadcast %add3A_502 : i32 to vector<16xi32>
        %add3A_504 = arith.addi %mul3A_116, %add3A_503 : vector<16xi32>
        tpu.vector_store_idx %arg8[%add3A_504], %gather3A_479 : memref<32768xf32, #tpu.memory_space<vmem>>[vector<16xi32>], vector<16xf32>,
        %add3A_505 = arith.constant 55 : i32
        %add3A_506 = vector.broadcast %add3A_505 : i32 to vector<16xi32>
        %add3A_507 = arith.addi %mul3A_116, %add3A_506 : vector<16xi32>
        tpu.vector_store_idx %arg8[%add3A_507], %gather3A_483 : memref<32768xf32, #tpu.memory_space<vmem>>[vector<16xi32>], vector<16xf32>,
        %add3A_508 = arith.constant 56 : i32
        %add3A_509 = vector.broadcast %add3A_508 : i32 to vector<16xi32>
        %add3A_510 = arith.addi %mul3A_109, %add3A_509 : vector<16xi32>
        %gather3A_511 = tpu.vector_load_idx %arg5[%add3A_510] : memref<15360xf32, #tpu.memory_space<vmem>>[vector<16xi32>], vector<16xf32>,
        %add3A_512 = arith.constant 57 : i32
        %add3A_513 = vector.broadcast %add3A_512 : i32 to vector<16xi32>
        %add3A_514 = arith.addi %mul3A_109, %add3A_513 : vector<16xi32>
        %gather3A_515 = tpu.vector_load_idx %arg5[%add3A_514] : memref<15360xf32, #tpu.memory_space<vmem>>[vector<16xi32>], vector<16xf32>,
        %add3A_516 = arith.constant 58 : i32
        %add3A_517 = vector.broadcast %add3A_516 : i32 to vector<16xi32>
        %add3A_518 = arith.addi %mul3A_109, %add3A_517 : vector<16xi32>
        %gather3A_519 = tpu.vector_load_idx %arg5[%add3A_518] : memref<15360xf32, #tpu.memory_space<vmem>>[vector<16xi32>], vector<16xf32>,
        %add3A_520 = arith.constant 59 : i32
        %add3A_521 = vector.broadcast %add3A_520 : i32 to vector<16xi32>
        %add3A_522 = arith.addi %mul3A_109, %add3A_521 : vector<16xi32>
        %gather3A_523 = tpu.vector_load_idx %arg5[%add3A_522] : memref<15360xf32, #tpu.memory_space<vmem>>[vector<16xi32>], vector<16xf32>,
        %add3A_524 = arith.constant 60 : i32
        %add3A_525 = vector.broadcast %add3A_524 : i32 to vector<16xi32>
        %add3A_526 = arith.addi %mul3A_109, %add3A_525 : vector<16xi32>
        %gather3A_527 = tpu.vector_load_idx %arg5[%add3A_526] : memref<15360xf32, #tpu.memory_space<vmem>>[vector<16xi32>], vector<16xf32>,
        %add3A_528 = arith.constant 61 : i32
        %add3A_529 = vector.broadcast %add3A_528 : i32 to vector<16xi32>
        %add3A_530 = arith.addi %mul3A_109, %add3A_529 : vector<16xi32>
        %gather3A_531 = tpu.vector_load_idx %arg5[%add3A_530] : memref<15360xf32, #tpu.memory_space<vmem>>[vector<16xi32>], vector<16xf32>,
        %add3A_532 = arith.constant 62 : i32
        %add3A_533 = vector.broadcast %add3A_532 : i32 to vector<16xi32>
        %add3A_534 = arith.addi %mul3A_109, %add3A_533 : vector<16xi32>
        %gather3A_535 = tpu.vector_load_idx %arg5[%add3A_534] : memref<15360xf32, #tpu.memory_space<vmem>>[vector<16xi32>], vector<16xf32>,
        %add3A_536 = arith.constant 63 : i32
        %add3A_537 = vector.broadcast %add3A_536 : i32 to vector<16xi32>
        %add3A_538 = arith.addi %mul3A_109, %add3A_537 : vector<16xi32>
        %gather3A_539 = tpu.vector_load_idx %arg5[%add3A_538] : memref<15360xf32, #tpu.memory_space<vmem>>[vector<16xi32>], vector<16xf32>,
        %add3A_540 = arith.constant 56 : i32
        %add3A_541 = vector.broadcast %add3A_540 : i32 to vector<16xi32>
        %add3A_542 = arith.addi %mul3A_116, %add3A_541 : vector<16xi32>
        tpu.vector_store_idx %arg8[%add3A_542], %gather3A_511 : memref<32768xf32, #tpu.memory_space<vmem>>[vector<16xi32>], vector<16xf32>,
        %add3A_543 = arith.constant 57 : i32
        %add3A_544 = vector.broadcast %add3A_543 : i32 to vector<16xi32>
        %add3A_545 = arith.addi %mul3A_116, %add3A_544 : vector<16xi32>
        tpu.vector_store_idx %arg8[%add3A_545], %gather3A_515 : memref<32768xf32, #tpu.memory_space<vmem>>[vector<16xi32>], vector<16xf32>,
        %add3A_546 = arith.constant 58 : i32
        %add3A_547 = vector.broadcast %add3A_546 : i32 to vector<16xi32>
        %add3A_548 = arith.addi %mul3A_116, %add3A_547 : vector<16xi32>
        tpu.vector_store_idx %arg8[%add3A_548], %gather3A_519 : memref<32768xf32, #tpu.memory_space<vmem>>[vector<16xi32>], vector<16xf32>,
        %add3A_549 = arith.constant 59 : i32
        %add3A_550 = vector.broadcast %add3A_549 : i32 to vector<16xi32>
        %add3A_551 = arith.addi %mul3A_116, %add3A_550 : vector<16xi32>
        tpu.vector_store_idx %arg8[%add3A_551], %gather3A_523 : memref<32768xf32, #tpu.memory_space<vmem>>[vector<16xi32>], vector<16xf32>,
        %add3A_552 = arith.constant 60 : i32
        %add3A_553 = vector.broadcast %add3A_552 : i32 to vector<16xi32>
        %add3A_554 = arith.addi %mul3A_116, %add3A_553 : vector<16xi32>
        tpu.vector_store_idx %arg8[%add3A_554], %gather3A_527 : memref<32768xf32, #tpu.memory_space<vmem>>[vector<16xi32>], vector<16xf32>,
        %add3A_555 = arith.constant 61 : i32
        %add3A_556 = vector.broadcast %add3A_555 : i32 to vector<16xi32>
        %add3A_557 = arith.addi %mul3A_116, %add3A_556 : vector<16xi32>
        tpu.vector_store_idx %arg8[%add3A_557], %gather3A_531 : memref<32768xf32, #tpu.memory_space<vmem>>[vector<16xi32>], vector<16xf32>,
        %add3A_558 = arith.constant 62 : i32
        %add3A_559 = vector.broadcast %add3A_558 : i32 to vector<16xi32>
        %add3A_560 = arith.addi %mul3A_116, %add3A_559 : vector<16xi32>
        tpu.vector_store_idx %arg8[%add3A_560], %gather3A_535 : memref<32768xf32, #tpu.memory_space<vmem>>[vector<16xi32>], vector<16xf32>,
        %add3A_561 = arith.constant 63 : i32
        %add3A_562 = vector.broadcast %add3A_561 : i32 to vector<16xi32>
        %add3A_563 = arith.addi %mul3A_116, %add3A_562 : vector<16xi32>
        tpu.vector_store_idx %arg8[%add3A_563], %gather3A_539 : memref<32768xf32, #tpu.memory_space<vmem>>[vector<16xi32>], vector<16xf32>,
      }
      %scan3A_91 = arith.constant 32 : i32
      %mul3A_92 = arith.constant 512 : i32
      %mul3A_93 = arith.muli %add3A_74, %mul3A_92 : i32
      %add3A_94 = arith.addi %mul3A_2, %mul3A_93 : i32
      %mul3A_95 = arith.constant 64 : i32
      %mul3A_96 = arith.muli %add3A_94, %mul3A_95 : i32
      %dma_start3A_97 = tpu.memref_slice %arg4[%mul3A_96] : memref<52428800xf32, #tpu.memory_space<hbm>> -> memref<32768xf32, #tpu.memory_space<hbm>>
      %dma_start3A_98 = tpu.memref_slice %arg4[%mul3A_96] : memref<52428800xf32, #tpu.memory_space<hbm>> -> memref<32768xf32, #tpu.memory_space<hbm>>
      tpu.enqueue_dma source(%arg8 : memref<32768xf32, #tpu.memory_space<vmem>>) target(%dma_start3A_98 : memref<32768xf32, #tpu.memory_space<hbm>>) target_semaphore(%arg10 : memref<!tpu.dma_semaphore, #tpu.memory_space<semaphore_mem>>)
    }
    %scan3A_31 = arith.constant 24 : i32
    %add3A_32 = arith.constant 24576 : i32
    %add3A_33 = arith.addi %mul3A_2, %add3A_32 : i32
    %mul3A_34 = arith.constant 64 : i32
    %mul3A_35 = arith.muli %add3A_33, %mul3A_34 : i32
    %dma_wait3A = tpu.memref_slice %arg4[%mul3A_35] : memref<52428800xf32, #tpu.memory_space<hbm>> -> memref<32768xf32, #tpu.memory_space<hbm>>
    %dma_wait3A_36 = tpu.memref_slice %arg4[%mul3A_35] : memref<52428800xf32, #tpu.memory_space<hbm>> -> memref<32768xf32, #tpu.memory_space<hbm>>
    tpu.wait_dma2 semaphore(%arg9 : memref<!tpu.dma_semaphore, #tpu.memory_space<semaphore_mem>>) src(%arg7 : memref<32768xf32, #tpu.memory_space<vmem>>) dst(%dma_wait3A_36 : memref<32768xf32, #tpu.memory_space<hbm>>)
    %add3A_37 = arith.constant 25088 : i32
    %add3A_38 = arith.addi %mul3A_2, %add3A_37 : i32
    %mul3A_39 = arith.constant 64 : i32
    %mul3A_40 = arith.muli %add3A_38, %mul3A_39 : i32
    %dma_wait3A_41 = tpu.memref_slice %arg4[%mul3A_40] : memref<52428800xf32, #tpu.memory_space<hbm>> -> memref<32768xf32, #tpu.memory_space<hbm>>
    %dma_wait3A_42 = tpu.memref_slice %arg4[%mul3A_40] : memref<52428800xf32, #tpu.memory_space<hbm>> -> memref<32768xf32, #tpu.memory_space<hbm>>
    tpu.wait_dma2 semaphore(%arg10 : memref<!tpu.dma_semaphore, #tpu.memory_space<semaphore_mem>>) src(%arg8 : memref<32768xf32, #tpu.memory_space<vmem>>) dst(%dma_wait3A_42 : memref<32768xf32, #tpu.memory_space<hbm>>)
    return
  }
}

</mosaic_0001>

<sc_bundles>
// kernel: kernel.3.cloned.1.call-start
scs
__scs_entry_jumppad:
0x0: {  	(pc) =	sbr.rel $0x88, $3  }
0x1: {  	(tag) =	ssettag $0x0;
	lr =	simm.s32 $0x1  }
0x2: {  	[smem:$0x3F9F] =	sst lr;
	_ =	strace $0xD0000000  }
0x3: {  	_ = 	snop  }
0x4: {  	_ = 	snop  }
0x5: {  	_ = 	snop  }
0x6: {  	_ = 	snop  }
0x7: {  	_ = 	snop  }
__scs_overlays_trampoline_lowered:
0x8: {  	[smem:$0x3FAE] =	sst s0  }
0x9: {  	[smem:$0x3FAF] =	sst s1  }
0xa: {  	[smem:$0x3FB0] =	sst s2  }
0xb: {  	[smem:$0x3FB1] =	sst s3  }
0xc: {  	[smem:$0x3FB2] =	sst s4  }
0xd: {  	[smem:$0x3FB3] =	sst s5  }
0xe: {  	[smem:$0x3FB4] =	sst s6  }
0xf: {  	[smem:$0x3FB5] =	sst s7  }
0x10: {  	[smem:$0x3FB6] =	sst s8  }
0x11: {  	[smem:$0x3FB7] =	sst s9;
	s0 =	simm.s32 @!p0 $0x0  }
0x12: {  	s1 =	sld [smem:$0x3F9D];
	s0 =	simm.s32 @p0 $0x1  }
0x13: {  	[smem:$0x3FB8] =	sst s0;
	s0 =	simm.s32 @!p1 $0x0  }
0x14: {  	s2 =	sld [smem:$0x3F9C];
	s0 =	simm.s32 @p1 $0x1  }
0x15: {  	[smem:$0x3FB9] =	sst s0;
	s0 =	simm.s32 @!p2 $0x0  }
0x16: {  	s3 =	sld [smem:$0x3FDB];
	s0 =	simm.s32 @p2 $0x1  }
0x17: {  	s4 =	simm.s32 $0x1BF5;
	[smem:$0x3FBB] =	sst s0  }
0x18: {  	s0 =	sld [smem:$0x3F9E];
	_ =	swait.ge [sflag:s4], $0x0  }
0x19: {  	s7 =	sld [smem:$0x3F9F]  }
0x1a: {  	s8 =	sadd.s32 $0xFFFFE003, lr  }
0x1b: {  	s9 =	sadd.s32 $0xFFFFFEF7, lr;
	s5 =	simm.s32 $0xFFFFFFFF;
	p2 =	slt.u32 s8, $0xFFFFF086  }
0x1c: {  	p1 =	slt.u32 s9, $0xF7A;
	s5 =	simm.s32 @!p2 $0x0  }
0x1d: {  	s5 =	simm.s32 @p1 $0x1;
	p0 =	seq.s32 s7, s2  }
0x1e: {  	s7 =	smul.u32 @!p0 $0xF7A, s2;
	p2 =	seq.s32 @!p0 s5, $0x0  }
0x1f: {  	s9 =	smul.u32 $0xF7A, s1;
	s8 =	simm.s32 @!p0 $0x1BF5;
	p2 =	por !p2, p0  }
0x20: {  	[sflag:s8] =	ssyncset.s32 @!p0 $0xFFFFF086;
	s6 =	sadd.s32 @!p0 s3, s7;
	s7 =	simm.s32 @!p0 $0x108  }
0x21: {  	s3 =	sadd.s32 s3, s9;
	s6 =	sadd.s32 @!p0 $0x88, s6;
	s7 =	simm.s32 @p2 $0x1082  }
0x22: {  	[simem:s7], [sflag:s8] =	dma.local @!p0 [hbm:s6], $0xF7A  }
0x23: {  	s9 =	sor.u32 $0xD0000000, s2;
	s6 =	simm.s32 $0x108;
	_ =	swait.ge @!p0 [sflag:s8], $0x0  }
0x24: {  	s3 =	sadd.s32 $0x88, s3;
	s6 =	simm.s32 @!p1 $0x1082;
	[sflag:s4] =	ssyncset.s32 $0xFFFFF086  }
0x25: {  	[simem:s6], [sflag:s4] =	dma.local [hbm:s3], $0xF7A  }
0x26: {  	[smem:$0x3F9F] =	sst s1;
	(tag) =	ssettag s2;
	_ =	strace s9  }
0x27: {  	s1 =	sld [smem:$0x3FAF]  }
0x28: {  	s2 =	sld [smem:$0x3FB0]  }
0x29: {  	s4 =	sld [smem:$0x3FB2]  }
0x2a: {  	p0 =	seq.s32 s5, $0x0;
	s5 =	sld [smem:$0x3FB3]  }
0x2b: {  	s6 =	sld [smem:$0x3FB4]  }
0x2c: {  	s7 =	sld [smem:$0x3FB5]  }
0x2d: {  	s3 =	simm.s32 $0x108;
	s8 =	sld [smem:$0x3FB6]  }
0x2e: {  	s3 =	simm.s32 @!p0 $0x1082;
	s9 =	sld [smem:$0x3FB7]  }
0x2f: {  	lr =	sadd.s32 s0, s3;
	s0 =	sld [smem:$0x3FAE]  }
0x30: {  	s3 =	sld [smem:$0x3FB1]  }
0x31: {  	[smem:$0x3FBA] =	sst s10  }
0x32: {  	s10 =	sld [smem:$0x3FB8];
	_ =	sdelay $0x3  }
0x33: {  	p0 =	seq.s32 s10, $0x1;
	s10 =	sld [smem:$0x3FBA];
	_ =	sdelay $0x3  }
0x34: {  	[smem:$0x3FBA] =	sst s10  }
0x35: {  	s10 =	sld [smem:$0x3FB9];
	_ =	sdelay $0x3  }
0x36: {  	p1 =	seq.s32 s10, $0x1;
	s10 =	sld [smem:$0x3FBA];
	_ =	sdelay $0x3  }
0x37: {  	[smem:$0x3FBA] =	sst s10  }
0x38: {  	s10 =	sld [smem:$0x3FBB]  }
0x39: {  	_ = 	snop;
	(pc) =	sbr.ind lr, $3  }
0x3a: {  	_ = 	snop  }
0x3b: {  	_ = 	snop  }
0x3c: {  	p2 =	seq.s32 s10, $0x1;
	s10 =	sld [smem:$0x3FBA]  }
0x3d: {  	_ =	shalt  }
0x3e: {  	_ =	shalt  }
0x3f: {  	_ =	shalt  }
0x40: {  	_ =	shalt  }
0x41: {  	_ =	shalt  }
0x42: {  	_ =	shalt  }
0x43: {  	_ =	shalt  }
0x44: {  	_ =	shalt  }
0x45: {  	_ =	shalt  }
0x46: {  	_ =	shalt  }
0x47: {  	_ =	shalt  }
0x48: {  	_ =	shalt  }
0x49: {  	_ =	shalt  }
0x4a: {  	_ =	shalt  }
0x4b: {  	_ =	shalt  }
0x4c: {  	_ =	shalt  }
0x4d: {  	_ =	shalt  }
0x4e: {  	_ =	shalt  }
0x4f: {  	_ =	shalt  }
0x50: {  	_ =	shalt  }
0x51: {  	_ =	shalt  }
0x52: {  	_ =	shalt  }
0x53: {  	_ =	shalt  }
0x54: {  	_ =	shalt  }
0x55: {  	_ =	shalt  }
0x56: {  	_ =	shalt  }
0x57: {  	_ =	shalt  }
0x58: {  	_ =	shalt  }
0x59: {  	_ =	shalt  }
0x5a: {  	_ =	shalt  }
0x5b: {  	_ =	shalt  }
0x5c: {  	_ =	shalt  }
0x5d: {  	_ =	shalt  }
0x5e: {  	_ =	shalt  }
0x5f: {  	_ =	shalt  }
0x60: {  	_ =	shalt  }
0x61: {  	_ =	shalt  }
0x62: {  	_ =	shalt  }
0x63: {  	_ =	shalt  }
0x64: {  	_ =	shalt  }
0x65: {  	_ =	shalt  }
0x66: {  	_ =	shalt  }
0x67: {  	_ =	shalt  }
0x68: {  	_ =	shalt  }
0x69: {  	_ =	shalt  }
0x6a: {  	_ =	shalt  }
0x6b: {  	_ =	shalt  }
0x6c: {  	_ =	shalt  }
0x6d: {  	_ =	shalt  }
0x6e: {  	_ =	shalt  }
0x6f: {  	_ =	shalt  }
0x70: {  	_ =	shalt  }
0x71: {  	_ =	shalt  }
0x72: {  	_ =	shalt  }
0x73: {  	_ =	shalt  }
0x74: {  	_ =	shalt  }
0x75: {  	_ =	shalt  }
0x76: {  	_ =	shalt  }
0x77: {  	_ =	shalt  }
0x78: {  	_ =	shalt  }
0x79: {  	_ =	shalt  }
0x7a: {  	_ =	shalt  }
0x7b: {  	_ =	shalt  }
0x7c: {  	_ =	shalt  }
0x7d: {  	_ =	shalt  }
0x7e: {  	_ =	shalt  }
0x7f: {  	_ =	shalt  }
0x80: {  	_ =	shalt  }
0x81: {  	_ =	shalt  }
0x82: {  	_ =	shalt  }
0x83: {  	_ =	shalt  }
0x84: {  	_ =	shalt  }
0x85: {  	_ =	shalt  }
0x86: {  	_ =	shalt  }
0x87: {  	_ =	shalt  }
.Lfunc_end0:
.L_simem_size_0:
called_computation.1_lowered:
.L_overlay_start_0:
0x88: {  	s2 =	sld [smem:$0x3FD9]  }
0x89: {  	s3 =	sld [smem:$0x3FFE];
	_ =	sdelay $0x1  }
0x8a: {  	s1 =	srdreg.scid  }
0x8b: {  	s0 =	sand.u32 $0x1, s1  }
0x8c: {  	s17 =	sshll.u32 s0, $0xA;
	s2 =	sadd.s32 s3, s2  }
0x8d: {  	s2 =	sadd.s32 s2, s17  }
0x8e: {  	[smem:$0x3FC6] =	sst s2  }
0x8f: {  	_ = 	snop  }
0x90: {  	s2 =	sld [smem:$0x3FD0];
	(tm) =	ssettm $0x1  }
0x91: {  	s18 =	sld [smem:$0x3FFB];
	_ =	sdelay $0x3  }
0x92: {  	_ =	strace s18  }
0x93: {  	s3 =	sld [smem:$0x3FFC];
	_ =	sdelay $0x3  }
0x94: {  	_ =	strace s3  }
0x95: {  	s3 =	sld [smem:$0x3FFD];
	_ =	sdelay $0x3  }
0x96: {  	_ =	strace s3  }
0x97: {  	_ =	strace $0x8FFFFFFF  }
0x98: {  	s19 =	sld [smem:$0x3FDB];
	_ =	sdelay $0x1  }
0x99: {  	s4 =	simm.s32 $_scs_section_size  }
0x9a: {  	s5 =	simm.s32 $_size__tile_overlayer_lowered;
	s6 =	simm.s32 $_tile_overlayer_lowered  }
0x9b: {  	s22 =	simm.s32 $0x1BFF;
	s21 =	sshll.u32 s6, $0x1;
	s3 =	sadd.s32 s4, s19  }
0x9c: {  	s7 =	simm.s32 $0x0;
	s20 =	sshll.u32 s5, $0x1;
	s5 =	sadd.s32 s21, s3  }
0x9d: {  	[timem:s7], [sflag:s22] =	dma.local [hbm:s5], s20  }
0x9e: {  	_ =	swait.ge [sflag:s22], s20  }
0x9f: {  	s4 =	ssub.s32 $0x0, s20;
	[sflag:s22] =	ssyncset.done $0x0  }
0xa0: {  	[sflag:s22] =	ssyncadd.s32 s4;
	_ =	sdelay $0x1  }
0xa1: {  	s23 =	simm.s32 $0x1B8B  }
0xa2: {  	_ =	swait.ge [sflag:s23], $0x1  }
0xa3: {  	[sflag:s23] =	ssyncset.done $0x0  }
0xa4: {  	s25 =	simm.s32 $0x1B8E;
	s24 =	sld [smem:$0x3FFE];
	[sflag:s23] =	ssyncadd.s32 $0xFFFFFFFF  }
0xa5: {  	s26 =	simm.s32 $execute0_lowered;
	[smem:$0x3FD2] =	sst s25  }
0xa6: {  	s5 =	sshll.u32 s26, $0x1;
	_ =	strace $0x80000046;
	[dreg:$0x1] =	wrdreg $0xFFFFFFFF  }
0xa7: {  	s28 =	simm.s32 $_size_execute0_lowered;
	s3 =	sadd.s32 s3, s5;
	[dreg:$0x0] =	wrdreg $0x0  }
0xa8: {  	s5 =	sshll.u32 s28, $0x1;
	[dreg:$0x2] =	wrdreg s3  }
0xa9: {  	[dreg:$0x3] =	wrdreg s5  }
0xaa: {  	[dreg:$0x4] =	wrdreg $0xC0  }
0xab: {  	_ =	task [dreg:s7], $0x5FFFF  }
0xac: {  	[dreg:$0x1] =	wrdreg $0xFFFFFFFF  }
0xad: {  	[dreg:$0x0] =	wrdreg $0x60  }
0xae: {  	[dreg:$0x2] =	wrdreg s24  }
0xaf: {  	[dreg:$0x3] =	wrdreg s2  }
0xb0: {  	[dreg:$0x4] =	wrdreg $0x9  }
0xb1: {  	_ =	task.clear_ibuf [dreg:s7], $0x5FFFF;
	_ =	strace $0x90000046  }
0xb2: {  	s29 =	simm.s32 $0x9;
	_ =	strace $0x80000048  }
0xb3: {  	_ =	swait.ge [sflag:s29], $0x1  }
0xb4: {  	[sflag:s29] =	ssyncadd.s32 $0xFFFFFFFF  }
0xb5: {  	_ =	strace $0x90000048  }
0xb6: {  	_ =	sfence  }
0xb7: {  	s30 =	sld [smem:$0x0];
	_ =	sdelay $0x2  }
0xb8: {  	s31 =	sshll.u32 s1, $0xD;
	s1 =	sshrl.u32 s1, $0x2  }
0xb9: {  	s3 =	sand.u32 $0x4000, s31;
	s1 =	sadd.s32 s1, s30  }
0xba: {  	s0 =	sor.u32 s3, s0;
	s1 =	sshll.u32 s1, $0x11  }
0xbb: {  	s0 =	sor.u32 s1, s0  }
0xbc: {  	s0 =	sadd.s32 $0x8F2B, s0  }
0xbd: {  	[sflag:s0] =	ssyncadd.remote.s32 $0x1  }
0xbe: {  	_ =	sfence.sel $0xFFFF  }
0xbf: {  	[dreg:$0x0] =	wrdreg $0xFFFFFFFF;
	(pc) =	sbr.abs _section_cstart, $3  }
0xc0: {  	[dreg:$0x1] =	wrdreg $0xFFFFFFFF  }
0xc1: {  	_ =	task.clear_ibuf [dreg:s7], $0x2FFFF;
	_ =	strace $0x9FFFFFFF  }
0xc2: {  	(tm) =	ssettm $0x7FFFFFFF  }
0xc3: {  	_ =	shalt  }
tec
execute0_lowered:
.L_overlay_start_1:
0x0: {  	(tag) =	ssettag $0x1  }
0x1: {  	s5 =	rddreg [dreg:$0x0]  }
0x2: {  	s2 =	rddreg [dreg:$0x1]  }
0x3: {  	s0 =	rddreg [dreg:$0x2]  }
0x4: {  	s4 =	srdreg.scid;
	s1 =	stileid.u32  }
0x5: {  	s3 =	simm.s32 $0x0;
	s13 =	simm.s32 $0x3;
	s14 =	simm.s32 $0x3E00  }
0x6: {  	s15 =	simm.s32 $0xBE00;
	s16 =	simm.s32 $0x1;
	s17 =	simm.s32 $0x2  }
0x7: {  	s18 =	simm.s32 $0x0;
	s4 =	sand.u32 $0x1, s4;
	s6 =	sshll.u32 s1, $0x1  }
0x8: {  	[smem:$0x7FF] =	sst s3;
	s7 =	ssub.s32 $0x2, s4;
	s6 =	sor.u32 s4, s6  }
0x9: {  	_ =	strace $0x80000047;
	s4 =	sadd.s32 $0x1000, s5;
	s11 =	smul.u32 $0x6400, s6  }
0xa: {  	s5 =	sadd.s32 $0x800, s5;
	s8 =	sshrl.u32 s7, $0x1;
	s31 =	smul.u32 $0x32000, s6  }
0xb: {  	s12 =	ssub.s32 s7, s8;
	s30 =	sshrl.u32 s11, $0x3;
	s9 =	sor.u32 $0x200, s11  }
0xc: {  	s7 =	sadd.s32 s2, s31;
	s12 =	smax.u32 s12, $0x1;
	s10 =	sshrl.u32 s9, $0x3  }
0xd: {  	v0 =	vlaneseq.u32;
	s6 =	sadd.s32 s4, s30;
	s9 =	sshll.u32 s9, $0x3;
	s8 =	sadd.s32 s4, s10  }
0xe: {  	v0 =	vmul.u32 $0x40, v0;
	s9 =	sadd.s32 s2, s9;
	s10 =	sadd.s32 $0x400, s11;
	s11 =	sadd.s32 $0x600, s11  }
.LBB2_1:
0xf: {  	[tilespmem:s3], [sflag:$0x3] =	stream.linear.gather [hbm4b:s5+s3], $0x3C00, $0x38;
	[tilespmem:$0x13E00] =	vst v63  }
0x10: {  	_ =	swait.ge [sflag:s13], $0x3C00  }
0x11: {  	[sflag:s13] =	ssyncset.done $0x0  }
0x12: {  	s19 =	simm.s32 $0x3C00;
	[sflag:s13] =	ssyncadd.s32 $0xFFFFC400  }
0x13: {  	[tilespmem:s19], [sflag:$0x3] =	stream.linear.gather [hbm4b:s6+s3], $0x200, $0x38;
	[tilespmem:$0x13E00] =	vst v63  }
0x14: {  	_ =	swait.ge [sflag:s13], $0x200  }
0x15: {  	[sflag:s13] =	ssyncset.done $0x0  }
0x16: {  	s20 =	simm.s32 $0x0;
	[sflag:s13] =	ssyncadd.s32 $0xFFFFFE00  }
.LBB2_2:
0x17: {  	v1 =	vld [tilespmem:s19+$0x0];
	_ =	sdelay $0x4  }
0x18: {  	v2 =	vshll.u32 v1, $0x6  }
0x19: {  	v1 =	vor.u32 $0x1, v2  }
0x1a: {  	v3 =	vor.u32 $0x2, v2  }
0x1b: {  	v4 =	vor.u32 $0x3, v2  }
0x1c: {  	v5 =	vor.u32 $0x4, v2  }
0x1d: {  	v8 =	vmov s20;
	v7 =	vor.u32 $0x5, v2;
	v6 =	vld.idx.msk [tilespmem:v2+s3+$0x0], $0xffff  }
0x1e: {  	v10 =	vor.u32 $0x6, v2;
	v9 =	vld.idx.msk [tilespmem:v1+s3+$0x0], $0xffff;
	v1 =	vshll.u32 v8, $0x6  }
0x1f: {  	v61 =	vor.u32 $0x7, v2;
	v3 =	vld.idx.msk [tilespmem:v3+s3+$0x0], $0xffff;
	v1 =	vor.u32 v0, v1  }
0x20: {  	v4 =	vld.idx.msk [tilespmem:v4+s3+$0x0], $0xffff;
	v11 =	vor.u32 $0x1, v1  }
0x21: {  	v5 =	vld.idx.msk [tilespmem:v5+s3+$0x0], $0xffff;
	v12 =	vor.u32 $0x2, v1  }
0x22: {  	v7 =	vld.idx.msk [tilespmem:v7+s3+$0x0], $0xffff;
	v13 =	vor.u32 $0x3, v1  }
0x23: {  	v10 =	vld.idx.msk [tilespmem:v10+s3+$0x0], $0xffff;
	v14 =	vor.u32 $0x4, v1  }
0x24: {  	v8 =	vld.idx.msk [tilespmem:v61+s3+$0x0], $0xffff;
	v62 =	vor.u32 $0x5, v1;
	[tilespmem:v1+s14+$0x0] =	vst.idx.msk $0xffff, v6  }
0x25: {  	v63 =	vor.u32 $0x6, v1;
	[tilespmem:v11+s14+$0x0] =	vst.idx.msk $0xffff, v9  }
0x26: {  	[tilespmem:v12+s14+$0x0] =	vst.idx.msk $0xffff, v3;
	v3 =	vor.u32 $0x7, v1  }
0x27: {  	v12 =	vor.u32 $0x8, v2;
	[tilespmem:v13+s14+$0x0] =	vst.idx.msk $0xffff, v4  }
0x28: {  	v13 =	vor.u32 $0x9, v2;
	[tilespmem:v14+s14+$0x0] =	vst.idx.msk $0xffff, v5  }
0x29: {  	v15 =	vor.u32 $0xB, v2;
	[tilespmem:v62+s14+$0x0] =	vst.idx.msk $0xffff, v7  }
0x2a: {  	v16 =	vor.u32 $0xD, v2;
	[tilespmem:v63+s14+$0x0] =	vst.idx.msk $0xffff, v10  }
0x2b: {  	v14 =	vor.u32 $0xA, v2;
	[tilespmem:v3+s14+$0x0] =	vst.idx.msk $0xffff, v8  }
0x2c: {  	v17 =	vor.u32 $0xE, v2;
	v4 =	vld.idx.msk [tilespmem:v12+s3+$0x0], $0xffff  }
0x2d: {  	v3 =	vor.u32 $0xC, v2;
	v5 =	vld.idx.msk [tilespmem:v13+s3+$0x0], $0xffff  }
0x2e: {  	v18 =	vor.u32 $0xF, v2;
	v19 =	vor.u32 $0x8, v1;
	v7 =	vld.idx.msk [tilespmem:v15+s3+$0x0], $0xffff  }
0x2f: {  	v20 =	vor.u32 $0x9, v1;
	v8 =	vld.idx.msk [tilespmem:v16+s3+$0x0], $0xffff  }
0x30: {  	v21 =	vor.u32 $0xA, v1;
	v6 =	vld.idx.msk [tilespmem:v14+s3+$0x0], $0xffff  }
0x31: {  	v22 =	vor.u32 $0xB, v1;
	v9 =	vld.idx.msk [tilespmem:v17+s3+$0x0], $0xffff  }
0x32: {  	v15 =	vor.u32 $0xC, v1;
	v3 =	vld.idx.msk [tilespmem:v3+s3+$0x0], $0xffff  }
0x33: {  	v23 =	vor.u32 $0xD, v1;
	v10 =	vld.idx.msk [tilespmem:v18+s3+$0x0], $0xffff;
	[tilespmem:v19+s14+$0x0] =	vst.idx.msk $0xffff, v4  }
0x34: {  	v24 =	vor.u32 $0xE, v1;
	[tilespmem:v20+s14+$0x0] =	vst.idx.msk $0xffff, v5  }
0x35: {  	v25 =	vor.u32 $0xF, v1;
	[tilespmem:v21+s14+$0x0] =	vst.idx.msk $0xffff, v6  }
0x36: {  	v26 =	vor.u32 $0x10, v2;
	[tilespmem:v22+s14+$0x0] =	vst.idx.msk $0xffff, v7  }
0x37: {  	v27 =	vor.u32 $0x12, v2;
	[tilespmem:v15+s14+$0x0] =	vst.idx.msk $0xffff, v3  }
0x38: {  	v28 =	vor.u32 $0x13, v2;
	[tilespmem:v23+s14+$0x0] =	vst.idx.msk $0xffff, v8  }
0x39: {  	v3 =	vor.u32 $0x11, v2;
	[tilespmem:v24+s14+$0x0] =	vst.idx.msk $0xffff, v9  }
0x3a: {  	v29 =	vor.u32 $0x14, v2;
	[tilespmem:v25+s14+$0x0] =	vst.idx.msk $0xffff, v10  }
0x3b: {  	v30 =	vor.u32 $0x15, v2;
	v7 =	vld.idx.msk [tilespmem:v26+s3+$0x0], $0xffff  }
0x3c: {  	v31 =	vor.u32 $0x16, v2;
	v4 =	vld.idx.msk [tilespmem:v27+s3+$0x0], $0xffff  }
0x3d: {  	v32 =	vor.u32 $0x17, v2;
	v33 =	vor.u32 $0x10, v1;
	v5 =	vld.idx.msk [tilespmem:v28+s3+$0x0], $0xffff  }
0x3e: {  	v34 =	vor.u32 $0x11, v1;
	v3 =	vld.idx.msk [tilespmem:v3+s3+$0x0], $0xffff  }
0x3f: {  	v35 =	vor.u32 $0x12, v1;
	v6 =	vld.idx.msk [tilespmem:v29+s3+$0x0], $0xffff  }
0x40: {  	v36 =	vor.u32 $0x13, v1;
	v8 =	vld.idx.msk [tilespmem:v30+s3+$0x0], $0xffff  }
0x41: {  	v37 =	vor.u32 $0x14, v1;
	v9 =	vld.idx.msk [tilespmem:v31+s3+$0x0], $0xffff  }
0x42: {  	v38 =	vor.u32 $0x15, v1;
	v10 =	vld.idx.msk [tilespmem:v32+s3+$0x0], $0xffff;
	[tilespmem:v33+s14+$0x0] =	vst.idx.msk $0xffff, v7  }
0x43: {  	[tilespmem:v34+s14+$0x0] =	vst.idx.msk $0xffff, v3;
	v3 =	vor.u32 $0x16, v1  }
0x44: {  	v39 =	vor.u32 $0x17, v1;
	[tilespmem:v35+s14+$0x0] =	vst.idx.msk $0xffff, v4  }
0x45: {  	v40 =	vor.u32 $0x18, v2;
	[tilespmem:v36+s14+$0x0] =	vst.idx.msk $0xffff, v5  }
0x46: {  	v41 =	vor.u32 $0x19, v2;
	[tilespmem:v37+s14+$0x0] =	vst.idx.msk $0xffff, v6  }
0x47: {  	v42 =	vor.u32 $0x1A, v2;
	[tilespmem:v38+s14+$0x0] =	vst.idx.msk $0xffff, v8  }
0x48: {  	v43 =	vor.u32 $0x1C, v2;
	[tilespmem:v3+s14+$0x0] =	vst.idx.msk $0xffff, v9  }
0x49: {  	v44 =	vor.u32 $0x1D, v2;
	[tilespmem:v39+s14+$0x0] =	vst.idx.msk $0xffff, v10  }
0x4a: {  	v3 =	vor.u32 $0x1B, v2;
	v5 =	vld.idx.msk [tilespmem:v40+s3+$0x0], $0xffff  }
0x4b: {  	v45 =	vor.u32 $0x1E, v2;
	v6 =	vld.idx.msk [tilespmem:v41+s3+$0x0], $0xffff  }
0x4c: {  	v46 =	vor.u32 $0x1F, v2;
	v47 =	vor.u32 $0x18, v1;
	v7 =	vld.idx.msk [tilespmem:v42+s3+$0x0], $0xffff  }
0x4d: {  	v48 =	vor.u32 $0x19, v1;
	v4 =	vld.idx.msk [tilespmem:v43+s3+$0x0], $0xffff  }
0x4e: {  	v49 =	vor.u32 $0x1A, v1;
	v8 =	vld.idx.msk [tilespmem:v44+s3+$0x0], $0xffff  }
0x4f: {  	v50 =	vor.u32 $0x1B, v1;
	v3 =	vld.idx.msk [tilespmem:v3+s3+$0x0], $0xffff  }
0x50: {  	v51 =	vor.u32 $0x1C, v1;
	v9 =	vld.idx.msk [tilespmem:v45+s3+$0x0], $0xffff  }
0x51: {  	v52 =	vor.u32 $0x1D, v1;
	v10 =	vld.idx.msk [tilespmem:v46+s3+$0x0], $0xffff;
	[tilespmem:v47+s14+$0x0] =	vst.idx.msk $0xffff, v5  }
0x52: {  	v53 =	vor.u32 $0x1E, v1;
	[tilespmem:v48+s14+$0x0] =	vst.idx.msk $0xffff, v6  }
0x53: {  	v54 =	vor.u32 $0x1F, v1;
	[tilespmem:v49+s14+$0x0] =	vst.idx.msk $0xffff, v7  }
0x54: {  	[tilespmem:v50+s14+$0x0] =	vst.idx.msk $0xffff, v3;
	v3 =	vor.u32 $0x20, v2  }
0x55: {  	v55 =	vor.u32 $0x21, v2;
	[tilespmem:v51+s14+$0x0] =	vst.idx.msk $0xffff, v4  }
0x56: {  	v56 =	vor.u32 $0x22, v2;
	[tilespmem:v52+s14+$0x0] =	vst.idx.msk $0xffff, v8  }
0x57: {  	v57 =	vor.u32 $0x23, v2;
	[tilespmem:v53+s14+$0x0] =	vst.idx.msk $0xffff, v9  }
0x58: {  	v58 =	vor.u32 $0x24, v2;
	[tilespmem:v54+s14+$0x0] =	vst.idx.msk $0xffff, v10  }
0x59: {  	v59 =	vor.u32 $0x25, v2;
	v3 =	vld.idx.msk [tilespmem:v3+s3+$0x0], $0xffff  }
0x5a: {  	v60 =	vor.u32 $0x26, v2;
	v4 =	vld.idx.msk [tilespmem:v55+s3+$0x0], $0xffff  }
0x5b: {  	v61 =	vor.u32 $0x27, v2;
	v62 =	vor.u32 $0x20, v1;
	v5 =	vld.idx.msk [tilespmem:v56+s3+$0x0], $0xffff  }
0x5c: {  	v63 =	vor.u32 $0x21, v1;
	v6 =	vld.idx.msk [tilespmem:v57+s3+$0x0], $0xffff  }
0x5d: {  	v18 =	vor.u32 $0x22, v1;
	v7 =	vld.idx.msk [tilespmem:v58+s3+$0x0], $0xffff  }
0x5e: {  	v19 =	vor.u32 $0x23, v1;
	v8 =	vld.idx.msk [tilespmem:v59+s3+$0x0], $0xffff  }
0x5f: {  	v20 =	vor.u32 $0x24, v1;
	v9 =	vld.idx.msk [tilespmem:v60+s3+$0x0], $0xffff  }
0x60: {  	v10 =	vld.idx.msk [tilespmem:v61+s3+$0x0], $0xffff;
	[tilespmem:v62+s14+$0x0] =	vst.idx.msk $0xffff, v3;
	v3 =	vor.u32 $0x25, v1  }
0x61: {  	v21 =	vor.u32 $0x26, v1;
	[tilespmem:v63+s14+$0x0] =	vst.idx.msk $0xffff, v4  }
0x62: {  	v22 =	vor.u32 $0x27, v1;
	[tilespmem:v18+s14+$0x0] =	vst.idx.msk $0xffff, v5  }
0x63: {  	v23 =	vor.u32 $0x28, v2;
	[tilespmem:v19+s14+$0x0] =	vst.idx.msk $0xffff, v6  }
0x64: {  	v24 =	vor.u32 $0x29, v2;
	[tilespmem:v20+s14+$0x0] =	vst.idx.msk $0xffff, v7  }
0x65: {  	v25 =	vor.u32 $0x2B, v2;
	[tilespmem:v3+s14+$0x0] =	vst.idx.msk $0xffff, v8  }
0x66: {  	v26 =	vor.u32 $0x2C, v2;
	[tilespmem:v21+s14+$0x0] =	vst.idx.msk $0xffff, v9  }
0x67: {  	v3 =	vor.u32 $0x2A, v2;
	[tilespmem:v22+s14+$0x0] =	vst.idx.msk $0xffff, v10  }
0x68: {  	v27 =	vor.u32 $0x2D, v2;
	v6 =	vld.idx.msk [tilespmem:v23+s3+$0x0], $0xffff  }
0x69: {  	v28 =	vor.u32 $0x2E, v2;
	v7 =	vld.idx.msk [tilespmem:v24+s3+$0x0], $0xffff  }
0x6a: {  	v29 =	vor.u32 $0x2F, v2;
	v30 =	vor.u32 $0x28, v1;
	v4 =	vld.idx.msk [tilespmem:v25+s3+$0x0], $0xffff  }
0x6b: {  	v31 =	vor.u32 $0x29, v1;
	v5 =	vld.idx.msk [tilespmem:v26+s3+$0x0], $0xffff  }
0x6c: {  	v32 =	vor.u32 $0x2A, v1;
	v3 =	vld.idx.msk [tilespmem:v3+s3+$0x0], $0xffff  }
0x6d: {  	v33 =	vor.u32 $0x2B, v1;
	v8 =	vld.idx.msk [tilespmem:v27+s3+$0x0], $0xffff  }
0x6e: {  	v34 =	vor.u32 $0x2C, v1;
	v9 =	vld.idx.msk [tilespmem:v28+s3+$0x0], $0xffff  }
0x6f: {  	v35 =	vor.u32 $0x2D, v1;
	v10 =	vld.idx.msk [tilespmem:v29+s3+$0x0], $0xffff;
	[tilespmem:v30+s14+$0x0] =	vst.idx.msk $0xffff, v6  }
0x70: {  	v36 =	vor.u32 $0x2E, v1;
	[tilespmem:v31+s14+$0x0] =	vst.idx.msk $0xffff, v7  }
0x71: {  	[tilespmem:v32+s14+$0x0] =	vst.idx.msk $0xffff, v3;
	v3 =	vor.u32 $0x2F, v1  }
0x72: {  	v37 =	vor.u32 $0x30, v2;
	[tilespmem:v33+s14+$0x0] =	vst.idx.msk $0xffff, v4  }
0x73: {  	v38 =	vor.u32 $0x31, v2;
	[tilespmem:v34+s14+$0x0] =	vst.idx.msk $0xffff, v5  }
0x74: {  	v39 =	vor.u32 $0x32, v2;
	[tilespmem:v35+s14+$0x0] =	vst.idx.msk $0xffff, v8  }
0x75: {  	v40 =	vor.u32 $0x33, v2;
	[tilespmem:v36+s14+$0x0] =	vst.idx.msk $0xffff, v9  }
0x76: {  	v41 =	vor.u32 $0x35, v2;
	[tilespmem:v3+s14+$0x0] =	vst.idx.msk $0xffff, v10  }
0x77: {  	v42 =	vor.u32 $0x36, v2;
	v4 =	vld.idx.msk [tilespmem:v37+s3+$0x0], $0xffff  }
0x78: {  	v3 =	vor.u32 $0x34, v2;
	v5 =	vld.idx.msk [tilespmem:v38+s3+$0x0], $0xffff  }
0x79: {  	v43 =	vor.u32 $0x37, v2;
	v44 =	vor.u32 $0x30, v1;
	v6 =	vld.idx.msk [tilespmem:v39+s3+$0x0], $0xffff  }
0x7a: {  	v45 =	vor.u32 $0x31, v1;
	v7 =	vld.idx.msk [tilespmem:v40+s3+$0x0], $0xffff  }
0x7b: {  	v46 =	vor.u32 $0x32, v1;
	v8 =	vld.idx.msk [tilespmem:v41+s3+$0x0], $0xffff  }
0x7c: {  	v47 =	vor.u32 $0x33, v1;
	v9 =	vld.idx.msk [tilespmem:v42+s3+$0x0], $0xffff  }
0x7d: {  	v48 =	vor.u32 $0x34, v1;
	v3 =	vld.idx.msk [tilespmem:v3+s3+$0x0], $0xffff  }
0x7e: {  	v49 =	vor.u32 $0x35, v1;
	v10 =	vld.idx.msk [tilespmem:v43+s3+$0x0], $0xffff;
	[tilespmem:v44+s14+$0x0] =	vst.idx.msk $0xffff, v4  }
0x7f: {  	v50 =	vor.u32 $0x36, v1;
	[tilespmem:v45+s14+$0x0] =	vst.idx.msk $0xffff, v5  }
0x80: {  	v51 =	vor.u32 $0x37, v1;
	[tilespmem:v46+s14+$0x0] =	vst.idx.msk $0xffff, v6  }
0x81: {  	v52 =	vor.u32 $0x38, v2;
	[tilespmem:v47+s14+$0x0] =	vst.idx.msk $0xffff, v7  }
0x82: {  	v53 =	vor.u32 $0x3A, v2;
	[tilespmem:v48+s14+$0x0] =	vst.idx.msk $0xffff, v3  }
0x83: {  	v54 =	vor.u32 $0x3B, v2;
	[tilespmem:v49+s14+$0x0] =	vst.idx.msk $0xffff, v8  }
0x84: {  	v3 =	vor.u32 $0x39, v2;
	[tilespmem:v50+s14+$0x0] =	vst.idx.msk $0xffff, v9  }
0x85: {  	v55 =	vor.u32 $0x3C, v2;
	[tilespmem:v51+s14+$0x0] =	vst.idx.msk $0xffff, v10  }
0x86: {  	v56 =	vor.u32 $0x3D, v2;
	v7 =	vld.idx.msk [tilespmem:v52+s3+$0x0], $0xffff  }
0x87: {  	v57 =	vor.u32 $0x3E, v2;
	v4 =	vld.idx.msk [tilespmem:v53+s3+$0x0], $0xffff  }
0x88: {  	v58 =	vor.u32 $0x38, v1;
	v2 =	vor.u32 $0x3F, v2;
	v5 =	vld.idx.msk [tilespmem:v54+s3+$0x0], $0xffff  }
0x89: {  	v59 =	vor.u32 $0x39, v1;
	v3 =	vld.idx.msk [tilespmem:v3+s3+$0x0], $0xffff  }
0x8a: {  	v60 =	vor.u32 $0x3A, v1;
	v6 =	vld.idx.msk [tilespmem:v55+s3+$0x0], $0xffff  }
0x8b: {  	v61 =	vor.u32 $0x3B, v1;
	v8 =	vld.idx.msk [tilespmem:v56+s3+$0x0], $0xffff  }
0x8c: {  	v62 =	vor.u32 $0x3C, v1;
	v9 =	vld.idx.msk [tilespmem:v57+s3+$0x0], $0xffff  }
0x8d: {  	v63 =	vor.u32 $0x3D, v1;
	v2 =	vld.idx.msk [tilespmem:v2+s3+$0x0], $0xffff;
	[tilespmem:v58+s14+$0x0] =	vst.idx.msk $0xffff, v7  }
0x8e: {  	[tilespmem:v59+s14+$0x0] =	vst.idx.msk $0xffff, v3;
	v3 =	vor.u32 $0x3E, v1  }
0x8f: {  	p0 =	sne.s32 s20, $0x1F0;
	v1 =	vor.u32 $0x3F, v1;
	[tilespmem:v60+s14+$0x0] =	vst.idx.msk $0xffff, v4  }
.Ltmp0:
0x90: {  	[tilespmem:v61+s14+$0x0] =	vst.idx.msk $0xffff, v5;
	(pc) =	sbr.rel @p0 .LBB2_2-.Ltmp0, $4  }
0x91: {  	[tilespmem:v62+s14+$0x0] =	vst.idx.msk $0xffff, v6  }
0x92: {  	[tilespmem:v63+s14+$0x0] =	vst.idx.msk $0xffff, v8  }
0x93: {  	[tilespmem:v3+s14+$0x0] =	vst.idx.msk $0xffff, v9  }
0x94: {  	s19 =	sadd.s32 $0x10, s19;
	s20 =	sadd.s32 $0x10, s20;
	[tilespmem:v1+s14+$0x0] =	vst.idx.msk $0xffff, v2  }
0x95: {  	s19 =	simm.s32 $0x0  }
0x96: {  	[hbm4b:s7+s19] =	stream.linear.scatter [tilespmem:s14], [sflag:$0x1], $0x8000, $0x38;
	[tilespmem:$0x13E00] =	vst v63  }
0x97: {  	s20 =	simm.s32 $0x3C00  }
0x98: {  	[tilespmem:s20], [sflag:$0x3] =	stream.linear.gather [hbm4b:s8+s19], $0x200, $0x38;
	[tilespmem:$0x13E00] =	vst v63  }
0x99: {  	_ =	swait.ge [sflag:s13], $0x200  }
0x9a: {  	[sflag:s13] =	ssyncset.done $0x0  }
0x9b: {  	[sflag:s13] =	ssyncadd.s32 $0xFFFFFE00  }
.LBB2_4:
0x9c: {  	v1 =	vld [tilespmem:s20+$0x0];
	_ =	sdelay $0x4  }
0x9d: {  	v2 =	vshll.u32 v1, $0x6  }
0x9e: {  	v1 =	vor.u32 $0x1, v2  }
0x9f: {  	v3 =	vor.u32 $0x2, v2  }
0xa0: {  	v4 =	vor.u32 $0x3, v2  }
0xa1: {  	v5 =	vor.u32 $0x4, v2  }
0xa2: {  	v8 =	vmov s19;
	v7 =	vor.u32 $0x5, v2;
	v6 =	vld.idx.msk [tilespmem:v2+s3+$0x0], $0xffff  }
0xa3: {  	v10 =	vor.u32 $0x6, v2;
	v9 =	vld.idx.msk [tilespmem:v1+s3+$0x0], $0xffff;
	v1 =	vshll.u32 v8, $0x6  }
0xa4: {  	v61 =	vor.u32 $0x7, v2;
	v3 =	vld.idx.msk [tilespmem:v3+s3+$0x0], $0xffff;
	v1 =	vor.u32 v0, v1  }
0xa5: {  	v4 =	vld.idx.msk [tilespmem:v4+s3+$0x0], $0xffff;
	v11 =	vor.u32 $0x1, v1  }
0xa6: {  	v5 =	vld.idx.msk [tilespmem:v5+s3+$0x0], $0xffff;
	v12 =	vor.u32 $0x2, v1  }
0xa7: {  	v7 =	vld.idx.msk [tilespmem:v7+s3+$0x0], $0xffff;
	v13 =	vor.u32 $0x3, v1  }
0xa8: {  	v10 =	vld.idx.msk [tilespmem:v10+s3+$0x0], $0xffff;
	v14 =	vor.u32 $0x4, v1  }
0xa9: {  	v8 =	vld.idx.msk [tilespmem:v61+s3+$0x0], $0xffff;
	v62 =	vor.u32 $0x5, v1;
	[tilespmem:v1+s15+$0x0] =	vst.idx.msk $0xffff, v6  }
0xaa: {  	v63 =	vor.u32 $0x6, v1;
	[tilespmem:v11+s15+$0x0] =	vst.idx.msk $0xffff, v9  }
0xab: {  	[tilespmem:v12+s15+$0x0] =	vst.idx.msk $0xffff, v3;
	v3 =	vor.u32 $0x7, v1  }
0xac: {  	v12 =	vor.u32 $0x8, v2;
	[tilespmem:v13+s15+$0x0] =	vst.idx.msk $0xffff, v4  }
0xad: {  	v13 =	vor.u32 $0x9, v2;
	[tilespmem:v14+s15+$0x0] =	vst.idx.msk $0xffff, v5  }
0xae: {  	v15 =	vor.u32 $0xB, v2;
	[tilespmem:v62+s15+$0x0] =	vst.idx.msk $0xffff, v7  }
0xaf: {  	v16 =	vor.u32 $0xD, v2;
	[tilespmem:v63+s15+$0x0] =	vst.idx.msk $0xffff, v10  }
0xb0: {  	v14 =	vor.u32 $0xA, v2;
	[tilespmem:v3+s15+$0x0] =	vst.idx.msk $0xffff, v8  }
0xb1: {  	v17 =	vor.u32 $0xE, v2;
	v4 =	vld.idx.msk [tilespmem:v12+s3+$0x0], $0xffff  }
0xb2: {  	v3 =	vor.u32 $0xC, v2;
	v5 =	vld.idx.msk [tilespmem:v13+s3+$0x0], $0xffff  }
0xb3: {  	v18 =	vor.u32 $0xF, v2;
	v19 =	vor.u32 $0x8, v1;
	v7 =	vld.idx.msk [tilespmem:v15+s3+$0x0], $0xffff  }
0xb4: {  	v20 =	vor.u32 $0x9, v1;
	v8 =	vld.idx.msk [tilespmem:v16+s3+$0x0], $0xffff  }
0xb5: {  	v21 =	vor.u32 $0xA, v1;
	v6 =	vld.idx.msk [tilespmem:v14+s3+$0x0], $0xffff  }
0xb6: {  	v22 =	vor.u32 $0xB, v1;
	v9 =	vld.idx.msk [tilespmem:v17+s3+$0x0], $0xffff  }
0xb7: {  	v15 =	vor.u32 $0xC, v1;
	v3 =	vld.idx.msk [tilespmem:v3+s3+$0x0], $0xffff  }
0xb8: {  	v23 =	vor.u32 $0xD, v1;
	v10 =	vld.idx.msk [tilespmem:v18+s3+$0x0], $0xffff;
	[tilespmem:v19+s15+$0x0] =	vst.idx.msk $0xffff, v4  }
0xb9: {  	v24 =	vor.u32 $0xE, v1;
	[tilespmem:v20+s15+$0x0] =	vst.idx.msk $0xffff, v5  }
0xba: {  	v25 =	vor.u32 $0xF, v1;
	[tilespmem:v21+s15+$0x0] =	vst.idx.msk $0xffff, v6  }
0xbb: {  	v26 =	vor.u32 $0x10, v2;
	[tilespmem:v22+s15+$0x0] =	vst.idx.msk $0xffff, v7  }
0xbc: {  	v27 =	vor.u32 $0x12, v2;
	[tilespmem:v15+s15+$0x0] =	vst.idx.msk $0xffff, v3  }
0xbd: {  	v28 =	vor.u32 $0x13, v2;
	[tilespmem:v23+s15+$0x0] =	vst.idx.msk $0xffff, v8  }
0xbe: {  	v3 =	vor.u32 $0x11, v2;
	[tilespmem:v24+s15+$0x0] =	vst.idx.msk $0xffff, v9  }
0xbf: {  	v29 =	vor.u32 $0x14, v2;
	[tilespmem:v25+s15+$0x0] =	vst.idx.msk $0xffff, v10  }
0xc0: {  	v30 =	vor.u32 $0x15, v2;
	v7 =	vld.idx.msk [tilespmem:v26+s3+$0x0], $0xffff  }
0xc1: {  	v31 =	vor.u32 $0x16, v2;
	v4 =	vld.idx.msk [tilespmem:v27+s3+$0x0], $0xffff  }
0xc2: {  	v32 =	vor.u32 $0x17, v2;
	v33 =	vor.u32 $0x10, v1;
	v5 =	vld.idx.msk [tilespmem:v28+s3+$0x0], $0xffff  }
0xc3: {  	v34 =	vor.u32 $0x11, v1;
	v3 =	vld.idx.msk [tilespmem:v3+s3+$0x0], $0xffff  }
0xc4: {  	v35 =	vor.u32 $0x12, v1;
	v6 =	vld.idx.msk [tilespmem:v29+s3+$0x0], $0xffff  }
0xc5: {  	v36 =	vor.u32 $0x13, v1;
	v8 =	vld.idx.msk [tilespmem:v30+s3+$0x0], $0xffff  }
0xc6: {  	v37 =	vor.u32 $0x14, v1;
	v9 =	vld.idx.msk [tilespmem:v31+s3+$0x0], $0xffff  }
0xc7: {  	v38 =	vor.u32 $0x15, v1;
	v10 =	vld.idx.msk [tilespmem:v32+s3+$0x0], $0xffff;
	[tilespmem:v33+s15+$0x0] =	vst.idx.msk $0xffff, v7  }
0xc8: {  	[tilespmem:v34+s15+$0x0] =	vst.idx.msk $0xffff, v3;
	v3 =	vor.u32 $0x16, v1  }
0xc9: {  	v39 =	vor.u32 $0x17, v1;
	[tilespmem:v35+s15+$0x0] =	vst.idx.msk $0xffff, v4  }
0xca: {  	v40 =	vor.u32 $0x18, v2;
	[tilespmem:v36+s15+$0x0] =	vst.idx.msk $0xffff, v5  }
0xcb: {  	v41 =	vor.u32 $0x19, v2;
	[tilespmem:v37+s15+$0x0] =	vst.idx.msk $0xffff, v6  }
0xcc: {  	v42 =	vor.u32 $0x1A, v2;
	[tilespmem:v38+s15+$0x0] =	vst.idx.msk $0xffff, v8  }
0xcd: {  	v43 =	vor.u32 $0x1C, v2;
	[tilespmem:v3+s15+$0x0] =	vst.idx.msk $0xffff, v9  }
0xce: {  	v44 =	vor.u32 $0x1D, v2;
	[tilespmem:v39+s15+$0x0] =	vst.idx.msk $0xffff, v10  }
0xcf: {  	v3 =	vor.u32 $0x1B, v2;
	v5 =	vld.idx.msk [tilespmem:v40+s3+$0x0], $0xffff  }
0xd0: {  	v45 =	vor.u32 $0x1E, v2;
	v6 =	vld.idx.msk [tilespmem:v41+s3+$0x0], $0xffff  }
0xd1: {  	v46 =	vor.u32 $0x1F, v2;
	v47 =	vor.u32 $0x18, v1;
	v7 =	vld.idx.msk [tilespmem:v42+s3+$0x0], $0xffff  }
0xd2: {  	v48 =	vor.u32 $0x19, v1;
	v4 =	vld.idx.msk [tilespmem:v43+s3+$0x0], $0xffff  }
0xd3: {  	v49 =	vor.u32 $0x1A, v1;
	v8 =	vld.idx.msk [tilespmem:v44+s3+$0x0], $0xffff  }
0xd4: {  	v50 =	vor.u32 $0x1B, v1;
	v3 =	vld.idx.msk [tilespmem:v3+s3+$0x0], $0xffff  }
0xd5: {  	v51 =	vor.u32 $0x1C, v1;
	v9 =	vld.idx.msk [tilespmem:v45+s3+$0x0], $0xffff  }
0xd6: {  	v52 =	vor.u32 $0x1D, v1;
	v10 =	vld.idx.msk [tilespmem:v46+s3+$0x0], $0xffff;
	[tilespmem:v47+s15+$0x0] =	vst.idx.msk $0xffff, v5  }
0xd7: {  	v53 =	vor.u32 $0x1E, v1;
	[tilespmem:v48+s15+$0x0] =	vst.idx.msk $0xffff, v6  }
0xd8: {  	v54 =	vor.u32 $0x1F, v1;
	[tilespmem:v49+s15+$0x0] =	vst.idx.msk $0xffff, v7  }
0xd9: {  	[tilespmem:v50+s15+$0x0] =	vst.idx.msk $0xffff, v3;
	v3 =	vor.u32 $0x20, v2  }
0xda: {  	v55 =	vor.u32 $0x21, v2;
	[tilespmem:v51+s15+$0x0] =	vst.idx.msk $0xffff, v4  }
0xdb: {  	v56 =	vor.u32 $0x22, v2;
	[tilespmem:v52+s15+$0x0] =	vst.idx.msk $0xffff, v8  }
0xdc: {  	v57 =	vor.u32 $0x23, v2;
	[tilespmem:v53+s15+$0x0] =	vst.idx.msk $0xffff, v9  }
0xdd: {  	v58 =	vor.u32 $0x24, v2;
	[tilespmem:v54+s15+$0x0] =	vst.idx.msk $0xffff, v10  }
0xde: {  	v59 =	vor.u32 $0x25, v2;
	v3 =	vld.idx.msk [tilespmem:v3+s3+$0x0], $0xffff  }
0xdf: {  	v60 =	vor.u32 $0x26, v2;
	v4 =	vld.idx.msk [tilespmem:v55+s3+$0x0], $0xffff  }
0xe0: {  	v61 =	vor.u32 $0x27, v2;
	v62 =	vor.u32 $0x20, v1;
	v5 =	vld.idx.msk [tilespmem:v56+s3+$0x0], $0xffff  }
0xe1: {  	v63 =	vor.u32 $0x21, v1;
	v6 =	vld.idx.msk [tilespmem:v57+s3+$0x0], $0xffff  }
0xe2: {  	v18 =	vor.u32 $0x22, v1;
	v7 =	vld.idx.msk [tilespmem:v58+s3+$0x0], $0xffff  }
0xe3: {  	v19 =	vor.u32 $0x23, v1;
	v8 =	vld.idx.msk [tilespmem:v59+s3+$0x0], $0xffff  }
0xe4: {  	v20 =	vor.u32 $0x24, v1;
	v9 =	vld.idx.msk [tilespmem:v60+s3+$0x0], $0xffff  }
0xe5: {  	v10 =	vld.idx.msk [tilespmem:v61+s3+$0x0], $0xffff;
	[tilespmem:v62+s15+$0x0] =	vst.idx.msk $0xffff, v3;
	v3 =	vor.u32 $0x25, v1  }
0xe6: {  	v21 =	vor.u32 $0x26, v1;
	[tilespmem:v63+s15+$0x0] =	vst.idx.msk $0xffff, v4  }
0xe7: {  	v22 =	vor.u32 $0x27, v1;
	[tilespmem:v18+s15+$0x0] =	vst.idx.msk $0xffff, v5  }
0xe8: {  	v23 =	vor.u32 $0x28, v2;
	[tilespmem:v19+s15+$0x0] =	vst.idx.msk $0xffff, v6  }
0xe9: {  	v24 =	vor.u32 $0x29, v2;
	[tilespmem:v20+s15+$0x0] =	vst.idx.msk $0xffff, v7  }
0xea: {  	v25 =	vor.u32 $0x2B, v2;
	[tilespmem:v3+s15+$0x0] =	vst.idx.msk $0xffff, v8  }
0xeb: {  	v26 =	vor.u32 $0x2C, v2;
	[tilespmem:v21+s15+$0x0] =	vst.idx.msk $0xffff, v9  }
0xec: {  	v3 =	vor.u32 $0x2A, v2;
	[tilespmem:v22+s15+$0x0] =	vst.idx.msk $0xffff, v10  }
0xed: {  	v27 =	vor.u32 $0x2D, v2;
	v6 =	vld.idx.msk [tilespmem:v23+s3+$0x0], $0xffff  }
0xee: {  	v28 =	vor.u32 $0x2E, v2;
	v7 =	vld.idx.msk [tilespmem:v24+s3+$0x0], $0xffff  }
0xef: {  	v29 =	vor.u32 $0x2F, v2;
	v30 =	vor.u32 $0x28, v1;
	v4 =	vld.idx.msk [tilespmem:v25+s3+$0x0], $0xffff  }
0xf0: {  	v31 =	vor.u32 $0x29, v1;
	v5 =	vld.idx.msk [tilespmem:v26+s3+$0x0], $0xffff  }
0xf1: {  	v32 =	vor.u32 $0x2A, v1;
	v3 =	vld.idx.msk [tilespmem:v3+s3+$0x0], $0xffff  }
0xf2: {  	v33 =	vor.u32 $0x2B, v1;
	v8 =	vld.idx.msk [tilespmem:v27+s3+$0x0], $0xffff  }
0xf3: {  	v34 =	vor.u32 $0x2C, v1;
	v9 =	vld.idx.msk [tilespmem:v28+s3+$0x0], $0xffff  }
0xf4: {  	v35 =	vor.u32 $0x2D, v1;
	v10 =	vld.idx.msk [tilespmem:v29+s3+$0x0], $0xffff;
	[tilespmem:v30+s15+$0x0] =	vst.idx.msk $0xffff, v6  }
0xf5: {  	v36 =	vor.u32 $0x2E, v1;
	[tilespmem:v31+s15+$0x0] =	vst.idx.msk $0xffff, v7  }
0xf6: {  	[tilespmem:v32+s15+$0x0] =	vst.idx.msk $0xffff, v3;
	v3 =	vor.u32 $0x2F, v1  }
0xf7: {  	v37 =	vor.u32 $0x30, v2;
	[tilespmem:v33+s15+$0x0] =	vst.idx.msk $0xffff, v4  }
0xf8: {  	v38 =	vor.u32 $0x31, v2;
	[tilespmem:v34+s15+$0x0] =	vst.idx.msk $0xffff, v5  }
0xf9: {  	v39 =	vor.u32 $0x32, v2;
	[tilespmem:v35+s15+$0x0] =	vst.idx.msk $0xffff, v8  }
0xfa: {  	v40 =	vor.u32 $0x33, v2;
	[tilespmem:v36+s15+$0x0] =	vst.idx.msk $0xffff, v9  }
0xfb: {  	v41 =	vor.u32 $0x35, v2;
	[tilespmem:v3+s15+$0x0] =	vst.idx.msk $0xffff, v10  }
0xfc: {  	v42 =	vor.u32 $0x36, v2;
	v4 =	vld.idx.msk [tilespmem:v37+s3+$0x0], $0xffff  }
0xfd: {  	v3 =	vor.u32 $0x34, v2;
	v5 =	vld.idx.msk [tilespmem:v38+s3+$0x0], $0xffff  }
0xfe: {  	v43 =	vor.u32 $0x37, v2;
	v44 =	vor.u32 $0x30, v1;
	v6 =	vld.idx.msk [tilespmem:v39+s3+$0x0], $0xffff  }
0xff: {  	v45 =	vor.u32 $0x31, v1;
	v7 =	vld.idx.msk [tilespmem:v40+s3+$0x0], $0xffff  }
0x100: {  	v46 =	vor.u32 $0x32, v1;
	v8 =	vld.idx.msk [tilespmem:v41+s3+$0x0], $0xffff  }
0x101: {  	v47 =	vor.u32 $0x33, v1;
	v9 =	vld.idx.msk [tilespmem:v42+s3+$0x0], $0xffff  }
0x102: {  	v48 =	vor.u32 $0x34, v1;
	v3 =	vld.idx.msk [tilespmem:v3+s3+$0x0], $0xffff  }
0x103: {  	v49 =	vor.u32 $0x35, v1;
	v10 =	vld.idx.msk [tilespmem:v43+s3+$0x0], $0xffff;
	[tilespmem:v44+s15+$0x0] =	vst.idx.msk $0xffff, v4  }
0x104: {  	v50 =	vor.u32 $0x36, v1;
	[tilespmem:v45+s15+$0x0] =	vst.idx.msk $0xffff, v5  }
0x105: {  	v51 =	vor.u32 $0x37, v1;
	[tilespmem:v46+s15+$0x0] =	vst.idx.msk $0xffff, v6  }
0x106: {  	v52 =	vor.u32 $0x38, v2;
	[tilespmem:v47+s15+$0x0] =	vst.idx.msk $0xffff, v7  }
0x107: {  	v53 =	vor.u32 $0x3A, v2;
	[tilespmem:v48+s15+$0x0] =	vst.idx.msk $0xffff, v3  }
0x108: {  	v54 =	vor.u32 $0x3B, v2;
	[tilespmem:v49+s15+$0x0] =	vst.idx.msk $0xffff, v8  }
0x109: {  	v3 =	vor.u32 $0x39, v2;
	[tilespmem:v50+s15+$0x0] =	vst.idx.msk $0xffff, v9  }
0x10a: {  	v55 =	vor.u32 $0x3C, v2;
	[tilespmem:v51+s15+$0x0] =	vst.idx.msk $0xffff, v10  }
0x10b: {  	v56 =	vor.u32 $0x3D, v2;
	v7 =	vld.idx.msk [tilespmem:v52+s3+$0x0], $0xffff  }
0x10c: {  	v57 =	vor.u32 $0x3E, v2;
	v4 =	vld.idx.msk [tilespmem:v53+s3+$0x0], $0xffff  }
0x10d: {  	v58 =	vor.u32 $0x38, v1;
	v2 =	vor.u32 $0x3F, v2;
	v5 =	vld.idx.msk [tilespmem:v54+s3+$0x0], $0xffff  }
0x10e: {  	v59 =	vor.u32 $0x39, v1;
	v3 =	vld.idx.msk [tilespmem:v3+s3+$0x0], $0xffff  }
0x10f: {  	v60 =	vor.u32 $0x3A, v1;
	v6 =	vld.idx.msk [tilespmem:v55+s3+$0x0], $0xffff  }
0x110: {  	v61 =	vor.u32 $0x3B, v1;
	v8 =	vld.idx.msk [tilespmem:v56+s3+$0x0], $0xffff  }
0x111: {  	v62 =	vor.u32 $0x3C, v1;
	v9 =	vld.idx.msk [tilespmem:v57+s3+$0x0], $0xffff  }
0x112: {  	v63 =	vor.u32 $0x3D, v1;
	v2 =	vld.idx.msk [tilespmem:v2+s3+$0x0], $0xffff;
	[tilespmem:v58+s15+$0x0] =	vst.idx.msk $0xffff, v7  }
0x113: {  	[tilespmem:v59+s15+$0x0] =	vst.idx.msk $0xffff, v3;
	v3 =	vor.u32 $0x3E, v1  }
0x114: {  	p0 =	sne.s32 s19, $0x1F0;
	v1 =	vor.u32 $0x3F, v1;
	[tilespmem:v60+s15+$0x0] =	vst.idx.msk $0xffff, v4  }
.Ltmp1:
0x115: {  	[tilespmem:v61+s15+$0x0] =	vst.idx.msk $0xffff, v5;
	(pc) =	sbr.rel @p0 .LBB2_4-.Ltmp1, $4  }
0x116: {  	[tilespmem:v62+s15+$0x0] =	vst.idx.msk $0xffff, v6  }
0x117: {  	[tilespmem:v63+s15+$0x0] =	vst.idx.msk $0xffff, v8  }
0x118: {  	[tilespmem:v3+s15+$0x0] =	vst.idx.msk $0xffff, v9  }
0x119: {  	s20 =	sadd.s32 $0x10, s20;
	s19 =	sadd.s32 $0x10, s19;
	[tilespmem:v1+s15+$0x0] =	vst.idx.msk $0xffff, v2  }
0x11a: {  	s19 =	simm.s32 $0x0;
	s20 =	simm.s32 $0x0  }
0x11b: {  	[hbm4b:s9+s19] =	stream.linear.scatter [tilespmem:s15], [sflag:$0x2], $0x8000, $0x38;
	[tilespmem:$0x13E00] =	vst v63  }
.LBB2_6:
0x11c: {  	s21 =	sshll.u32 s20, $0xA  }
0x11d: {  	_ =	swait.ge [sflag:s16], $0x8000;
	s22 =	sadd.s32 s21, s10  }
0x11e: {  	[sflag:s16] =	ssyncset.done $0x0;
	s23 =	sshrl.u32 s22, $0x3  }
0x11f: {  	[sflag:s16] =	ssyncadd.s32 $0xFFFF8000;
	s24 =	sadd.s32 s4, s23;
	s23 =	simm.s32 $0x3C00  }
0x120: {  	[tilespmem:s23], [sflag:$0x3] =	stream.linear.gather [hbm4b:s24+s19], $0x200, $0x38;
	[tilespmem:$0x13E00] =	vst v63  }
0x121: {  	_ =	swait.ge [sflag:s13], $0x200  }
0x122: {  	[sflag:s13] =	ssyncset.done $0x0  }
0x123: {  	s24 =	simm.s32 $0x0;
	[sflag:s13] =	ssyncadd.s32 $0xFFFFFE00  }
.LBB2_7:
0x124: {  	v1 =	vld [tilespmem:s23+$0x0];
	_ =	sdelay $0x4  }
0x125: {  	v2 =	vshll.u32 v1, $0x6  }
0x126: {  	v1 =	vor.u32 $0x1, v2  }
0x127: {  	v3 =	vor.u32 $0x2, v2  }
0x128: {  	v4 =	vor.u32 $0x3, v2  }
0x129: {  	v5 =	vor.u32 $0x4, v2  }
0x12a: {  	v8 =	vmov s24;
	v7 =	vor.u32 $0x5, v2;
	v6 =	vld.idx.msk [tilespmem:v2+s3+$0x0], $0xffff  }
0x12b: {  	v10 =	vor.u32 $0x6, v2;
	v9 =	vld.idx.msk [tilespmem:v1+s3+$0x0], $0xffff;
	v1 =	vshll.u32 v8, $0x6  }
0x12c: {  	v61 =	vor.u32 $0x7, v2;
	v3 =	vld.idx.msk [tilespmem:v3+s3+$0x0], $0xffff;
	v1 =	vor.u32 v0, v1  }
0x12d: {  	v4 =	vld.idx.msk [tilespmem:v4+s3+$0x0], $0xffff;
	v11 =	vor.u32 $0x1, v1  }
0x12e: {  	v5 =	vld.idx.msk [tilespmem:v5+s3+$0x0], $0xffff;
	v12 =	vor.u32 $0x2, v1  }
0x12f: {  	v7 =	vld.idx.msk [tilespmem:v7+s3+$0x0], $0xffff;
	v13 =	vor.u32 $0x3, v1  }
0x130: {  	v10 =	vld.idx.msk [tilespmem:v10+s3+$0x0], $0xffff;
	v14 =	vor.u32 $0x4, v1  }
0x131: {  	v8 =	vld.idx.msk [tilespmem:v61+s3+$0x0], $0xffff;
	v62 =	vor.u32 $0x5, v1;
	[tilespmem:v1+s14+$0x0] =	vst.idx.msk $0xffff, v6  }
0x132: {  	v63 =	vor.u32 $0x6, v1;
	[tilespmem:v11+s14+$0x0] =	vst.idx.msk $0xffff, v9  }
0x133: {  	[tilespmem:v12+s14+$0x0] =	vst.idx.msk $0xffff, v3;
	v3 =	vor.u32 $0x7, v1  }
0x134: {  	v12 =	vor.u32 $0x8, v2;
	[tilespmem:v13+s14+$0x0] =	vst.idx.msk $0xffff, v4  }
0x135: {  	v13 =	vor.u32 $0x9, v2;
	[tilespmem:v14+s14+$0x0] =	vst.idx.msk $0xffff, v5  }
0x136: {  	v15 =	vor.u32 $0xB, v2;
	[tilespmem:v62+s14+$0x0] =	vst.idx.msk $0xffff, v7  }
0x137: {  	v16 =	vor.u32 $0xD, v2;
	[tilespmem:v63+s14+$0x0] =	vst.idx.msk $0xffff, v10  }
0x138: {  	v14 =	vor.u32 $0xA, v2;
	[tilespmem:v3+s14+$0x0] =	vst.idx.msk $0xffff, v8  }
0x139: {  	v17 =	vor.u32 $0xE, v2;
	v4 =	vld.idx.msk [tilespmem:v12+s3+$0x0], $0xffff  }
0x13a: {  	v3 =	vor.u32 $0xC, v2;
	v5 =	vld.idx.msk [tilespmem:v13+s3+$0x0], $0xffff  }
0x13b: {  	v18 =	vor.u32 $0xF, v2;
	v19 =	vor.u32 $0x8, v1;
	v7 =	vld.idx.msk [tilespmem:v15+s3+$0x0], $0xffff  }
0x13c: {  	v20 =	vor.u32 $0x9, v1;
	v8 =	vld.idx.msk [tilespmem:v16+s3+$0x0], $0xffff  }
0x13d: {  	v21 =	vor.u32 $0xA, v1;
	v6 =	vld.idx.msk [tilespmem:v14+s3+$0x0], $0xffff  }
0x13e: {  	v22 =	vor.u32 $0xB, v1;
	v9 =	vld.idx.msk [tilespmem:v17+s3+$0x0], $0xffff  }
0x13f: {  	v15 =	vor.u32 $0xC, v1;
	v3 =	vld.idx.msk [tilespmem:v3+s3+$0x0], $0xffff  }
0x140: {  	v23 =	vor.u32 $0xD, v1;
	v10 =	vld.idx.msk [tilespmem:v18+s3+$0x0], $0xffff;
	[tilespmem:v19+s14+$0x0] =	vst.idx.msk $0xffff, v4  }
0x141: {  	v24 =	vor.u32 $0xE, v1;
	[tilespmem:v20+s14+$0x0] =	vst.idx.msk $0xffff, v5  }
0x142: {  	v25 =	vor.u32 $0xF, v1;
	[tilespmem:v21+s14+$0x0] =	vst.idx.msk $0xffff, v6  }
0x143: {  	v26 =	vor.u32 $0x10, v2;
	[tilespmem:v22+s14+$0x0] =	vst.idx.msk $0xffff, v7  }
0x144: {  	v27 =	vor.u32 $0x12, v2;
	[tilespmem:v15+s14+$0x0] =	vst.idx.msk $0xffff, v3  }
0x145: {  	v28 =	vor.u32 $0x13, v2;
	[tilespmem:v23+s14+$0x0] =	vst.idx.msk $0xffff, v8  }
0x146: {  	v3 =	vor.u32 $0x11, v2;
	[tilespmem:v24+s14+$0x0] =	vst.idx.msk $0xffff, v9  }
0x147: {  	v29 =	vor.u32 $0x14, v2;
	[tilespmem:v25+s14+$0x0] =	vst.idx.msk $0xffff, v10  }
0x148: {  	v30 =	vor.u32 $0x15, v2;
	v7 =	vld.idx.msk [tilespmem:v26+s3+$0x0], $0xffff  }
0x149: {  	v31 =	vor.u32 $0x16, v2;
	v4 =	vld.idx.msk [tilespmem:v27+s3+$0x0], $0xffff  }
0x14a: {  	v32 =	vor.u32 $0x17, v2;
	v33 =	vor.u32 $0x10, v1;
	v5 =	vld.idx.msk [tilespmem:v28+s3+$0x0], $0xffff  }
0x14b: {  	v34 =	vor.u32 $0x11, v1;
	v3 =	vld.idx.msk [tilespmem:v3+s3+$0x0], $0xffff  }
0x14c: {  	v35 =	vor.u32 $0x12, v1;
	v6 =	vld.idx.msk [tilespmem:v29+s3+$0x0], $0xffff  }
0x14d: {  	v36 =	vor.u32 $0x13, v1;
	v8 =	vld.idx.msk [tilespmem:v30+s3+$0x0], $0xffff  }
0x14e: {  	v37 =	vor.u32 $0x14, v1;
	v9 =	vld.idx.msk [tilespmem:v31+s3+$0x0], $0xffff  }
0x14f: {  	v38 =	vor.u32 $0x15, v1;
	v10 =	vld.idx.msk [tilespmem:v32+s3+$0x0], $0xffff;
	[tilespmem:v33+s14+$0x0] =	vst.idx.msk $0xffff, v7  }
0x150: {  	[tilespmem:v34+s14+$0x0] =	vst.idx.msk $0xffff, v3;
	v3 =	vor.u32 $0x16, v1  }
0x151: {  	v39 =	vor.u32 $0x17, v1;
	[tilespmem:v35+s14+$0x0] =	vst.idx.msk $0xffff, v4  }
0x152: {  	v40 =	vor.u32 $0x18, v2;
	[tilespmem:v36+s14+$0x0] =	vst.idx.msk $0xffff, v5  }
0x153: {  	v41 =	vor.u32 $0x19, v2;
	[tilespmem:v37+s14+$0x0] =	vst.idx.msk $0xffff, v6  }
0x154: {  	v42 =	vor.u32 $0x1A, v2;
	[tilespmem:v38+s14+$0x0] =	vst.idx.msk $0xffff, v8  }
0x155: {  	v43 =	vor.u32 $0x1C, v2;
	[tilespmem:v3+s14+$0x0] =	vst.idx.msk $0xffff, v9  }
0x156: {  	v44 =	vor.u32 $0x1D, v2;
	[tilespmem:v39+s14+$0x0] =	vst.idx.msk $0xffff, v10  }
0x157: {  	v3 =	vor.u32 $0x1B, v2;
	v5 =	vld.idx.msk [tilespmem:v40+s3+$0x0], $0xffff  }
0x158: {  	v45 =	vor.u32 $0x1E, v2;
	v6 =	vld.idx.msk [tilespmem:v41+s3+$0x0], $0xffff  }
0x159: {  	v46 =	vor.u32 $0x1F, v2;
	v47 =	vor.u32 $0x18, v1;
	v7 =	vld.idx.msk [tilespmem:v42+s3+$0x0], $0xffff  }
0x15a: {  	v48 =	vor.u32 $0x19, v1;
	v4 =	vld.idx.msk [tilespmem:v43+s3+$0x0], $0xffff  }
0x15b: {  	v49 =	vor.u32 $0x1A, v1;
	v8 =	vld.idx.msk [tilespmem:v44+s3+$0x0], $0xffff  }
0x15c: {  	v50 =	vor.u32 $0x1B, v1;
	v3 =	vld.idx.msk [tilespmem:v3+s3+$0x0], $0xffff  }
0x15d: {  	v51 =	vor.u32 $0x1C, v1;
	v9 =	vld.idx.msk [tilespmem:v45+s3+$0x0], $0xffff  }
0x15e: {  	v52 =	vor.u32 $0x1D, v1;
	v10 =	vld.idx.msk [tilespmem:v46+s3+$0x0], $0xffff;
	[tilespmem:v47+s14+$0x0] =	vst.idx.msk $0xffff, v5  }
0x15f: {  	v53 =	vor.u32 $0x1E, v1;
	[tilespmem:v48+s14+$0x0] =	vst.idx.msk $0xffff, v6  }
0x160: {  	v54 =	vor.u32 $0x1F, v1;
	[tilespmem:v49+s14+$0x0] =	vst.idx.msk $0xffff, v7  }
0x161: {  	[tilespmem:v50+s14+$0x0] =	vst.idx.msk $0xffff, v3;
	v3 =	vor.u32 $0x20, v2  }
0x162: {  	v55 =	vor.u32 $0x21, v2;
	[tilespmem:v51+s14+$0x0] =	vst.idx.msk $0xffff, v4  }
0x163: {  	v56 =	vor.u32 $0x22, v2;
	[tilespmem:v52+s14+$0x0] =	vst.idx.msk $0xffff, v8  }
0x164: {  	v57 =	vor.u32 $0x23, v2;
	[tilespmem:v53+s14+$0x0] =	vst.idx.msk $0xffff, v9  }
0x165: {  	v58 =	vor.u32 $0x24, v2;
	[tilespmem:v54+s14+$0x0] =	vst.idx.msk $0xffff, v10  }
0x166: {  	v59 =	vor.u32 $0x25, v2;
	v3 =	vld.idx.msk [tilespmem:v3+s3+$0x0], $0xffff  }
0x167: {  	v60 =	vor.u32 $0x26, v2;
	v4 =	vld.idx.msk [tilespmem:v55+s3+$0x0], $0xffff  }
0x168: {  	v61 =	vor.u32 $0x27, v2;
	v62 =	vor.u32 $0x20, v1;
	v5 =	vld.idx.msk [tilespmem:v56+s3+$0x0], $0xffff  }
0x169: {  	v63 =	vor.u32 $0x21, v1;
	v6 =	vld.idx.msk [tilespmem:v57+s3+$0x0], $0xffff  }
0x16a: {  	v18 =	vor.u32 $0x22, v1;
	v7 =	vld.idx.msk [tilespmem:v58+s3+$0x0], $0xffff  }
0x16b: {  	v19 =	vor.u32 $0x23, v1;
	v8 =	vld.idx.msk [tilespmem:v59+s3+$0x0], $0xffff  }
0x16c: {  	v20 =	vor.u32 $0x24, v1;
	v9 =	vld.idx.msk [tilespmem:v60+s3+$0x0], $0xffff  }
0x16d: {  	v10 =	vld.idx.msk [tilespmem:v61+s3+$0x0], $0xffff;
	[tilespmem:v62+s14+$0x0] =	vst.idx.msk $0xffff, v3;
	v3 =	vor.u32 $0x25, v1  }
0x16e: {  	v21 =	vor.u32 $0x26, v1;
	[tilespmem:v63+s14+$0x0] =	vst.idx.msk $0xffff, v4  }
0x16f: {  	v22 =	vor.u32 $0x27, v1;
	[tilespmem:v18+s14+$0x0] =	vst.idx.msk $0xffff, v5  }
0x170: {  	v23 =	vor.u32 $0x28, v2;
	[tilespmem:v19+s14+$0x0] =	vst.idx.msk $0xffff, v6  }
0x171: {  	v24 =	vor.u32 $0x29, v2;
	[tilespmem:v20+s14+$0x0] =	vst.idx.msk $0xffff, v7  }
0x172: {  	v25 =	vor.u32 $0x2B, v2;
	[tilespmem:v3+s14+$0x0] =	vst.idx.msk $0xffff, v8  }
0x173: {  	v26 =	vor.u32 $0x2C, v2;
	[tilespmem:v21+s14+$0x0] =	vst.idx.msk $0xffff, v9  }
0x174: {  	v3 =	vor.u32 $0x2A, v2;
	[tilespmem:v22+s14+$0x0] =	vst.idx.msk $0xffff, v10  }
0x175: {  	v27 =	vor.u32 $0x2D, v2;
	v6 =	vld.idx.msk [tilespmem:v23+s3+$0x0], $0xffff  }
0x176: {  	v28 =	vor.u32 $0x2E, v2;
	v7 =	vld.idx.msk [tilespmem:v24+s3+$0x0], $0xffff  }
0x177: {  	v29 =	vor.u32 $0x2F, v2;
	v30 =	vor.u32 $0x28, v1;
	v4 =	vld.idx.msk [tilespmem:v25+s3+$0x0], $0xffff  }
0x178: {  	v31 =	vor.u32 $0x29, v1;
	v5 =	vld.idx.msk [tilespmem:v26+s3+$0x0], $0xffff  }
0x179: {  	v32 =	vor.u32 $0x2A, v1;
	v3 =	vld.idx.msk [tilespmem:v3+s3+$0x0], $0xffff  }
0x17a: {  	v33 =	vor.u32 $0x2B, v1;
	v8 =	vld.idx.msk [tilespmem:v27+s3+$0x0], $0xffff  }
0x17b: {  	v34 =	vor.u32 $0x2C, v1;
	v9 =	vld.idx.msk [tilespmem:v28+s3+$0x0], $0xffff  }
0x17c: {  	v35 =	vor.u32 $0x2D, v1;
	v10 =	vld.idx.msk [tilespmem:v29+s3+$0x0], $0xffff;
	[tilespmem:v30+s14+$0x0] =	vst.idx.msk $0xffff, v6  }
0x17d: {  	v36 =	vor.u32 $0x2E, v1;
	[tilespmem:v31+s14+$0x0] =	vst.idx.msk $0xffff, v7  }
0x17e: {  	[tilespmem:v32+s14+$0x0] =	vst.idx.msk $0xffff, v3;
	v3 =	vor.u32 $0x2F, v1  }
0x17f: {  	v37 =	vor.u32 $0x30, v2;
	[tilespmem:v33+s14+$0x0] =	vst.idx.msk $0xffff, v4  }
0x180: {  	v38 =	vor.u32 $0x31, v2;
	[tilespmem:v34+s14+$0x0] =	vst.idx.msk $0xffff, v5  }
0x181: {  	v39 =	vor.u32 $0x32, v2;
	[tilespmem:v35+s14+$0x0] =	vst.idx.msk $0xffff, v8  }
0x182: {  	v40 =	vor.u32 $0x33, v2;
	[tilespmem:v36+s14+$0x0] =	vst.idx.msk $0xffff, v9  }
0x183: {  	v41 =	vor.u32 $0x35, v2;
	[tilespmem:v3+s14+$0x0] =	vst.idx.msk $0xffff, v10  }
0x184: {  	v42 =	vor.u32 $0x36, v2;
	v4 =	vld.idx.msk [tilespmem:v37+s3+$0x0], $0xffff  }
0x185: {  	v3 =	vor.u32 $0x34, v2;
	v5 =	vld.idx.msk [tilespmem:v38+s3+$0x0], $0xffff  }
0x186: {  	v43 =	vor.u32 $0x37, v2;
	v44 =	vor.u32 $0x30, v1;
	v6 =	vld.idx.msk [tilespmem:v39+s3+$0x0], $0xffff  }
0x187: {  	v45 =	vor.u32 $0x31, v1;
	v7 =	vld.idx.msk [tilespmem:v40+s3+$0x0], $0xffff  }
0x188: {  	v46 =	vor.u32 $0x32, v1;
	v8 =	vld.idx.msk [tilespmem:v41+s3+$0x0], $0xffff  }
0x189: {  	v47 =	vor.u32 $0x33, v1;
	v9 =	vld.idx.msk [tilespmem:v42+s3+$0x0], $0xffff  }
0x18a: {  	v48 =	vor.u32 $0x34, v1;
	v3 =	vld.idx.msk [tilespmem:v3+s3+$0x0], $0xffff  }
0x18b: {  	v49 =	vor.u32 $0x35, v1;
	v10 =	vld.idx.msk [tilespmem:v43+s3+$0x0], $0xffff;
	[tilespmem:v44+s14+$0x0] =	vst.idx.msk $0xffff, v4  }
0x18c: {  	v50 =	vor.u32 $0x36, v1;
	[tilespmem:v45+s14+$0x0] =	vst.idx.msk $0xffff, v5  }
0x18d: {  	v51 =	vor.u32 $0x37, v1;
	[tilespmem:v46+s14+$0x0] =	vst.idx.msk $0xffff, v6  }
0x18e: {  	v52 =	vor.u32 $0x38, v2;
	[tilespmem:v47+s14+$0x0] =	vst.idx.msk $0xffff, v7  }
0x18f: {  	v53 =	vor.u32 $0x3A, v2;
	[tilespmem:v48+s14+$0x0] =	vst.idx.msk $0xffff, v3  }
0x190: {  	v54 =	vor.u32 $0x3B, v2;
	[tilespmem:v49+s14+$0x0] =	vst.idx.msk $0xffff, v8  }
0x191: {  	v3 =	vor.u32 $0x39, v2;
	[tilespmem:v50+s14+$0x0] =	vst.idx.msk $0xffff, v9  }
0x192: {  	v55 =	vor.u32 $0x3C, v2;
	[tilespmem:v51+s14+$0x0] =	vst.idx.msk $0xffff, v10  }
0x193: {  	v56 =	vor.u32 $0x3D, v2;
	v7 =	vld.idx.msk [tilespmem:v52+s3+$0x0], $0xffff  }
0x194: {  	v57 =	vor.u32 $0x3E, v2;
	v4 =	vld.idx.msk [tilespmem:v53+s3+$0x0], $0xffff  }
0x195: {  	v58 =	vor.u32 $0x38, v1;
	v2 =	vor.u32 $0x3F, v2;
	v5 =	vld.idx.msk [tilespmem:v54+s3+$0x0], $0xffff  }
0x196: {  	v59 =	vor.u32 $0x39, v1;
	v3 =	vld.idx.msk [tilespmem:v3+s3+$0x0], $0xffff  }
0x197: {  	v60 =	vor.u32 $0x3A, v1;
	v6 =	vld.idx.msk [tilespmem:v55+s3+$0x0], $0xffff  }
0x198: {  	v61 =	vor.u32 $0x3B, v1;
	v8 =	vld.idx.msk [tilespmem:v56+s3+$0x0], $0xffff  }
0x199: {  	v62 =	vor.u32 $0x3C, v1;
	v9 =	vld.idx.msk [tilespmem:v57+s3+$0x0], $0xffff  }
0x19a: {  	v63 =	vor.u32 $0x3D, v1;
	v2 =	vld.idx.msk [tilespmem:v2+s3+$0x0], $0xffff;
	[tilespmem:v58+s14+$0x0] =	vst.idx.msk $0xffff, v7  }
0x19b: {  	[tilespmem:v59+s14+$0x0] =	vst.idx.msk $0xffff, v3;
	v3 =	vor.u32 $0x3E, v1  }
0x19c: {  	p0 =	sne.s32 s24, $0x1F0;
	v1 =	vor.u32 $0x3F, v1;
	[tilespmem:v60+s14+$0x0] =	vst.idx.msk $0xffff, v4  }
.Ltmp2:
0x19d: {  	[tilespmem:v61+s14+$0x0] =	vst.idx.msk $0xffff, v5;
	(pc) =	sbr.rel @p0 .LBB2_7-.Ltmp2, $4  }
0x19e: {  	[tilespmem:v62+s14+$0x0] =	vst.idx.msk $0xffff, v6  }
0x19f: {  	[tilespmem:v63+s14+$0x0] =	vst.idx.msk $0xffff, v8  }
0x1a0: {  	[tilespmem:v3+s14+$0x0] =	vst.idx.msk $0xffff, v9  }
0x1a1: {  	s23 =	sadd.s32 $0x10, s23;
	s24 =	sadd.s32 $0x10, s24;
	[tilespmem:v1+s14+$0x0] =	vst.idx.msk $0xffff, v2  }
0x1a2: {  	s22 =	sshll.u32 s22, $0x3  }
0x1a3: {  	s22 =	sand.u32 $0x1FFFE000, s22  }
0x1a4: {  	s23 =	sadd.s32 s2, s22;
	s22 =	simm.s32 $0x0  }
0x1a5: {  	[hbm4b:s23+s22] =	stream.linear.scatter [tilespmem:s14], [sflag:$0x1], $0x8000, $0x38;
	[tilespmem:$0x13E00] =	vst v63  }
0x1a6: {  	s21 =	sadd.s32 s21, s11;
	_ =	swait.ge [sflag:s17], $0x8000  }
0x1a7: {  	s31 =	sshrl.u32 s21, $0x3;
	[sflag:s17] =	ssyncset.done $0x0  }
0x1a8: {  	s24 =	sadd.s32 s4, s31;
	s23 =	simm.s32 $0x3C00;
	[sflag:s17] =	ssyncadd.s32 $0xFFFF8000  }
0x1a9: {  	[tilespmem:s23], [sflag:$0x3] =	stream.linear.gather [hbm4b:s24+s22], $0x200, $0x38;
	[tilespmem:$0x13E00] =	vst v63  }
0x1aa: {  	_ =	swait.ge [sflag:s13], $0x200  }
0x1ab: {  	[sflag:s13] =	ssyncset.done $0x0  }
0x1ac: {  	[sflag:s13] =	ssyncadd.s32 $0xFFFFFE00  }
.LBB2_9:
0x1ad: {  	v1 =	vld [tilespmem:s23+$0x0];
	_ =	sdelay $0x4  }
0x1ae: {  	v2 =	vshll.u32 v1, $0x6  }
0x1af: {  	v1 =	vor.u32 $0x1, v2  }
0x1b0: {  	v3 =	vor.u32 $0x2, v2  }
0x1b1: {  	v4 =	vor.u32 $0x3, v2  }
0x1b2: {  	v5 =	vor.u32 $0x4, v2  }
0x1b3: {  	v8 =	vmov s22;
	v7 =	vor.u32 $0x5, v2;
	v6 =	vld.idx.msk [tilespmem:v2+s3+$0x0], $0xffff  }
0x1b4: {  	v10 =	vor.u32 $0x6, v2;
	v9 =	vld.idx.msk [tilespmem:v1+s3+$0x0], $0xffff;
	v1 =	vshll.u32 v8, $0x6  }
0x1b5: {  	v61 =	vor.u32 $0x7, v2;
	v3 =	vld.idx.msk [tilespmem:v3+s3+$0x0], $0xffff;
	v1 =	vor.u32 v0, v1  }
0x1b6: {  	v4 =	vld.idx.msk [tilespmem:v4+s3+$0x0], $0xffff;
	v11 =	vor.u32 $0x1, v1  }
0x1b7: {  	v5 =	vld.idx.msk [tilespmem:v5+s3+$0x0], $0xffff;
	v12 =	vor.u32 $0x2, v1  }
0x1b8: {  	v7 =	vld.idx.msk [tilespmem:v7+s3+$0x0], $0xffff;
	v13 =	vor.u32 $0x3, v1  }
0x1b9: {  	v10 =	vld.idx.msk [tilespmem:v10+s3+$0x0], $0xffff;
	v14 =	vor.u32 $0x4, v1  }
0x1ba: {  	v8 =	vld.idx.msk [tilespmem:v61+s3+$0x0], $0xffff;
	v62 =	vor.u32 $0x5, v1;
	[tilespmem:v1+s15+$0x0] =	vst.idx.msk $0xffff, v6  }
0x1bb: {  	v63 =	vor.u32 $0x6, v1;
	[tilespmem:v11+s15+$0x0] =	vst.idx.msk $0xffff, v9  }
0x1bc: {  	[tilespmem:v12+s15+$0x0] =	vst.idx.msk $0xffff, v3;
	v3 =	vor.u32 $0x7, v1  }
0x1bd: {  	v12 =	vor.u32 $0x8, v2;
	[tilespmem:v13+s15+$0x0] =	vst.idx.msk $0xffff, v4  }
0x1be: {  	v13 =	vor.u32 $0x9, v2;
	[tilespmem:v14+s15+$0x0] =	vst.idx.msk $0xffff, v5  }
0x1bf: {  	v15 =	vor.u32 $0xB, v2;
	[tilespmem:v62+s15+$0x0] =	vst.idx.msk $0xffff, v7  }
0x1c0: {  	v16 =	vor.u32 $0xD, v2;
	[tilespmem:v63+s15+$0x0] =	vst.idx.msk $0xffff, v10  }
0x1c1: {  	v14 =	vor.u32 $0xA, v2;
	[tilespmem:v3+s15+$0x0] =	vst.idx.msk $0xffff, v8  }
0x1c2: {  	v17 =	vor.u32 $0xE, v2;
	v4 =	vld.idx.msk [tilespmem:v12+s3+$0x0], $0xffff  }
0x1c3: {  	v3 =	vor.u32 $0xC, v2;
	v5 =	vld.idx.msk [tilespmem:v13+s3+$0x0], $0xffff  }
0x1c4: {  	v18 =	vor.u32 $0xF, v2;
	v19 =	vor.u32 $0x8, v1;
	v7 =	vld.idx.msk [tilespmem:v15+s3+$0x0], $0xffff  }
0x1c5: {  	v20 =	vor.u32 $0x9, v1;
	v8 =	vld.idx.msk [tilespmem:v16+s3+$0x0], $0xffff  }
0x1c6: {  	v21 =	vor.u32 $0xA, v1;
	v6 =	vld.idx.msk [tilespmem:v14+s3+$0x0], $0xffff  }
0x1c7: {  	v22 =	vor.u32 $0xB, v1;
	v9 =	vld.idx.msk [tilespmem:v17+s3+$0x0], $0xffff  }
0x1c8: {  	v15 =	vor.u32 $0xC, v1;
	v3 =	vld.idx.msk [tilespmem:v3+s3+$0x0], $0xffff  }
0x1c9: {  	v23 =	vor.u32 $0xD, v1;
	v10 =	vld.idx.msk [tilespmem:v18+s3+$0x0], $0xffff;
	[tilespmem:v19+s15+$0x0] =	vst.idx.msk $0xffff, v4  }
0x1ca: {  	v24 =	vor.u32 $0xE, v1;
	[tilespmem:v20+s15+$0x0] =	vst.idx.msk $0xffff, v5  }
0x1cb: {  	v25 =	vor.u32 $0xF, v1;
	[tilespmem:v21+s15+$0x0] =	vst.idx.msk $0xffff, v6  }
0x1cc: {  	v26 =	vor.u32 $0x10, v2;
	[tilespmem:v22+s15+$0x0] =	vst.idx.msk $0xffff, v7  }
0x1cd: {  	v27 =	vor.u32 $0x12, v2;
	[tilespmem:v15+s15+$0x0] =	vst.idx.msk $0xffff, v3  }
0x1ce: {  	v28 =	vor.u32 $0x13, v2;
	[tilespmem:v23+s15+$0x0] =	vst.idx.msk $0xffff, v8  }
0x1cf: {  	v3 =	vor.u32 $0x11, v2;
	[tilespmem:v24+s15+$0x0] =	vst.idx.msk $0xffff, v9  }
0x1d0: {  	v29 =	vor.u32 $0x14, v2;
	[tilespmem:v25+s15+$0x0] =	vst.idx.msk $0xffff, v10  }
0x1d1: {  	v30 =	vor.u32 $0x15, v2;
	v7 =	vld.idx.msk [tilespmem:v26+s3+$0x0], $0xffff  }
0x1d2: {  	v31 =	vor.u32 $0x16, v2;
	v4 =	vld.idx.msk [tilespmem:v27+s3+$0x0], $0xffff  }
0x1d3: {  	v32 =	vor.u32 $0x17, v2;
	v33 =	vor.u32 $0x10, v1;
	v5 =	vld.idx.msk [tilespmem:v28+s3+$0x0], $0xffff  }
0x1d4: {  	v34 =	vor.u32 $0x11, v1;
	v3 =	vld.idx.msk [tilespmem:v3+s3+$0x0], $0xffff  }
0x1d5: {  	v35 =	vor.u32 $0x12, v1;
	v6 =	vld.idx.msk [tilespmem:v29+s3+$0x0], $0xffff  }
0x1d6: {  	v36 =	vor.u32 $0x13, v1;
	v8 =	vld.idx.msk [tilespmem:v30+s3+$0x0], $0xffff  }
0x1d7: {  	v37 =	vor.u32 $0x14, v1;
	v9 =	vld.idx.msk [tilespmem:v31+s3+$0x0], $0xffff  }
0x1d8: {  	v38 =	vor.u32 $0x15, v1;
	v10 =	vld.idx.msk [tilespmem:v32+s3+$0x0], $0xffff;
	[tilespmem:v33+s15+$0x0] =	vst.idx.msk $0xffff, v7  }
0x1d9: {  	[tilespmem:v34+s15+$0x0] =	vst.idx.msk $0xffff, v3;
	v3 =	vor.u32 $0x16, v1  }
0x1da: {  	v39 =	vor.u32 $0x17, v1;
	[tilespmem:v35+s15+$0x0] =	vst.idx.msk $0xffff, v4  }
0x1db: {  	v40 =	vor.u32 $0x18, v2;
	[tilespmem:v36+s15+$0x0] =	vst.idx.msk $0xffff, v5  }
0x1dc: {  	v41 =	vor.u32 $0x19, v2;
	[tilespmem:v37+s15+$0x0] =	vst.idx.msk $0xffff, v6  }
0x1dd: {  	v42 =	vor.u32 $0x1A, v2;
	[tilespmem:v38+s15+$0x0] =	vst.idx.msk $0xffff, v8  }
0x1de: {  	v43 =	vor.u32 $0x1C, v2;
	[tilespmem:v3+s15+$0x0] =	vst.idx.msk $0xffff, v9  }
0x1df: {  	v44 =	vor.u32 $0x1D, v2;
	[tilespmem:v39+s15+$0x0] =	vst.idx.msk $0xffff, v10  }
0x1e0: {  	v3 =	vor.u32 $0x1B, v2;
	v5 =	vld.idx.msk [tilespmem:v40+s3+$0x0], $0xffff  }
0x1e1: {  	v45 =	vor.u32 $0x1E, v2;
	v6 =	vld.idx.msk [tilespmem:v41+s3+$0x0], $0xffff  }
0x1e2: {  	v46 =	vor.u32 $0x1F, v2;
	v47 =	vor.u32 $0x18, v1;
	v7 =	vld.idx.msk [tilespmem:v42+s3+$0x0], $0xffff  }
0x1e3: {  	v48 =	vor.u32 $0x19, v1;
	v4 =	vld.idx.msk [tilespmem:v43+s3+$0x0], $0xffff  }
0x1e4: {  	v49 =	vor.u32 $0x1A, v1;
	v8 =	vld.idx.msk [tilespmem:v44+s3+$0x0], $0xffff  }
0x1e5: {  	v50 =	vor.u32 $0x1B, v1;
	v3 =	vld.idx.msk [tilespmem:v3+s3+$0x0], $0xffff  }
0x1e6: {  	v51 =	vor.u32 $0x1C, v1;
	v9 =	vld.idx.msk [tilespmem:v45+s3+$0x0], $0xffff  }
0x1e7: {  	v52 =	vor.u32 $0x1D, v1;
	v10 =	vld.idx.msk [tilespmem:v46+s3+$0x0], $0xffff;
	[tilespmem:v47+s15+$0x0] =	vst.idx.msk $0xffff, v5  }
0x1e8: {  	v53 =	vor.u32 $0x1E, v1;
	[tilespmem:v48+s15+$0x0] =	vst.idx.msk $0xffff, v6  }
0x1e9: {  	v54 =	vor.u32 $0x1F, v1;
	[tilespmem:v49+s15+$0x0] =	vst.idx.msk $0xffff, v7  }
0x1ea: {  	[tilespmem:v50+s15+$0x0] =	vst.idx.msk $0xffff, v3;
	v3 =	vor.u32 $0x20, v2  }
0x1eb: {  	v55 =	vor.u32 $0x21, v2;
	[tilespmem:v51+s15+$0x0] =	vst.idx.msk $0xffff, v4  }
0x1ec: {  	v56 =	vor.u32 $0x22, v2;
	[tilespmem:v52+s15+$0x0] =	vst.idx.msk $0xffff, v8  }
0x1ed: {  	v57 =	vor.u32 $0x23, v2;
	[tilespmem:v53+s15+$0x0] =	vst.idx.msk $0xffff, v9  }
0x1ee: {  	v58 =	vor.u32 $0x24, v2;
	[tilespmem:v54+s15+$0x0] =	vst.idx.msk $0xffff, v10  }
0x1ef: {  	v59 =	vor.u32 $0x25, v2;
	v3 =	vld.idx.msk [tilespmem:v3+s3+$0x0], $0xffff  }
0x1f0: {  	v60 =	vor.u32 $0x26, v2;
	v4 =	vld.idx.msk [tilespmem:v55+s3+$0x0], $0xffff  }
0x1f1: {  	v61 =	vor.u32 $0x27, v2;
	v62 =	vor.u32 $0x20, v1;
	v5 =	vld.idx.msk [tilespmem:v56+s3+$0x0], $0xffff  }
0x1f2: {  	v63 =	vor.u32 $0x21, v1;
	v6 =	vld.idx.msk [tilespmem:v57+s3+$0x0], $0xffff  }
0x1f3: {  	v18 =	vor.u32 $0x22, v1;
	v7 =	vld.idx.msk [tilespmem:v58+s3+$0x0], $0xffff  }
0x1f4: {  	v19 =	vor.u32 $0x23, v1;
	v8 =	vld.idx.msk [tilespmem:v59+s3+$0x0], $0xffff  }
0x1f5: {  	v20 =	vor.u32 $0x24, v1;
	v9 =	vld.idx.msk [tilespmem:v60+s3+$0x0], $0xffff  }
0x1f6: {  	v10 =	vld.idx.msk [tilespmem:v61+s3+$0x0], $0xffff;
	[tilespmem:v62+s15+$0x0] =	vst.idx.msk $0xffff, v3;
	v3 =	vor.u32 $0x25, v1  }
0x1f7: {  	v21 =	vor.u32 $0x26, v1;
	[tilespmem:v63+s15+$0x0] =	vst.idx.msk $0xffff, v4  }
0x1f8: {  	v22 =	vor.u32 $0x27, v1;
	[tilespmem:v18+s15+$0x0] =	vst.idx.msk $0xffff, v5  }
0x1f9: {  	v23 =	vor.u32 $0x28, v2;
	[tilespmem:v19+s15+$0x0] =	vst.idx.msk $0xffff, v6  }
0x1fa: {  	v24 =	vor.u32 $0x29, v2;
	[tilespmem:v20+s15+$0x0] =	vst.idx.msk $0xffff, v7  }
0x1fb: {  	v25 =	vor.u32 $0x2B, v2;
	[tilespmem:v3+s15+$0x0] =	vst.idx.msk $0xffff, v8  }
0x1fc: {  	v26 =	vor.u32 $0x2C, v2;
	[tilespmem:v21+s15+$0x0] =	vst.idx.msk $0xffff, v9  }
0x1fd: {  	v3 =	vor.u32 $0x2A, v2;
	[tilespmem:v22+s15+$0x0] =	vst.idx.msk $0xffff, v10  }
0x1fe: {  	v27 =	vor.u32 $0x2D, v2;
	v6 =	vld.idx.msk [tilespmem:v23+s3+$0x0], $0xffff  }
0x1ff: {  	v28 =	vor.u32 $0x2E, v2;
	v7 =	vld.idx.msk [tilespmem:v24+s3+$0x0], $0xffff  }
0x200: {  	v29 =	vor.u32 $0x2F, v2;
	v30 =	vor.u32 $0x28, v1;
	v4 =	vld.idx.msk [tilespmem:v25+s3+$0x0], $0xffff  }
0x201: {  	v31 =	vor.u32 $0x29, v1;
	v5 =	vld.idx.msk [tilespmem:v26+s3+$0x0], $0xffff  }
0x202: {  	v32 =	vor.u32 $0x2A, v1;
	v3 =	vld.idx.msk [tilespmem:v3+s3+$0x0], $0xffff  }
0x203: {  	v33 =	vor.u32 $0x2B, v1;
	v8 =	vld.idx.msk [tilespmem:v27+s3+$0x0], $0xffff  }
0x204: {  	v34 =	vor.u32 $0x2C, v1;
	v9 =	vld.idx.msk [tilespmem:v28+s3+$0x0], $0xffff  }
0x205: {  	v35 =	vor.u32 $0x2D, v1;
	v10 =	vld.idx.msk [tilespmem:v29+s3+$0x0], $0xffff;
	[tilespmem:v30+s15+$0x0] =	vst.idx.msk $0xffff, v6  }
0x206: {  	v36 =	vor.u32 $0x2E, v1;
	[tilespmem:v31+s15+$0x0] =	vst.idx.msk $0xffff, v7  }
0x207: {  	[tilespmem:v32+s15+$0x0] =	vst.idx.msk $0xffff, v3;
	v3 =	vor.u32 $0x2F, v1  }
0x208: {  	v37 =	vor.u32 $0x30, v2;
	[tilespmem:v33+s15+$0x0] =	vst.idx.msk $0xffff, v4  }
0x209: {  	v38 =	vor.u32 $0x31, v2;
	[tilespmem:v34+s15+$0x0] =	vst.idx.msk $0xffff, v5  }
0x20a: {  	v39 =	vor.u32 $0x32, v2;
	[tilespmem:v35+s15+$0x0] =	vst.idx.msk $0xffff, v8  }
0x20b: {  	v40 =	vor.u32 $0x33, v2;
	[tilespmem:v36+s15+$0x0] =	vst.idx.msk $0xffff, v9  }
0x20c: {  	v41 =	vor.u32 $0x35, v2;
	[tilespmem:v3+s15+$0x0] =	vst.idx.msk $0xffff, v10  }
0x20d: {  	v42 =	vor.u32 $0x36, v2;
	v4 =	vld.idx.msk [tilespmem:v37+s3+$0x0], $0xffff  }
0x20e: {  	v3 =	vor.u32 $0x34, v2;
	v5 =	vld.idx.msk [tilespmem:v38+s3+$0x0], $0xffff  }
0x20f: {  	v43 =	vor.u32 $0x37, v2;
	v44 =	vor.u32 $0x30, v1;
	v6 =	vld.idx.msk [tilespmem:v39+s3+$0x0], $0xffff  }
0x210: {  	v45 =	vor.u32 $0x31, v1;
	v7 =	vld.idx.msk [tilespmem:v40+s3+$0x0], $0xffff  }
0x211: {  	v46 =	vor.u32 $0x32, v1;
	v8 =	vld.idx.msk [tilespmem:v41+s3+$0x0], $0xffff  }
0x212: {  	v47 =	vor.u32 $0x33, v1;
	v9 =	vld.idx.msk [tilespmem:v42+s3+$0x0], $0xffff  }
0x213: {  	v48 =	vor.u32 $0x34, v1;
	v3 =	vld.idx.msk [tilespmem:v3+s3+$0x0], $0xffff  }
0x214: {  	v49 =	vor.u32 $0x35, v1;
	v10 =	vld.idx.msk [tilespmem:v43+s3+$0x0], $0xffff;
	[tilespmem:v44+s15+$0x0] =	vst.idx.msk $0xffff, v4  }
0x215: {  	v50 =	vor.u32 $0x36, v1;
	[tilespmem:v45+s15+$0x0] =	vst.idx.msk $0xffff, v5  }
0x216: {  	v51 =	vor.u32 $0x37, v1;
	[tilespmem:v46+s15+$0x0] =	vst.idx.msk $0xffff, v6  }
0x217: {  	v52 =	vor.u32 $0x38, v2;
	[tilespmem:v47+s15+$0x0] =	vst.idx.msk $0xffff, v7  }
0x218: {  	v53 =	vor.u32 $0x3A, v2;
	[tilespmem:v48+s15+$0x0] =	vst.idx.msk $0xffff, v3  }
0x219: {  	v54 =	vor.u32 $0x3B, v2;
	[tilespmem:v49+s15+$0x0] =	vst.idx.msk $0xffff, v8  }
0x21a: {  	v3 =	vor.u32 $0x39, v2;
	[tilespmem:v50+s15+$0x0] =	vst.idx.msk $0xffff, v9  }
0x21b: {  	v55 =	vor.u32 $0x3C, v2;
	[tilespmem:v51+s15+$0x0] =	vst.idx.msk $0xffff, v10  }
0x21c: {  	v56 =	vor.u32 $0x3D, v2;
	v7 =	vld.idx.msk [tilespmem:v52+s3+$0x0], $0xffff  }
0x21d: {  	v57 =	vor.u32 $0x3E, v2;
	v4 =	vld.idx.msk [tilespmem:v53+s3+$0x0], $0xffff  }
0x21e: {  	v58 =	vor.u32 $0x38, v1;
	v2 =	vor.u32 $0x3F, v2;
	v5 =	vld.idx.msk [tilespmem:v54+s3+$0x0], $0xffff  }
0x21f: {  	v59 =	vor.u32 $0x39, v1;
	v3 =	vld.idx.msk [tilespmem:v3+s3+$0x0], $0xffff  }
0x220: {  	v60 =	vor.u32 $0x3A, v1;
	v6 =	vld.idx.msk [tilespmem:v55+s3+$0x0], $0xffff  }
0x221: {  	v61 =	vor.u32 $0x3B, v1;
	v8 =	vld.idx.msk [tilespmem:v56+s3+$0x0], $0xffff  }
0x222: {  	v62 =	vor.u32 $0x3C, v1;
	v9 =	vld.idx.msk [tilespmem:v57+s3+$0x0], $0xffff  }
0x223: {  	v63 =	vor.u32 $0x3D, v1;
	v2 =	vld.idx.msk [tilespmem:v2+s3+$0x0], $0xffff;
	[tilespmem:v58+s15+$0x0] =	vst.idx.msk $0xffff, v7  }
0x224: {  	[tilespmem:v59+s15+$0x0] =	vst.idx.msk $0xffff, v3;
	v3 =	vor.u32 $0x3E, v1  }
0x225: {  	p0 =	sne.s32 s22, $0x1F0;
	v1 =	vor.u32 $0x3F, v1;
	[tilespmem:v60+s15+$0x0] =	vst.idx.msk $0xffff, v4  }
.Ltmp3:
0x226: {  	[tilespmem:v61+s15+$0x0] =	vst.idx.msk $0xffff, v5;
	(pc) =	sbr.rel @p0 .LBB2_9-.Ltmp3, $4  }
0x227: {  	[tilespmem:v62+s15+$0x0] =	vst.idx.msk $0xffff, v6  }
0x228: {  	[tilespmem:v63+s15+$0x0] =	vst.idx.msk $0xffff, v8  }
0x229: {  	[tilespmem:v3+s15+$0x0] =	vst.idx.msk $0xffff, v9  }
0x22a: {  	s23 =	sadd.s32 $0x10, s23;
	s22 =	sadd.s32 $0x10, s22;
	[tilespmem:v1+s15+$0x0] =	vst.idx.msk $0xffff, v2  }
0x22b: {  	s20 =	sadd.s32 $0x1, s20  }
0x22c: {  	p0 =	sne.s32 s20, $0x18  }
.Ltmp4:
0x22d: {  	_ = 	snop;
	(pc) =	sbr.rel @p0 .LBB2_6-.Ltmp4, $4  }
0x22e: {  	s21 =	sshll.u32 s21, $0x3  }
0x22f: {  	s21 =	sand.u32 $0x1FFFF000, s21  }
0x230: {  	s21 =	sadd.s32 s2, s21  }
0x231: {  	[hbm4b:s21+s3] =	stream.linear.scatter [tilespmem:s15], [sflag:$0x2], $0x8000, $0x38;
	[tilespmem:$0x13E00] =	vst v63  }
0x232: {  	s18 =	sadd.s32 $0x1, s18  }
0x233: {  	_ =	swait.ge [sflag:s16], $0x8000;
	p0 =	sne.s32 s18, s12  }
.Ltmp5:
0x234: {  	[sflag:s16] =	ssyncset.done $0x0;
	(pc) =	sbr.rel @p0 .LBB2_1-.Ltmp5, $4  }
0x235: {  	[sflag:s16] =	ssyncadd.s32 $0xFFFF8000  }
0x236: {  	_ =	swait.ge [sflag:s17], $0x8000  }
0x237: {  	[sflag:s17] =	ssyncset.done $0x0  }
0x238: {  	[sflag:s17] =	ssyncadd.s32 $0xFFFF8000  }
0x239: {  	_ =	sfence.sel $0x180000  }
0x23a: {  	[bflag:$0x0] =	sbarrier.arrive $0xFFFF  }
0x23b: {  	p0 =	sne.s32 s1, $0x0;
	_ =	strace $0x90000047  }
0x23c: {  	s0 =	sadd.s32 @!p0 $0x100000, s0;
	[bflag:$0x2] =	sbarrier.arrive $0xFFFF  }
0x23d: {  	[sflag:s0] =	ssyncadd.tile.s32 @!p0 $0x1;
	_ =	shalt  }
.Lfunc_end2:
_tile_overlayer_lowered:
.L_overlay_start_2:
0x23e: {  	(tag) =	ssettag $0x2  }
0x23f: {  	s0 =	rddreg [dreg:$0x0];
	s2 =	stileid.u32  }
0x240: {  	s1 =	rddreg [dreg:$0x1];
	p0 =	sne.s32 s2, $0x0  }
0x241: {  	s3 =	rddreg [dreg:$0x2];
	[bflag:$0x3] =	sbarrier.arrive $0xFFFF;
	s2 =	simm.s32 @!p0 $0x1C03  }
0x242: {  	[timem:s3], [sflag:s2] =	dma.local @!p0 [hbm:s0], s1  }
0x243: {  	s0 =	simm.s32 @!p0 $0x3  }
0x244: {  	_ =	swait.ge @!p0 [sflag:s0], s1  }
0x245: {  	s1 =	ssub.s32 @!p0 $0x0, s1;
	[sflag:s0] =	ssyncset.done @!p0 $0x0  }
0x246: {  	[sflag:s0] =	ssyncadd.s32 @!p0 s1  }
0x247: {  	[bflag:$0x3] =	sbarrier.arrive $0xFFFF  }
0x248: {  	_ =	shalt  }

// kernel: sparse-core-data-format-call.cloned.1.call-start
scs
called_computation_lowered:
.L_overlay_start_0:
0x0: {  	s2 =	sld [smem:$0x3FD9]  }
0x1: {  	s3 =	sld [smem:$0x3FFE];
	_ =	sdelay $0x1  }
0x2: {  	s1 =	srdreg.scid  }
0x3: {  	s0 =	sand.u32 $0x1, s1  }
0x4: {  	s18 =	sshll.u32 s0, $0xA;
	s2 =	sadd.s32 s3, s2  }
0x5: {  	s2 =	sadd.s32 s2, s18  }
0x6: {  	[smem:$0x3FC6] =	sst s2  }
0x7: {  	_ = 	snop  }
0x8: {  	s2 =	sld [smem:$0x3FD0];
	(tm) =	ssettm $0x1  }
0x9: {  	s19 =	sld [smem:$0x3FFB];
	_ =	sdelay $0x3  }
0xa: {  	_ =	strace s19  }
0xb: {  	s3 =	sld [smem:$0x3FFC];
	_ =	sdelay $0x3  }
0xc: {  	_ =	strace s3  }
0xd: {  	s3 =	sld [smem:$0x3FFD];
	_ =	sdelay $0x3  }
0xe: {  	_ =	strace s3  }
0xf: {  	_ =	strace $0x8FFFFFFF  }
0x10: {  	s20 =	sld [smem:$0x3FDB];
	_ =	sdelay $0x1  }
0x11: {  	s4 =	simm.s32 $_scs_section_size  }
0x12: {  	s5 =	simm.s32 $_size__tile_overlayer_lowered;
	s6 =	simm.s32 $_tile_overlayer_lowered  }
0x13: {  	s23 =	simm.s32 $0x1BFF;
	s22 =	sshll.u32 s6, $0x1;
	s3 =	sadd.s32 s4, s20  }
0x14: {  	s7 =	simm.s32 $0x0;
	s21 =	sshll.u32 s5, $0x1;
	s5 =	sadd.s32 s22, s3  }
0x15: {  	[timem:s7], [sflag:s23] =	dma.local [hbm:s5], s21  }
0x16: {  	_ =	swait.ge [sflag:s23], s21  }
0x17: {  	s4 =	ssub.s32 $0x0, s21;
	[sflag:s23] =	ssyncset.done $0x0  }
0x18: {  	[sflag:s23] =	ssyncadd.s32 s4;
	_ =	sdelay $0x1  }
0x19: {  	s24 =	simm.s32 $0x1B8B  }
0x1a: {  	_ =	swait.ge [sflag:s24], $0x1  }
0x1b: {  	[sflag:s24] =	ssyncset.done $0x0  }
0x1c: {  	s26 =	simm.s32 $0x1B8E;
	s25 =	sld [smem:$0x3FFE];
	[sflag:s24] =	ssyncadd.s32 $0xFFFFFFFF  }
0x1d: {  	s27 =	simm.s32 $execute0_lowered;
	[smem:$0x3FD2] =	sst s26  }
0x1e: {  	s5 =	sshll.u32 s27, $0x1;
	_ =	strace $0x80000049;
	[dreg:$0x1] =	wrdreg $0xFFFFFFFF  }
0x1f: {  	s28 =	simm.s32 $_size_execute0_lowered;
	s3 =	sadd.s32 s3, s5;
	[dreg:$0x0] =	wrdreg $0x0  }
0x20: {  	s5 =	sshll.u32 s28, $0x1;
	[dreg:$0x2] =	wrdreg s3  }
0x21: {  	[dreg:$0x3] =	wrdreg s5  }
0x22: {  	[dreg:$0x4] =	wrdreg $0xC0  }
0x23: {  	_ =	task [dreg:s7], $0x5FFFF  }
0x24: {  	[dreg:$0x1] =	wrdreg $0xFFFFFFFF  }
0x25: {  	[dreg:$0x0] =	wrdreg $0x60  }
0x26: {  	[dreg:$0x2] =	wrdreg s25  }
0x27: {  	[dreg:$0x3] =	wrdreg s2  }
0x28: {  	[dreg:$0x4] =	wrdreg $0x9  }
0x29: {  	_ =	task.clear_ibuf [dreg:s7], $0x5FFFF;
	_ =	strace $0x90000049  }
0x2a: {  	s29 =	simm.s32 $0x9;
	_ =	strace $0x8000004B  }
0x2b: {  	_ =	swait.ge [sflag:s29], $0x1  }
0x2c: {  	[sflag:s29] =	ssyncadd.s32 $0xFFFFFFFF  }
0x2d: {  	_ =	strace $0x9000004B  }
0x2e: {  	_ =	sfence  }
0x2f: {  	s30 =	sld [smem:$0x0];
	_ =	sdelay $0x2  }
0x30: {  	s31 =	sshll.u32 s1, $0xD;
	s1 =	sshrl.u32 s1, $0x2  }
0x31: {  	s3 =	sand.u32 $0x4000, s31;
	s1 =	sadd.s32 s1, s30  }
0x32: {  	s0 =	sor.u32 s3, s0;
	s1 =	sshll.u32 s1, $0x11  }
0x33: {  	s0 =	sor.u32 s1, s0  }
0x34: {  	s0 =	sadd.s32 $0x8F2B, s0  }
0x35: {  	[sflag:s0] =	ssyncadd.remote.s32 $0x1  }
0x36: {  	_ =	sfence.sel $0xFFFF  }
0x37: {  	[dreg:$0x0] =	wrdreg $0xFFFFFFFF;
	(pc) =	sbr.abs _section_cstart, $3  }
0x38: {  	[dreg:$0x1] =	wrdreg $0xFFFFFFFF  }
0x39: {  	_ =	task.clear_ibuf [dreg:s7], $0x2FFFF;
	_ =	strace $0x9FFFFFFF  }
0x3a: {  	(tm) =	ssettm $0x7FFFFFFF  }
0x3b: {  	_ =	shalt  }
tec
execute0_lowered:
.L_overlay_start_1:
0x0: {  	(tag) =	ssettag $0x1  }
0x1: {  	s0 =	srdreg.scid  }
0x2: {  	s1 =	sshll.u32 s0, $0x4  }
0x3: {  	s0 =	stileid.u32;
	s1 =	sand.u32 $0x10, s1  }
0x4: {  	s1 =	sor.u32 s0, s1  }
0x5: {  	s6 =	rddreg [dreg:$0x0];
	s4 =	simm.s32 $0x1;
	s2 =	sshll.u32 s1, $0x7  }
0x6: {  	s7 =	simm.s32 $0x2;
	s12 =	simm.s32 $0x0;
	s1 =	ssub.s32 $0x1000, s2  }
0x7: {  	s8 =	simm.s32 $0x8000;
	s13 =	simm.s32 $0x0;
	s3 =	sand.u32 $0xF80, s1  }
0x8: {  	s9 =	simm.s32 $0x0;
	s5 =	sshrl.u32 s1, $0xC;
	p0 =	sne.s32 s3, $0x0  }
.Ltmp0:
0x9: {  	s1 =	rddreg [dreg:$0x2];
	s4 =	simm.s32 @!p0 $0x0;
	(pc) =	sbr.rel .LBB1_1-.Ltmp0, $4  }
0xa: {  	s11 =	simm.s32 $0x0;
	s3 =	rddreg [dreg:$0x1];
	s5 =	sadd.s32 s4, s5  }
0xb: {  	_ =	strace $0x8000004A;
	s4 =	simm.s32 $0x1;
	s5 =	smul.u32 $0xC8, s5  }
0xc: {  	s6 =	sadd.s32 $0x800, s6;
	s10 =	smov.u32 s2;
	[sflag:s4] =	ssyncpa.u1 $0x0  }
0xd: {  	p0 =	por $0x0, $0x0;
	[sflag:s7] =	ssyncpa.u1 $0x0;
	s7 =	sor.u32 $0x1, s5  }
.LBB1_4:
0xe: {  	s16 =	sshll.u32 s13, $0x3;
	s17 =	sand.u32 $0x78, s13  }
0xf: {  	s30 =	sand.u32 $0x7E00, s13;
	s12 =	sshll.u32 s12, $0xF;
	s16 =	sand.u32 $0xC00, s16  }
0x10: {  	[tilespmem:s15+$0x810 ss:$0x81] =	vst.msk $0xffff, v2;
	s31 =	sand.u32 $0x7, s13;
	s16 =	sor.u32 s17, s16;
	s17 =	sadd.s32 s3, s30  }
0x11: {  	[tilespmem:s15+$0x1020 ss:$0x81] =	vst.msk $0xffff, v0;
	s13 =	sshll.u32 s31, $0x12;
	s12 =	sadd.s32 s12, s17;
	s16 =	sshrl.u32 s16, $0x3  }
0x12: {  	[tilespmem:s15+$0x0 ss:$0x81] =	vst.msk $0xffff, v1;
	s13 =	sor.u32 $0x400, s13;
	s12 =	sadd.s32 s16, s12  }
0x13: {  	[hbm4b:s12+s13] =	stream.strided.scatter [tilespmem:s14], [sflag:$0x2], $0x2000, s8, s13, $0x20;
	[tilespmem:$0x8080] =	vst v63  }
.LBB1_5:
0x14: {  	s14 =	sadd.s32 $0x1, s9  }
0x15: {  	s12 =	sadd.s32 $0x1000, s10;
	s16 =	smov.u32 s10;
	p2 =	sgt.s32 s14, $0xC7  }
0x16: {  	s16 =	smov.u32 @p2 s12  }
0x17: {  	s14 =	simm.s32 @p2 $0x0;
	p2 =	sgt.s32 s16, $0xFFF  }
0x18: {  	s16 =	smov.u32 @p2 s2;
	p2 =	sne.s32 s11, s7  }
.Ltmp1:
0x19: {  	p1 =	slt.u32 s11, $0x2;
	(pc) =	sbr.rel @!p2 .LBB1_6-.Ltmp1, $4  }
0x1a: {  	s15 =	simm.s32 @!p1 $0x2  }
0x1b: {  	s13 =	smov.u32 s10;
	p0 =	por !p0, !p0;
	_ =	swait.ge @!p1 [sflag:s15], $0x2000  }
0x1c: {  	s12 =	smov.u32 s9;
	[sflag:s15] =	ssyncset.done @!p1 $0x0;
	s9 =	smov.u32 s14  }
0x1d: {  	s11 =	sadd.s32 $0x1, s11;
	[sflag:s15] =	ssyncadd.s32 @!p1 $0xFFFFE000;
	s10 =	smov.u32 s16  }
.LBB1_1:
0x1e: {  	p1 =	sge.u32 s11, s5  }
0x1f: {  	s14 =	sand.u32 @!p1 $0x1FFFFFF, s9  }
0x20: {  	s15 =	smulhi.u32 @!p1 $0x147AE15, s14;
	_ =	sdelay $0x1  }
0x21: {  	s15 =	smul.u32 @!p1 $0xC8, s15  }
0x22: {  	s16 =	sxor.u32 @!p1 $0xFFFFFFFF, s11;
	s17 =	smul.u32 @!p1 $0xC80, s10  }
0x23: {  	s31 =	sadd.s32 $0xFFFFFFFF, s11;
	s16 =	sshll.u32 @!p1 s16, $0xD;
	s14 =	ssub.s32 @!p1 s14, s15  }
0x24: {  	s15 =	sand.u32 @!p1 $0x2000, s16;
	s16 =	sadd.s32 @!p1 s6, s17;
	s14 =	sshll.u32 @!p1 s14, $0x4  }
0x25: {  	s17 =	simm.s32 @!p1 $0x6400;
	s14 =	sadd.s32 @!p1 s14, s16;
	s16 =	simm.s32 @!p1 $0x40  }
0x26: {  	[tilespmem:s15], [sflag:$0x1] =	stream.strided.gather @!p1 [hbm4b:s14+s16], $0x2000, s17, s16, $0x38;
	[tilespmem:$0x8080] =	vst v63  }
0x27: {  	p1 =	sge.u32 s31, s5  }
.Ltmp2:
0x28: {  	_ = 	snop;
	(pc) =	sbr.rel @p1 .LBB1_5-.Ltmp2, $1  }
0x29: {  	_ =	sdelay $0x3  }
0x2a: {  	s14 =	simm.s32 $0x1  }
0x2b: {  	_ =	swait.ge [sflag:s4], $0x2000;
	s14 =	simm.s32 @!p0 $0x0  }
0x2c: {  	[sflag:s4] =	ssyncset.done $0x0;
	s15 =	sshll.u32 s14, $0xD  }
0x2d: {  	[sflag:s4] =	ssyncadd.s32 $0xFFFFE000;
	s18 =	sor.u32 $0x20, s15  }
0x2e: {  	s14 =	smul.u32 $0x8100, s14;
	v3 =	vld [tilespmem:s18+$0x10]  }
0x2f: {  	s30 =	sand.u32 $0x1, s11;
	v2 =	vld [tilespmem:s18+$0xFFFFFFF0]  }
0x30: {  	s15 =	smul.u32 $0x8100, s30;
	s14 =	sshrl.u32 s14, $0x2;
	v0 =	vld [tilespmem:s18+$0x0]  }
0x31: {  	v1 =	vld [tilespmem:s18+$0xFFFFFFE0];
	s16 =	sor.u32 $0x4000, s14  }
0x32: {  	s31 =	sshrl.u32 s15, $0x2;
	s15 =	sadd.s32 $0x0, s16  }
0x33: {  	s17 =	simm.s32 $0x4;
	s18 =	sadd.s32 $0x40, s18;
	s14 =	sor.u32 $0x4000, s31;
	[tilespmem:s15+$0x1830 ss:$0x81] =	vst.msk $0xffff, v3  }
.LBB1_3:
0x34: {  	v3 =	vld [tilespmem:s18+$0x10];
	p1 =	sne.s32 s17, $0x1FC;
	[tilespmem:s15+$0x810 ss:$0x81] =	vst.msk $0xffff, v2;
	s19 =	smov.u32 s17;
	s17 =	sadd.s32 $0x4, s17  }
.Ltmp3:
0x35: {  	v2 =	vld [tilespmem:s18+$0xFFFFFFF0];
	[tilespmem:s15+$0x1020 ss:$0x81] =	vst.msk $0xffff, v0;
	(pc) =	sbr.rel @p1 .LBB1_3-.Ltmp3, $4  }
0x36: {  	v0 =	vld [tilespmem:s18+$0x0];
	[tilespmem:s15+$0x0 ss:$0x81] =	vst.msk $0xffff, v1  }
0x37: {  	s15 =	sshra.s32 s19, $0x2;
	v1 =	vld [tilespmem:s18+$0xFFFFFFE0]  }
0x38: {  	s15 =	sadd.s32 s15, s16  }
0x39: {  	s18 =	sadd.s32 $0x40, s18;
	[tilespmem:s15+$0x1830 ss:$0x81] =	vst.msk $0xffff, v3  }
.Ltmp4:
0x3a: {  	_ = 	snop;
	(pc) =	sbr.rel .LBB1_4-.Ltmp4, $1  }
0x3b: {  	_ =	sdelay $0x3  }
.LBB1_6:
0x3c: {  	_ =	sfence.sel $0x180000  }
0x3d: {  	s2 =	simm.s32 $0x1;
	[bflag:$0x0] =	sbarrier.arrive $0xFFFF  }
0x3e: {  	s31 =	simm.s32 $0x2;
	[sflag:s2] =	ssyncpa.u1 $0x1  }
0x3f: {  	[sflag:s31] =	ssyncpa.u1 $0x1  }
0x40: {  	p0 =	sne.s32 s0, $0x0;
	_ =	strace $0x9000004A  }
0x41: {  	s0 =	sadd.s32 @!p0 $0x100000, s1;
	[bflag:$0x2] =	sbarrier.arrive $0xFFFF  }
0x42: {  	[sflag:s0] =	ssyncadd.tile.s32 @!p0 $0x1;
	_ =	shalt  }
.Lfunc_end1:
_tile_overlayer_lowered:
.L_overlay_start_2:
0x43: {  	(tag) =	ssettag $0x2  }
0x44: {  	s0 =	rddreg [dreg:$0x0];
	s2 =	stileid.u32  }
0x45: {  	s1 =	rddreg [dreg:$0x1];
	p0 =	sne.s32 s2, $0x0  }
0x46: {  	s3 =	rddreg [dreg:$0x2];
	[bflag:$0x3] =	sbarrier.arrive $0xFFFF;
	s2 =	simm.s32 @!p0 $0x1C01  }
0x47: {  	[timem:s3], [sflag:s2] =	dma.local @!p0 [hbm:s0], s1  }
0x48: {  	s0 =	simm.s32 @!p0 $0x1  }
0x49: {  	_ =	swait.ge @!p0 [sflag:s0], s1  }
0x4a: {  	s1 =	ssub.s32 @!p0 $0x0, s1;
	[sflag:s0] =	ssyncset.done @!p0 $0x0  }
0x4b: {  	[sflag:s0] =	ssyncadd.s32 @!p0 s1  }
0x4c: {  	[bflag:$0x3] =	sbarrier.arrive $0xFFFF  }
0x4d: {  	_ =	shalt  }

</sc_bundles>
